<compile_context>
chip_gen: v7x
topology: tpu7x:2x2x1
jax: 0.10.2.dev20260603
libtpu: 0.0.44.dev20260713+nightly
codegen_flags: <defaults>
</compile_context>

<pallas_src>
import functools

import jax
import jax.numpy as jnp
from jax import lax
from jax.experimental import pallas as pl
from jax.experimental.pallas import tpu as pltpu
from jax.experimental.pallas import tpu_sc as plsc

_LANES = 16
_CHUNK_ROWS = 16
_NBUF = 5
_PREFETCH = 3
_UNROLL = 4


def _make_sc_kernel(batch, seq_len, d_model):
    info = plsc.get_sparse_core_info()
    nc, ns = info.num_cores, info.num_subcores
    nw = nc * ns
    rows_per_w = seq_len // nw
    c = _CHUNK_ROWS
    vecs_per_row = d_model // _LANES
    nchunks = rows_per_w // c
    nslots = nchunks * batch
    nbuf = _NBUF
    mesh = plsc.VectorSubcoreMesh(core_axis_name="c", subcore_axis_name="s")

    buf = lambda: pltpu.VMEM((c, d_model), jnp.float32)
    sem = lambda: pltpu.SemaphoreType.DMA

    @functools.partial(
        pl.kernel,
        mesh=mesh,
        out_type=jax.ShapeDtypeStruct((batch, seq_len, d_model), jnp.float32),
        scratch_types=(
            [buf() for _ in range(nbuf)]
            + [buf(), buf()]
            + [sem() for _ in range(2 * nbuf + 2)]
        ),
    )
    def sc_add(x_hbm, pos_hbm, out_hbm, *scratch):
        xo_bufs = scratch[0:nbuf]
        p_bufs = scratch[nbuf:nbuf + 2]
        sems = scratch[nbuf + 2:]
        sx = sems[0:nbuf]
        so = sems[nbuf:2 * nbuf]
        sp = sems[2 * nbuf:]

        wid = lax.axis_index("s") * nc + lax.axis_index("c")
        s0 = wid * rows_per_w

        def x_cp(k):
            j, b, u = k // batch, k % batch, k % nbuf
            return pltpu.make_async_copy(
                x_hbm.at[b, pl.ds(s0 + j * c, c)], xo_bufs[u], sx[u])

        def o_cp(k):
            j, b, u = k // batch, k % batch, k % nbuf
            return pltpu.make_async_copy(
                xo_bufs[u], out_hbm.at[b, pl.ds(s0 + j * c, c)], so[u])

        def p_cp(j):
            return pltpu.make_async_copy(
                pos_hbm.at[pl.ds(s0 + j * c, c)], p_bufs[j % 2], sp[j % 2])

        p_cp(0).start()
        for k0 in range(_PREFETCH):
            x_cp(k0).start()

        for k in range(nslots):
            j, b = k // batch, k % batch
            if b == 0:
                p_cp(j).wait()
                if j + 1 < nchunks:
                    p_cp(j + 1).start()
            x_cp(k).wait()

            xo_v, p_v = xo_bufs[k % nbuf], p_bufs[j % 2]

            @plsc.parallel_loop(0, c * vecs_per_row, step=1, unroll=_UNROLL)
            def add_body(i):
                r = i // vecs_per_row
                col = lax.rem(i, vecs_per_row) * _LANES
                sl = pl.ds(col, _LANES)
                plsc.addupdate(xo_v.at[r, sl], p_v[r, sl])

            o_cp(k).start()

            if k + _PREFETCH < nslots:
                if k + _PREFETCH - nbuf >= 0:
                    o_cp(k + _PREFETCH - nbuf).wait()
                x_cp(k + _PREFETCH).start()

        for m in range(max(0, nslots - nbuf), nslots):
            o_cp(m).wait()

    return sc_add


def kernel(x, pos_weight):
    batch, seq_len, d_model = x.shape
    sc = _make_sc_kernel(batch, seq_len, d_model)
    return sc(x, pos_weight[:seq_len])

# --- scband reference (transcript-rebuilt; emitter-appended) ---
"""Pipeline reference for scband-learnable-positional-encoding-13340168421506 (READ-ONLY COPY).

The authoritative reference and input builder live on the scoring server;
editing this copy changes nothing except your own understanding.
"""

import jax, jax.numpy as jnp
import numpy as np

D_MODEL = 1024
MAX_LEN = 2048
BATCH = 4
SEQ_LEN = 2048

def setup_inputs(seed: int = 0) -> dict:
    key = jax.random.key(seed)
    k_x, k_w = jax.random.split(key)
    x = jax.random.normal(k_x, (BATCH, SEQ_LEN, D_MODEL), dtype=jnp.float32)
    # Xavier uniform init for embedding weight [max_len, d_model]
    limit = float(np.sqrt(6.0 / (MAX_LEN + D_MODEL)))
    pos_weight = jax.random.uniform(k_w, (MAX_LEN, D_MODEL), dtype=jnp.float32, minval=-limit, maxval=limit)
    return {"x": x, "pos_weight": pos_weight}

def reference(x, pos_weight):
    # forward: x + position_embedding(arange(seq_len))
    seq_len = x.shape[1]
    position_ids = jnp.arange(seq_len, dtype=jnp.int32)
    position_embedding = jnp.take(pos_weight, position_ids, axis=0)  # [seq_len, d_model]
    return x + position_embedding[None, :, :]

if __name__ == "__main__":
    import jax
    _d = setup_inputs()
    print(jax.jit(kernel)(*tuple(_d.values())))

</pallas_src>

<mosaic_0001>
#map = affine_map<(d0, d1) -> (0, 0, 0)>
#map1 = affine_map<(d0, d1) -> (0, 0)>
module attributes {stable_mosaic.version = 14 : i64} {
  func.func @sc_add(%arg0: i32, %arg1: i32, %arg2: memref<4x2048x1024xf32, #tpu.memory_space<hbm>>, %arg3: memref<2048x1024xf32, #tpu.memory_space<hbm>>, %arg4: memref<4x2048x1024xf32, #tpu.memory_space<hbm>>, %arg5: memref<16x1024xf32, #tpu.memory_space<vmem>>, %arg6: memref<16x1024xf32, #tpu.memory_space<vmem>>, %arg7: memref<16x1024xf32, #tpu.memory_space<vmem>>, %arg8: memref<16x1024xf32, #tpu.memory_space<vmem>>, %arg9: memref<16x1024xf32, #tpu.memory_space<vmem>>, %arg10: memref<16x1024xf32, #tpu.memory_space<vmem>>, %arg11: memref<16x1024xf32, #tpu.memory_space<vmem>>, %arg12: memref<!tpu.dma_semaphore, #tpu.memory_space<semaphore_mem>>, %arg13: memref<!tpu.dma_semaphore, #tpu.memory_space<semaphore_mem>>, %arg14: memref<!tpu.dma_semaphore, #tpu.memory_space<semaphore_mem>>, %arg15: memref<!tpu.dma_semaphore, #tpu.memory_space<semaphore_mem>>, %arg16: memref<!tpu.dma_semaphore, #tpu.memory_space<semaphore_mem>>, %arg17: memref<!tpu.dma_semaphore, #tpu.memory_space<semaphore_mem>>, %arg18: memref<!tpu.dma_semaphore, #tpu.memory_space<semaphore_mem>>, %arg19: memref<!tpu.dma_semaphore, #tpu.memory_space<semaphore_mem>>, %arg20: memref<!tpu.dma_semaphore, #tpu.memory_space<semaphore_mem>>, %arg21: memref<!tpu.dma_semaphore, #tpu.memory_space<semaphore_mem>>, %arg22: memref<!tpu.dma_semaphore, #tpu.memory_space<semaphore_mem>>, %arg23: memref<!tpu.dma_semaphore, #tpu.memory_space<semaphore_mem>>) attributes {dimension_semantics = [#tpu.dimension_semantics<core_parallel>, #tpu.dimension_semantics<subcore_parallel>], iteration_bounds = array<i64: 2, 16>, scalar_prefetch = 0 : i64, scratch_operands = 19 : i64, tpu.core_type = #tpu.core_type<sc_vector_subcore>, window_params = [{transform_indices = #map}, {transform_indices = #map1}, {transform_indices = #map}]} {
    %mul3A = arith.constant 2 : i32
    %mul3A_0 = arith.muli %arg1, %mul3A : i32
    %add3A = arith.addi %mul3A_0, %arg0 : i32
    %mul3A_1 = arith.constant 64 : i32
    %mul3A_2 = arith.muli %add3A, %mul3A_1 : i32
    %add3A_3 = arith.constant 0 : i32
    %add3A_4 = arith.addi %mul3A_2, %add3A_3 : i32
    %dma_start3A = arith.constant 0 : i32
    %dma_start3A_5 = tpu.memref_slice %arg3[%add3A_4, %dma_start3A] : memref<2048x1024xf32, #tpu.memory_space<hbm>> -> memref<16x1024xf32, #tpu.memory_space<hbm>>
    %dma_start3A_6 = arith.constant 0 : i32
    %dma_start3A_7 = tpu.memref_slice %arg3[%add3A_4, %dma_start3A_6] : memref<2048x1024xf32, #tpu.memory_space<hbm>> -> memref<16x1024xf32, #tpu.memory_space<hbm>>
    tpu.enqueue_dma source(%dma_start3A_7 : memref<16x1024xf32, #tpu.memory_space<hbm>>) target(%arg10 : memref<16x1024xf32, #tpu.memory_space<vmem>>) target_semaphore(%arg22 : memref<!tpu.dma_semaphore, #tpu.memory_space<semaphore_mem>>)
    %add3A_8 = arith.constant 0 : i32
    %add3A_9 = arith.addi %mul3A_2, %add3A_8 : i32
    %dma_start3A_10 = arith.constant 0 : i32
    %dma_start3A_11 = arith.constant 0 : i32
    %dma_start3A_12 = tpu.memref_slice %arg2[%dma_start3A_10, %add3A_9, %dma_start3A_11] : memref<4x2048x1024xf32, #tpu.memory_space<hbm>> -> memref<1x16x1024xf32, #tpu.memory_space<hbm>>
    %dma_start3A_13 = tpu.memref_squeeze %dma_start3A_12 : memref<1x16x1024xf32, #tpu.memory_space<hbm>> -> memref<16x1024xf32, #tpu.memory_space<hbm>>
    %dma_start3A_14 = arith.constant 0 : i32
    %dma_start3A_15 = tpu.memref_slice %arg2[%dma_start3A_10, %add3A_9, %dma_start3A_14] : memref<4x2048x1024xf32, #tpu.memory_space<hbm>> -> memref<1x16x1024xf32, #tpu.memory_space<hbm>>
    %dma_start3A_16 = tpu.memref_squeeze %dma_start3A_15 : memref<1x16x1024xf32, #tpu.memory_space<hbm>> -> memref<16x1024xf32, #tpu.memory_space<hbm>>
    tpu.enqueue_dma source(%dma_start3A_16 : memref<16x1024xf32, #tpu.memory_space<hbm>>) target(%arg5 : memref<16x1024xf32, #tpu.memory_space<vmem>>) target_semaphore(%arg12 : memref<!tpu.dma_semaphore, #tpu.memory_space<semaphore_mem>>)
    %add3A_17 = arith.constant 0 : i32
    %add3A_18 = arith.addi %mul3A_2, %add3A_17 : i32
    %dma_start3A_19 = arith.constant 1 : i32
    %dma_start3A_20 = arith.constant 0 : i32
    %dma_start3A_21 = tpu.memref_slice %arg2[%dma_start3A_19, %add3A_18, %dma_start3A_20] : memref<4x2048x1024xf32, #tpu.memory_space<hbm>> -> memref<1x16x1024xf32, #tpu.memory_space<hbm>>
    %dma_start3A_22 = tpu.memref_squeeze %dma_start3A_21 : memref<1x16x1024xf32, #tpu.memory_space<hbm>> -> memref<16x1024xf32, #tpu.memory_space<hbm>>
    %dma_start3A_23 = arith.constant 0 : i32
    %dma_start3A_24 = tpu.memref_slice %arg2[%dma_start3A_19, %add3A_18, %dma_start3A_23] : memref<4x2048x1024xf32, #tpu.memory_space<hbm>> -> memref<1x16x1024xf32, #tpu.memory_space<hbm>>
    %dma_start3A_25 = tpu.memref_squeeze %dma_start3A_24 : memref<1x16x1024xf32, #tpu.memory_space<hbm>> -> memref<16x1024xf32, #tpu.memory_space<hbm>>
    tpu.enqueue_dma source(%dma_start3A_25 : memref<16x1024xf32, #tpu.memory_space<hbm>>) target(%arg6 : memref<16x1024xf32, #tpu.memory_space<vmem>>) target_semaphore(%arg13 : memref<!tpu.dma_semaphore, #tpu.memory_space<semaphore_mem>>)
    %add3A_26 = arith.constant 0 : i32
    %add3A_27 = arith.addi %mul3A_2, %add3A_26 : i32
    %dma_start3A_28 = arith.constant 2 : i32
    %dma_start3A_29 = arith.constant 0 : i32
    %dma_start3A_30 = tpu.memref_slice %arg2[%dma_start3A_28, %add3A_27, %dma_start3A_29] : memref<4x2048x1024xf32, #tpu.memory_space<hbm>> -> memref<1x16x1024xf32, #tpu.memory_space<hbm>>
    %dma_start3A_31 = tpu.memref_squeeze %dma_start3A_30 : memref<1x16x1024xf32, #tpu.memory_space<hbm>> -> memref<16x1024xf32, #tpu.memory_space<hbm>>
    %dma_start3A_32 = arith.constant 0 : i32
    %dma_start3A_33 = tpu.memref_slice %arg2[%dma_start3A_28, %add3A_27, %dma_start3A_32] : memref<4x2048x1024xf32, #tpu.memory_space<hbm>> -> memref<1x16x1024xf32, #tpu.memory_space<hbm>>
    %dma_start3A_34 = tpu.memref_squeeze %dma_start3A_33 : memref<1x16x1024xf32, #tpu.memory_space<hbm>> -> memref<16x1024xf32, #tpu.memory_space<hbm>>
    tpu.enqueue_dma source(%dma_start3A_34 : memref<16x1024xf32, #tpu.memory_space<hbm>>) target(%arg7 : memref<16x1024xf32, #tpu.memory_space<vmem>>) target_semaphore(%arg14 : memref<!tpu.dma_semaphore, #tpu.memory_space<semaphore_mem>>)
    %add3A_35 = arith.constant 0 : i32
    %add3A_36 = arith.addi %mul3A_2, %add3A_35 : i32
    %dma_wait3A = arith.constant 0 : i32
    %dma_wait3A_37 = tpu.memref_slice %arg3[%add3A_36, %dma_wait3A] : memref<2048x1024xf32, #tpu.memory_space<hbm>> -> memref<16x1024xf32, #tpu.memory_space<hbm>>
    %dma_wait3A_38 = arith.constant 0 : i32
    %dma_wait3A_39 = tpu.memref_slice %arg3[%add3A_36, %dma_wait3A_38] : memref<2048x1024xf32, #tpu.memory_space<hbm>> -> memref<16x1024xf32, #tpu.memory_space<hbm>>
    tpu.wait_dma2 semaphore(%arg22 : memref<!tpu.dma_semaphore, #tpu.memory_space<semaphore_mem>>) src(%dma_wait3A_39 : memref<16x1024xf32, #tpu.memory_space<hbm>>) dst(%arg10 : memref<16x1024xf32, #tpu.memory_space<vmem>>)
    %add3A_40 = arith.constant 16 : i32
    %add3A_41 = arith.addi %mul3A_2, %add3A_40 : i32
    %dma_start3A_42 = arith.constant 0 : i32
    %dma_start3A_43 = tpu.memref_slice %arg3[%add3A_41, %dma_start3A_42] : memref<2048x1024xf32, #tpu.memory_space<hbm>> -> memref<16x1024xf32, #tpu.memory_space<hbm>>
    %dma_start3A_44 = arith.constant 0 : i32
    %dma_start3A_45 = tpu.memref_slice %arg3[%add3A_41, %dma_start3A_44] : memref<2048x1024xf32, #tpu.memory_space<hbm>> -> memref<16x1024xf32, #tpu.memory_space<hbm>>
    tpu.enqueue_dma source(%dma_start3A_45 : memref<16x1024xf32, #tpu.memory_space<hbm>>) target(%arg11 : memref<16x1024xf32, #tpu.memory_space<vmem>>) target_semaphore(%arg23 : memref<!tpu.dma_semaphore, #tpu.memory_space<semaphore_mem>>)
    %add3A_46 = arith.constant 0 : i32
    %add3A_47 = arith.addi %mul3A_2, %add3A_46 : i32
    %dma_wait3A_48 = arith.constant 0 : i32
    %dma_wait3A_49 = arith.constant 0 : i32
    %dma_wait3A_50 = tpu.memref_slice %arg2[%dma_wait3A_48, %add3A_47, %dma_wait3A_49] : memref<4x2048x1024xf32, #tpu.memory_space<hbm>> -> memref<1x16x1024xf32, #tpu.memory_space<hbm>>
    %dma_wait3A_51 = tpu.memref_squeeze %dma_wait3A_50 : memref<1x16x1024xf32, #tpu.memory_space<hbm>> -> memref<16x1024xf32, #tpu.memory_space<hbm>>
    %dma_wait3A_52 = arith.constant 0 : i32
    %dma_wait3A_53 = tpu.memref_slice %arg2[%dma_wait3A_48, %add3A_47, %dma_wait3A_52] : memref<4x2048x1024xf32, #tpu.memory_space<hbm>> -> memref<1x16x1024xf32, #tpu.memory_space<hbm>>
    %dma_wait3A_54 = tpu.memref_squeeze %dma_wait3A_53 : memref<1x16x1024xf32, #tpu.memory_space<hbm>> -> memref<16x1024xf32, #tpu.memory_space<hbm>>
    tpu.wait_dma2 semaphore(%arg12 : memref<!tpu.dma_semaphore, #tpu.memory_space<semaphore_mem>>) src(%dma_wait3A_54 : memref<16x1024xf32, #tpu.memory_space<hbm>>) dst(%arg5 : memref<16x1024xf32, #tpu.memory_space<vmem>>)
    %parallel_loop3A = arith.constant 0 : i32
    %parallel_loop3A_55 = arith.constant 1024 : i32
    %parallel_loop3A_56 = arith.constant 1 : i32
    scf.for %parallel_loop3A_672 = %parallel_loop3A to %parallel_loop3A_55 step %parallel_loop3A_56  : i32 {
      %parallel_loop3A_673 = arith.constant 64 : i32
      %parallel_loop3A_674 = arith.divsi %parallel_loop3A_672, %parallel_loop3A_673 : i32
      %parallel_loop3A_675 = arith.constant 0 : i32
      %parallel_loop3A_676 = arith.cmpi sgt, %parallel_loop3A_672, %parallel_loop3A_675 : i32
      %parallel_loop3A_677 = arith.extui %parallel_loop3A_676 : i1 to i32
      %parallel_loop3A_678 = arith.constant 0 : i32
      %parallel_loop3A_679 = arith.cmpi slt, %parallel_loop3A_672, %parallel_loop3A_678 : i32
      %parallel_loop3A_680 = arith.extui %parallel_loop3A_679 : i1 to i32
      %parallel_loop3A_681 = arith.subi %parallel_loop3A_677, %parallel_loop3A_680 : i32
      %parallel_loop3A_682 = arith.constant 0 : i32
      %parallel_loop3A_683 = arith.cmpi sgt, %parallel_loop3A_673, %parallel_loop3A_682 : i32
      %parallel_loop3A_684 = arith.extui %parallel_loop3A_683 : i1 to i32
      %parallel_loop3A_685 = arith.constant 0 : i32
      %parallel_loop3A_686 = arith.cmpi slt, %parallel_loop3A_673, %parallel_loop3A_685 : i32
      %parallel_loop3A_687 = arith.extui %parallel_loop3A_686 : i1 to i32
      %parallel_loop3A_688 = arith.subi %parallel_loop3A_684, %parallel_loop3A_687 : i32
      %parallel_loop3A_689 = arith.cmpi ne, %parallel_loop3A_681, %parallel_loop3A_688 : i32
      %parallel_loop3A_690 = arith.remsi %parallel_loop3A_672, %parallel_loop3A_673 : i32
      %parallel_loop3A_691 = arith.constant 0 : i32
      %parallel_loop3A_692 = arith.cmpi ne, %parallel_loop3A_690, %parallel_loop3A_691 : i32
      %parallel_loop3A_693 = arith.andi %parallel_loop3A_689, %parallel_loop3A_692 : i1
      %parallel_loop3A_694 = arith.constant 1 : i32
      %parallel_loop3A_695 = arith.subi %parallel_loop3A_674, %parallel_loop3A_694 : i32
      %parallel_loop3A_696 = arith.select %parallel_loop3A_693, %parallel_loop3A_695, %parallel_loop3A_674 : i32
      %parallel_loop3A_697 = arith.constant 64 : i32
      %parallel_loop3A_698 = arith.remsi %parallel_loop3A_672, %parallel_loop3A_697 : i32
      %parallel_loop3A_699 = arith.constant 16 : i32
      %parallel_loop3A_700 = arith.muli %parallel_loop3A_698, %parallel_loop3A_699 : i32
      %parallel_loop3A_701 = arith.index_cast %parallel_loop3A_696 : i32 to index
      %parallel_loop3A_702 = arith.index_cast %parallel_loop3A_700 : i32 to index
      %parallel_loop3A_703 = tpu.vector_load %arg10[%parallel_loop3A_701, %parallel_loop3A_702] {strides = array<i32>} : memref<16x1024xf32, #tpu.memory_space<vmem>>, vector<1x16xf32>,
      %parallel_loop3A_704 = vector.shape_cast %parallel_loop3A_703 : vector<1x16xf32> to vector<16xf32>
      %parallel_loop3A_705 = arith.index_cast %parallel_loop3A_696 : i32 to index
      %parallel_loop3A_706 = arith.index_cast %parallel_loop3A_700 : i32 to index
      %parallel_loop3A_707 = tpu.vector_load %arg5[%parallel_loop3A_705, %parallel_loop3A_706] {strides = array<i32>} : memref<16x1024xf32, #tpu.memory_space<vmem>>, vector<1x16xf32>,
      %parallel_loop3A_708 = vector.shape_cast %parallel_loop3A_707 : vector<1x16xf32> to vector<16xf32>
      %parallel_loop3A_709 = vector.shape_cast %parallel_loop3A_704 : vector<16xf32> to vector<1x16xf32>
      tpu.vector_store %arg5[%parallel_loop3A_705, %parallel_loop3A_706], %parallel_loop3A_709 {add = true, strides = array<i32>} : memref<16x1024xf32, #tpu.memory_space<vmem>>, vector<1x16xf32>,
    } {sc.loop_unroll_factor = 4 : i64, sc.parallel_access}
    %add3A_57 = arith.constant 0 : i32
    %add3A_58 = arith.addi %mul3A_2, %add3A_57 : i32
    %dma_start3A_59 = arith.constant 0 : i32
    %dma_start3A_60 = arith.constant 0 : i32
    %dma_start3A_61 = tpu.memref_slice %arg4[%dma_start3A_59, %add3A_58, %dma_start3A_60] : memref<4x2048x1024xf32, #tpu.memory_space<hbm>> -> memref<1x16x1024xf32, #tpu.memory_space<hbm>>
    %dma_start3A_62 = tpu.memref_squeeze %dma_start3A_61 : memref<1x16x1024xf32, #tpu.memory_space<hbm>> -> memref<16x1024xf32, #tpu.memory_space<hbm>>
    %dma_start3A_63 = arith.constant 0 : i32
    %dma_start3A_64 = tpu.memref_slice %arg4[%dma_start3A_59, %add3A_58, %dma_start3A_63] : memref<4x2048x1024xf32, #tpu.memory_space<hbm>> -> memref<1x16x1024xf32, #tpu.memory_space<hbm>>
    %dma_start3A_65 = tpu.memref_squeeze %dma_start3A_64 : memref<1x16x1024xf32, #tpu.memory_space<hbm>> -> memref<16x1024xf32, #tpu.memory_space<hbm>>
    tpu.enqueue_dma source(%arg5 : memref<16x1024xf32, #tpu.memory_space<vmem>>) target(%dma_start3A_65 : memref<16x1024xf32, #tpu.memory_space<hbm>>) target_semaphore(%arg17 : memref<!tpu.dma_semaphore, #tpu.memory_space<semaphore_mem>>)
    %add3A_66 = arith.constant 0 : i32
    %add3A_67 = arith.addi %mul3A_2, %add3A_66 : i32
    %dma_start3A_68 = arith.constant 3 : i32
    %dma_start3A_69 = arith.constant 0 : i32
    %dma_start3A_70 = tpu.memref_slice %arg2[%dma_start3A_68, %add3A_67, %dma_start3A_69] : memref<4x2048x1024xf32, #tpu.memory_space<hbm>> -> memref<1x16x1024xf32, #tpu.memory_space<hbm>>
    %dma_start3A_71 = tpu.memref_squeeze %dma_start3A_70 : memref<1x16x1024xf32, #tpu.memory_space<hbm>> -> memref<16x1024xf32, #tpu.memory_space<hbm>>
    %dma_start3A_72 = arith.constant 0 : i32
    %dma_start3A_73 = tpu.memref_slice %arg2[%dma_start3A_68, %add3A_67, %dma_start3A_72] : memref<4x2048x1024xf32, #tpu.memory_space<hbm>> -> memref<1x16x1024xf32, #tpu.memory_space<hbm>>
    %dma_start3A_74 = tpu.memref_squeeze %dma_start3A_73 : memref<1x16x1024xf32, #tpu.memory_space<hbm>> -> memref<16x1024xf32, #tpu.memory_space<hbm>>
    tpu.enqueue_dma source(%dma_start3A_74 : memref<16x1024xf32, #tpu.memory_space<hbm>>) target(%arg8 : memref<16x1024xf32, #tpu.memory_space<vmem>>) target_semaphore(%arg15 : memref<!tpu.dma_semaphore, #tpu.memory_space<semaphore_mem>>)
    %add3A_75 = arith.constant 0 : i32
    %add3A_76 = arith.addi %mul3A_2, %add3A_75 : i32
    %dma_wait3A_77 = arith.constant 1 : i32
    %dma_wait3A_78 = arith.constant 0 : i32
    %dma_wait3A_79 = tpu.memref_slice %arg2[%dma_wait3A_77, %add3A_76, %dma_wait3A_78] : memref<4x2048x1024xf32, #tpu.memory_space<hbm>> -> memref<1x16x1024xf32, #tpu.memory_space<hbm>>
    %dma_wait3A_80 = tpu.memref_squeeze %dma_wait3A_79 : memref<1x16x1024xf32, #tpu.memory_space<hbm>> -> memref<16x1024xf32, #tpu.memory_space<hbm>>
    %dma_wait3A_81 = arith.constant 0 : i32
    %dma_wait3A_82 = tpu.memref_slice %arg2[%dma_wait3A_77, %add3A_76, %dma_wait3A_81] : memref<4x2048x1024xf32, #tpu.memory_space<hbm>> -> memref<1x16x1024xf32, #tpu.memory_space<hbm>>
    %dma_wait3A_83 = tpu.memref_squeeze %dma_wait3A_82 : memref<1x16x1024xf32, #tpu.memory_space<hbm>> -> memref<16x1024xf32, #tpu.memory_space<hbm>>
    tpu.wait_dma2 semaphore(%arg13 : memref<!tpu.dma_semaphore, #tpu.memory_space<semaphore_mem>>) src(%dma_wait3A_83 : memref<16x1024xf32, #tpu.memory_space<hbm>>) dst(%arg6 : memref<16x1024xf32, #tpu.memory_space<vmem>>)
    %parallel_loop3A_84 = arith.constant 0 : i32
    %parallel_loop3A_85 = arith.constant 1024 : i32
    %parallel_loop3A_86 = arith.constant 1 : i32
    scf.for %parallel_loop3A_672 = %parallel_loop3A_84 to %parallel_loop3A_85 step %parallel_loop3A_86  : i32 {
      %parallel_loop3A_673 = arith.constant 64 : i32
      %parallel_loop3A_674 = arith.divsi %parallel_loop3A_672, %parallel_loop3A_673 : i32
      %parallel_loop3A_675 = arith.constant 0 : i32
      %parallel_loop3A_676 = arith.cmpi sgt, %parallel_loop3A_672, %parallel_loop3A_675 : i32
      %parallel_loop3A_677 = arith.extui %parallel_loop3A_676 : i1 to i32
      %parallel_loop3A_678 = arith.constant 0 : i32
      %parallel_loop3A_679 = arith.cmpi slt, %parallel_loop3A_672, %parallel_loop3A_678 : i32
      %parallel_loop3A_680 = arith.extui %parallel_loop3A_679 : i1 to i32
      %parallel_loop3A_681 = arith.subi %parallel_loop3A_677, %parallel_loop3A_680 : i32
      %parallel_loop3A_682 = arith.constant 0 : i32
      %parallel_loop3A_683 = arith.cmpi sgt, %parallel_loop3A_673, %parallel_loop3A_682 : i32
      %parallel_loop3A_684 = arith.extui %parallel_loop3A_683 : i1 to i32
      %parallel_loop3A_685 = arith.constant 0 : i32
      %parallel_loop3A_686 = arith.cmpi slt, %parallel_loop3A_673, %parallel_loop3A_685 : i32
      %parallel_loop3A_687 = arith.extui %parallel_loop3A_686 : i1 to i32
      %parallel_loop3A_688 = arith.subi %parallel_loop3A_684, %parallel_loop3A_687 : i32
      %parallel_loop3A_689 = arith.cmpi ne, %parallel_loop3A_681, %parallel_loop3A_688 : i32
      %parallel_loop3A_690 = arith.remsi %parallel_loop3A_672, %parallel_loop3A_673 : i32
      %parallel_loop3A_691 = arith.constant 0 : i32
      %parallel_loop3A_692 = arith.cmpi ne, %parallel_loop3A_690, %parallel_loop3A_691 : i32
      %parallel_loop3A_693 = arith.andi %parallel_loop3A_689, %parallel_loop3A_692 : i1
      %parallel_loop3A_694 = arith.constant 1 : i32
      %parallel_loop3A_695 = arith.subi %parallel_loop3A_674, %parallel_loop3A_694 : i32
      %parallel_loop3A_696 = arith.select %parallel_loop3A_693, %parallel_loop3A_695, %parallel_loop3A_674 : i32
      %parallel_loop3A_697 = arith.constant 64 : i32
      %parallel_loop3A_698 = arith.remsi %parallel_loop3A_672, %parallel_loop3A_697 : i32
      %parallel_loop3A_699 = arith.constant 16 : i32
      %parallel_loop3A_700 = arith.muli %parallel_loop3A_698, %parallel_loop3A_699 : i32
      %parallel_loop3A_701 = arith.index_cast %parallel_loop3A_696 : i32 to index
      %parallel_loop3A_702 = arith.index_cast %parallel_loop3A_700 : i32 to index
      %parallel_loop3A_703 = tpu.vector_load %arg10[%parallel_loop3A_701, %parallel_loop3A_702] {strides = array<i32>} : memref<16x1024xf32, #tpu.memory_space<vmem>>, vector<1x16xf32>,
      %parallel_loop3A_704 = vector.shape_cast %parallel_loop3A_703 : vector<1x16xf32> to vector<16xf32>
      %parallel_loop3A_705 = arith.index_cast %parallel_loop3A_696 : i32 to index
      %parallel_loop3A_706 = arith.index_cast %parallel_loop3A_700 : i32 to index
      %parallel_loop3A_707 = tpu.vector_load %arg6[%parallel_loop3A_705, %parallel_loop3A_706] {strides = array<i32>} : memref<16x1024xf32, #tpu.memory_space<vmem>>, vector<1x16xf32>,
      %parallel_loop3A_708 = vector.shape_cast %parallel_loop3A_707 : vector<1x16xf32> to vector<16xf32>
      %parallel_loop3A_709 = vector.shape_cast %parallel_loop3A_704 : vector<16xf32> to vector<1x16xf32>
      tpu.vector_store %arg6[%parallel_loop3A_705, %parallel_loop3A_706], %parallel_loop3A_709 {add = true, strides = array<i32>} : memref<16x1024xf32, #tpu.memory_space<vmem>>, vector<1x16xf32>,
    } {sc.loop_unroll_factor = 4 : i64, sc.parallel_access}
    %add3A_87 = arith.constant 0 : i32
    %add3A_88 = arith.addi %mul3A_2, %add3A_87 : i32
    %dma_start3A_89 = arith.constant 1 : i32
    %dma_start3A_90 = arith.constant 0 : i32
    %dma_start3A_91 = tpu.memref_slice %arg4[%dma_start3A_89, %add3A_88, %dma_start3A_90] : memref<4x2048x1024xf32, #tpu.memory_space<hbm>> -> memref<1x16x1024xf32, #tpu.memory_space<hbm>>
    %dma_start3A_92 = tpu.memref_squeeze %dma_start3A_91 : memref<1x16x1024xf32, #tpu.memory_space<hbm>> -> memref<16x1024xf32, #tpu.memory_space<hbm>>
    %dma_start3A_93 = arith.constant 0 : i32
    %dma_start3A_94 = tpu.memref_slice %arg4[%dma_start3A_89, %add3A_88, %dma_start3A_93] : memref<4x2048x1024xf32, #tpu.memory_space<hbm>> -> memref<1x16x1024xf32, #tpu.memory_space<hbm>>
    %dma_start3A_95 = tpu.memref_squeeze %dma_start3A_94 : memref<1x16x1024xf32, #tpu.memory_space<hbm>> -> memref<16x1024xf32, #tpu.memory_space<hbm>>
    tpu.enqueue_dma source(%arg6 : memref<16x1024xf32, #tpu.memory_space<vmem>>) target(%dma_start3A_95 : memref<16x1024xf32, #tpu.memory_space<hbm>>) target_semaphore(%arg18 : memref<!tpu.dma_semaphore, #tpu.memory_space<semaphore_mem>>)
    %add3A_96 = arith.constant 16 : i32
    %add3A_97 = arith.addi %mul3A_2, %add3A_96 : i32
    %dma_start3A_98 = arith.constant 0 : i32
    %dma_start3A_99 = arith.constant 0 : i32
    %dma_start3A_100 = tpu.memref_slice %arg2[%dma_start3A_98, %add3A_97, %dma_start3A_99] : memref<4x2048x1024xf32, #tpu.memory_space<hbm>> -> memref<1x16x1024xf32, #tpu.memory_space<hbm>>
    %dma_start3A_101 = tpu.memref_squeeze %dma_start3A_100 : memref<1x16x1024xf32, #tpu.memory_space<hbm>> -> memref<16x1024xf32, #tpu.memory_space<hbm>>
    %dma_start3A_102 = arith.constant 0 : i32
    %dma_start3A_103 = tpu.memref_slice %arg2[%dma_start3A_98, %add3A_97, %dma_start3A_102] : memref<4x2048x1024xf32, #tpu.memory_space<hbm>> -> memref<1x16x1024xf32, #tpu.memory_space<hbm>>
    %dma_start3A_104 = tpu.memref_squeeze %dma_start3A_103 : memref<1x16x1024xf32, #tpu.memory_space<hbm>> -> memref<16x1024xf32, #tpu.memory_space<hbm>>
    tpu.enqueue_dma source(%dma_start3A_104 : memref<16x1024xf32, #tpu.memory_space<hbm>>) target(%arg9 : memref<16x1024xf32, #tpu.memory_space<vmem>>) target_semaphore(%arg16 : memref<!tpu.dma_semaphore, #tpu.memory_space<semaphore_mem>>)
    %add3A_105 = arith.constant 0 : i32
    %add3A_106 = arith.addi %mul3A_2, %add3A_105 : i32
    %dma_wait3A_107 = arith.constant 2 : i32
    %dma_wait3A_108 = arith.constant 0 : i32
    %dma_wait3A_109 = tpu.memref_slice %arg2[%dma_wait3A_107, %add3A_106, %dma_wait3A_108] : memref<4x2048x1024xf32, #tpu.memory_space<hbm>> -> memref<1x16x1024xf32, #tpu.memory_space<hbm>>
    %dma_wait3A_110 = tpu.memref_squeeze %dma_wait3A_109 : memref<1x16x1024xf32, #tpu.memory_space<hbm>> -> memref<16x1024xf32, #tpu.memory_space<hbm>>
    %dma_wait3A_111 = arith.constant 0 : i32
    %dma_wait3A_112 = tpu.memref_slice %arg2[%dma_wait3A_107, %add3A_106, %dma_wait3A_111] : memref<4x2048x1024xf32, #tpu.memory_space<hbm>> -> memref<1x16x1024xf32, #tpu.memory_space<hbm>>
    %dma_wait3A_113 = tpu.memref_squeeze %dma_wait3A_112 : memref<1x16x1024xf32, #tpu.memory_space<hbm>> -> memref<16x1024xf32, #tpu.memory_space<hbm>>
    tpu.wait_dma2 semaphore(%arg14 : memref<!tpu.dma_semaphore, #tpu.memory_space<semaphore_mem>>) src(%dma_wait3A_113 : memref<16x1024xf32, #tpu.memory_space<hbm>>) dst(%arg7 : memref<16x1024xf32, #tpu.memory_space<vmem>>)
    %parallel_loop3A_114 = arith.constant 0 : i32
    %parallel_loop3A_115 = arith.constant 1024 : i32
    %parallel_loop3A_116 = arith.constant 1 : i32
    scf.for %parallel_loop3A_672 = %parallel_loop3A_114 to %parallel_loop3A_115 step %parallel_loop3A_116  : i32 {
      %parallel_loop3A_673 = arith.constant 64 : i32
      %parallel_loop3A_674 = arith.divsi %parallel_loop3A_672, %parallel_loop3A_673 : i32
      %parallel_loop3A_675 = arith.constant 0 : i32
      %parallel_loop3A_676 = arith.cmpi sgt, %parallel_loop3A_672, %parallel_loop3A_675 : i32
      %parallel_loop3A_677 = arith.extui %parallel_loop3A_676 : i1 to i32
      %parallel_loop3A_678 = arith.constant 0 : i32
      %parallel_loop3A_679 = arith.cmpi slt, %parallel_loop3A_672, %parallel_loop3A_678 : i32
      %parallel_loop3A_680 = arith.extui %parallel_loop3A_679 : i1 to i32
      %parallel_loop3A_681 = arith.subi %parallel_loop3A_677, %parallel_loop3A_680 : i32
      %parallel_loop3A_682 = arith.constant 0 : i32
      %parallel_loop3A_683 = arith.cmpi sgt, %parallel_loop3A_673, %parallel_loop3A_682 : i32
      %parallel_loop3A_684 = arith.extui %parallel_loop3A_683 : i1 to i32
      %parallel_loop3A_685 = arith.constant 0 : i32
      %parallel_loop3A_686 = arith.cmpi slt, %parallel_loop3A_673, %parallel_loop3A_685 : i32
      %parallel_loop3A_687 = arith.extui %parallel_loop3A_686 : i1 to i32
      %parallel_loop3A_688 = arith.subi %parallel_loop3A_684, %parallel_loop3A_687 : i32
      %parallel_loop3A_689 = arith.cmpi ne, %parallel_loop3A_681, %parallel_loop3A_688 : i32
      %parallel_loop3A_690 = arith.remsi %parallel_loop3A_672, %parallel_loop3A_673 : i32
      %parallel_loop3A_691 = arith.constant 0 : i32
      %parallel_loop3A_692 = arith.cmpi ne, %parallel_loop3A_690, %parallel_loop3A_691 : i32
      %parallel_loop3A_693 = arith.andi %parallel_loop3A_689, %parallel_loop3A_692 : i1
      %parallel_loop3A_694 = arith.constant 1 : i32
      %parallel_loop3A_695 = arith.subi %parallel_loop3A_674, %parallel_loop3A_694 : i32
      %parallel_loop3A_696 = arith.select %parallel_loop3A_693, %parallel_loop3A_695, %parallel_loop3A_674 : i32
      %parallel_loop3A_697 = arith.constant 64 : i32
      %parallel_loop3A_698 = arith.remsi %parallel_loop3A_672, %parallel_loop3A_697 : i32
      %parallel_loop3A_699 = arith.constant 16 : i32
      %parallel_loop3A_700 = arith.muli %parallel_loop3A_698, %parallel_loop3A_699 : i32
      %parallel_loop3A_701 = arith.index_cast %parallel_loop3A_696 : i32 to index
      %parallel_loop3A_702 = arith.index_cast %parallel_loop3A_700 : i32 to index
      %parallel_loop3A_703 = tpu.vector_load %arg10[%parallel_loop3A_701, %parallel_loop3A_702] {strides = array<i32>} : memref<16x1024xf32, #tpu.memory_space<vmem>>, vector<1x16xf32>,
      %parallel_loop3A_704 = vector.shape_cast %parallel_loop3A_703 : vector<1x16xf32> to vector<16xf32>
      %parallel_loop3A_705 = arith.index_cast %parallel_loop3A_696 : i32 to index
      %parallel_loop3A_706 = arith.index_cast %parallel_loop3A_700 : i32 to index
      %parallel_loop3A_707 = tpu.vector_load %arg7[%parallel_loop3A_705, %parallel_loop3A_706] {strides = array<i32>} : memref<16x1024xf32, #tpu.memory_space<vmem>>, vector<1x16xf32>,
      %parallel_loop3A_708 = vector.shape_cast %parallel_loop3A_707 : vector<1x16xf32> to vector<16xf32>
      %parallel_loop3A_709 = vector.shape_cast %parallel_loop3A_704 : vector<16xf32> to vector<1x16xf32>
      tpu.vector_store %arg7[%parallel_loop3A_705, %parallel_loop3A_706], %parallel_loop3A_709 {add = true, strides = array<i32>} : memref<16x1024xf32, #tpu.memory_space<vmem>>, vector<1x16xf32>,
    } {sc.loop_unroll_factor = 4 : i64, sc.parallel_access}
    %add3A_117 = arith.constant 0 : i32
    %add3A_118 = arith.addi %mul3A_2, %add3A_117 : i32
    %dma_start3A_119 = arith.constant 2 : i32
    %dma_start3A_120 = arith.constant 0 : i32
    %dma_start3A_121 = tpu.memref_slice %arg4[%dma_start3A_119, %add3A_118, %dma_start3A_120] : memref<4x2048x1024xf32, #tpu.memory_space<hbm>> -> memref<1x16x1024xf32, #tpu.memory_space<hbm>>
    %dma_start3A_122 = tpu.memref_squeeze %dma_start3A_121 : memref<1x16x1024xf32, #tpu.memory_space<hbm>> -> memref<16x1024xf32, #tpu.memory_space<hbm>>
    %dma_start3A_123 = arith.constant 0 : i32
    %dma_start3A_124 = tpu.memref_slice %arg4[%dma_start3A_119, %add3A_118, %dma_start3A_123] : memref<4x2048x1024xf32, #tpu.memory_space<hbm>> -> memref<1x16x1024xf32, #tpu.memory_space<hbm>>
    %dma_start3A_125 = tpu.memref_squeeze %dma_start3A_124 : memref<1x16x1024xf32, #tpu.memory_space<hbm>> -> memref<16x1024xf32, #tpu.memory_space<hbm>>
    tpu.enqueue_dma source(%arg7 : memref<16x1024xf32, #tpu.memory_space<vmem>>) target(%dma_start3A_125 : memref<16x1024xf32, #tpu.memory_space<hbm>>) target_semaphore(%arg19 : memref<!tpu.dma_semaphore, #tpu.memory_space<semaphore_mem>>)
    %add3A_126 = arith.constant 0 : i32
    %add3A_127 = arith.addi %mul3A_2, %add3A_126 : i32
    %dma_wait3A_128 = arith.constant 0 : i32
    %dma_wait3A_129 = arith.constant 0 : i32
    %dma_wait3A_130 = tpu.memref_slice %arg4[%dma_wait3A_128, %add3A_127, %dma_wait3A_129] : memref<4x2048x1024xf32, #tpu.memory_space<hbm>> -> memref<1x16x1024xf32, #tpu.memory_space<hbm>>
    %dma_wait3A_131 = tpu.memref_squeeze %dma_wait3A_130 : memref<1x16x1024xf32, #tpu.memory_space<hbm>> -> memref<16x1024xf32, #tpu.memory_space<hbm>>
    %dma_wait3A_132 = arith.constant 0 : i32
    %dma_wait3A_133 = tpu.memref_slice %arg4[%dma_wait3A_128, %add3A_127, %dma_wait3A_132] : memref<4x2048x1024xf32, #tpu.memory_space<hbm>> -> memref<1x16x1024xf32, #tpu.memory_space<hbm>>
    %dma_wait3A_134 = tpu.memref_squeeze %dma_wait3A_133 : memref<1x16x1024xf32, #tpu.memory_space<hbm>> -> memref<16x1024xf32, #tpu.memory_space<hbm>>
    tpu.wait_dma2 semaphore(%arg17 : memref<!tpu.dma_semaphore, #tpu.memory_space<semaphore_mem>>) src(%arg5 : memref<16x1024xf32, #tpu.memory_space<vmem>>) dst(%dma_wait3A_134 : memref<16x1024xf32, #tpu.memory_space<hbm>>)
    %add3A_135 = arith.constant 16 : i32
    %add3A_136 = arith.addi %mul3A_2, %add3A_135 : i32
    %dma_start3A_137 = arith.constant 1 : i32
    %dma_start3A_138 = arith.constant 0 : i32
    %dma_start3A_139 = tpu.memref_slice %arg2[%dma_start3A_137, %add3A_136, %dma_start3A_138] : memref<4x2048x1024xf32, #tpu.memory_space<hbm>> -> memref<1x16x1024xf32, #tpu.memory_space<hbm>>
    %dma_start3A_140 = tpu.memref_squeeze %dma_start3A_139 : memref<1x16x1024xf32, #tpu.memory_space<hbm>> -> memref<16x1024xf32, #tpu.memory_space<hbm>>
    %dma_start3A_141 = arith.constant 0 : i32
    %dma_start3A_142 = tpu.memref_slice %arg2[%dma_start3A_137, %add3A_136, %dma_start3A_141] : memref<4x2048x1024xf32, #tpu.memory_space<hbm>> -> memref<1x16x1024xf32, #tpu.memory_space<hbm>>
    %dma_start3A_143 = tpu.memref_squeeze %dma_start3A_142 : memref<1x16x1024xf32, #tpu.memory_space<hbm>> -> memref<16x1024xf32, #tpu.memory_space<hbm>>
    tpu.enqueue_dma source(%dma_start3A_143 : memref<16x1024xf32, #tpu.memory_space<hbm>>) target(%arg5 : memref<16x1024xf32, #tpu.memory_space<vmem>>) target_semaphore(%arg12 : memref<!tpu.dma_semaphore, #tpu.memory_space<semaphore_mem>>)
    %add3A_144 = arith.constant 0 : i32
    %add3A_145 = arith.addi %mul3A_2, %add3A_144 : i32
    %dma_wait3A_146 = arith.constant 3 : i32
    %dma_wait3A_147 = arith.constant 0 : i32
    %dma_wait3A_148 = tpu.memref_slice %arg2[%dma_wait3A_146, %add3A_145, %dma_wait3A_147] : memref<4x2048x1024xf32, #tpu.memory_space<hbm>> -> memref<1x16x1024xf32, #tpu.memory_space<hbm>>
    %dma_wait3A_149 = tpu.memref_squeeze %dma_wait3A_148 : memref<1x16x1024xf32, #tpu.memory_space<hbm>> -> memref<16x1024xf32, #tpu.memory_space<hbm>>
    %dma_wait3A_150 = arith.constant 0 : i32
    %dma_wait3A_151 = tpu.memref_slice %arg2[%dma_wait3A_146, %add3A_145, %dma_wait3A_150] : memref<4x2048x1024xf32, #tpu.memory_space<hbm>> -> memref<1x16x1024xf32, #tpu.memory_space<hbm>>
    %dma_wait3A_152 = tpu.memref_squeeze %dma_wait3A_151 : memref<1x16x1024xf32, #tpu.memory_space<hbm>> -> memref<16x1024xf32, #tpu.memory_space<hbm>>
    tpu.wait_dma2 semaphore(%arg15 : memref<!tpu.dma_semaphore, #tpu.memory_space<semaphore_mem>>) src(%dma_wait3A_152 : memref<16x1024xf32, #tpu.memory_space<hbm>>) dst(%arg8 : memref<16x1024xf32, #tpu.memory_space<vmem>>)
    %parallel_loop3A_153 = arith.constant 0 : i32
    %parallel_loop3A_154 = arith.constant 1024 : i32
    %parallel_loop3A_155 = arith.constant 1 : i32
    scf.for %parallel_loop3A_672 = %parallel_loop3A_153 to %parallel_loop3A_154 step %parallel_loop3A_155  : i32 {
      %parallel_loop3A_673 = arith.constant 64 : i32
      %parallel_loop3A_674 = arith.divsi %parallel_loop3A_672, %parallel_loop3A_673 : i32
      %parallel_loop3A_675 = arith.constant 0 : i32
      %parallel_loop3A_676 = arith.cmpi sgt, %parallel_loop3A_672, %parallel_loop3A_675 : i32
      %parallel_loop3A_677 = arith.extui %parallel_loop3A_676 : i1 to i32
      %parallel_loop3A_678 = arith.constant 0 : i32
      %parallel_loop3A_679 = arith.cmpi slt, %parallel_loop3A_672, %parallel_loop3A_678 : i32
      %parallel_loop3A_680 = arith.extui %parallel_loop3A_679 : i1 to i32
      %parallel_loop3A_681 = arith.subi %parallel_loop3A_677, %parallel_loop3A_680 : i32
      %parallel_loop3A_682 = arith.constant 0 : i32
      %parallel_loop3A_683 = arith.cmpi sgt, %parallel_loop3A_673, %parallel_loop3A_682 : i32
      %parallel_loop3A_684 = arith.extui %parallel_loop3A_683 : i1 to i32
      %parallel_loop3A_685 = arith.constant 0 : i32
      %parallel_loop3A_686 = arith.cmpi slt, %parallel_loop3A_673, %parallel_loop3A_685 : i32
      %parallel_loop3A_687 = arith.extui %parallel_loop3A_686 : i1 to i32
      %parallel_loop3A_688 = arith.subi %parallel_loop3A_684, %parallel_loop3A_687 : i32
      %parallel_loop3A_689 = arith.cmpi ne, %parallel_loop3A_681, %parallel_loop3A_688 : i32
      %parallel_loop3A_690 = arith.remsi %parallel_loop3A_672, %parallel_loop3A_673 : i32
      %parallel_loop3A_691 = arith.constant 0 : i32
      %parallel_loop3A_692 = arith.cmpi ne, %parallel_loop3A_690, %parallel_loop3A_691 : i32
      %parallel_loop3A_693 = arith.andi %parallel_loop3A_689, %parallel_loop3A_692 : i1
      %parallel_loop3A_694 = arith.constant 1 : i32
      %parallel_loop3A_695 = arith.subi %parallel_loop3A_674, %parallel_loop3A_694 : i32
      %parallel_loop3A_696 = arith.select %parallel_loop3A_693, %parallel_loop3A_695, %parallel_loop3A_674 : i32
      %parallel_loop3A_697 = arith.constant 64 : i32
      %parallel_loop3A_698 = arith.remsi %parallel_loop3A_672, %parallel_loop3A_697 : i32
      %parallel_loop3A_699 = arith.constant 16 : i32
      %parallel_loop3A_700 = arith.muli %parallel_loop3A_698, %parallel_loop3A_699 : i32
      %parallel_loop3A_701 = arith.index_cast %parallel_loop3A_696 : i32 to index
      %parallel_loop3A_702 = arith.index_cast %parallel_loop3A_700 : i32 to index
      %parallel_loop3A_703 = tpu.vector_load %arg10[%parallel_loop3A_701, %parallel_loop3A_702] {strides = array<i32>} : memref<16x1024xf32, #tpu.memory_space<vmem>>, vector<1x16xf32>,
      %parallel_loop3A_704 = vector.shape_cast %parallel_loop3A_703 : vector<1x16xf32> to vector<16xf32>
      %parallel_loop3A_705 = arith.index_cast %parallel_loop3A_696 : i32 to index
      %parallel_loop3A_706 = arith.index_cast %parallel_loop3A_700 : i32 to index
      %parallel_loop3A_707 = tpu.vector_load %arg8[%parallel_loop3A_705, %parallel_loop3A_706] {strides = array<i32>} : memref<16x1024xf32, #tpu.memory_space<vmem>>, vector<1x16xf32>,
      %parallel_loop3A_708 = vector.shape_cast %parallel_loop3A_707 : vector<1x16xf32> to vector<16xf32>
      %parallel_loop3A_709 = vector.shape_cast %parallel_loop3A_704 : vector<16xf32> to vector<1x16xf32>
      tpu.vector_store %arg8[%parallel_loop3A_705, %parallel_loop3A_706], %parallel_loop3A_709 {add = true, strides = array<i32>} : memref<16x1024xf32, #tpu.memory_space<vmem>>, vector<1x16xf32>,
    } {sc.loop_unroll_factor = 4 : i64, sc.parallel_access}
    %add3A_156 = arith.constant 0 : i32
    %add3A_157 = arith.addi %mul3A_2, %add3A_156 : i32
    %dma_start3A_158 = arith.constant 3 : i32
    %dma_start3A_159 = arith.constant 0 : i32
    %dma_start3A_160 = tpu.memref_slice %arg4[%dma_start3A_158, %add3A_157, %dma_start3A_159] : memref<4x2048x1024xf32, #tpu.memory_space<hbm>> -> memref<1x16x1024xf32, #tpu.memory_space<hbm>>
    %dma_start3A_161 = tpu.memref_squeeze %dma_start3A_160 : memref<1x16x1024xf32, #tpu.memory_space<hbm>> -> memref<16x1024xf32, #tpu.memory_space<hbm>>
    %dma_start3A_162 = arith.constant 0 : i32
    %dma_start3A_163 = tpu.memref_slice %arg4[%dma_start3A_158, %add3A_157, %dma_start3A_162] : memref<4x2048x1024xf32, #tpu.memory_space<hbm>> -> memref<1x16x1024xf32, #tpu.memory_space<hbm>>
    %dma_start3A_164 = tpu.memref_squeeze %dma_start3A_163 : memref<1x16x1024xf32, #tpu.memory_space<hbm>> -> memref<16x1024xf32, #tpu.memory_space<hbm>>
    tpu.enqueue_dma source(%arg8 : memref<16x1024xf32, #tpu.memory_space<vmem>>) target(%dma_start3A_164 : memref<16x1024xf32, #tpu.memory_space<hbm>>) target_semaphore(%arg20 : memref<!tpu.dma_semaphore, #tpu.memory_space<semaphore_mem>>)
    %add3A_165 = arith.constant 0 : i32
    %add3A_166 = arith.addi %mul3A_2, %add3A_165 : i32
    %dma_wait3A_167 = arith.constant 1 : i32
    %dma_wait3A_168 = arith.constant 0 : i32
    %dma_wait3A_169 = tpu.memref_slice %arg4[%dma_wait3A_167, %add3A_166, %dma_wait3A_168] : memref<4x2048x1024xf32, #tpu.memory_space<hbm>> -> memref<1x16x1024xf32, #tpu.memory_space<hbm>>
    %dma_wait3A_170 = tpu.memref_squeeze %dma_wait3A_169 : memref<1x16x1024xf32, #tpu.memory_space<hbm>> -> memref<16x1024xf32, #tpu.memory_space<hbm>>
    %dma_wait3A_171 = arith.constant 0 : i32
    %dma_wait3A_172 = tpu.memref_slice %arg4[%dma_wait3A_167, %add3A_166, %dma_wait3A_171] : memref<4x2048x1024xf32, #tpu.memory_space<hbm>> -> memref<1x16x1024xf32, #tpu.memory_space<hbm>>
    %dma_wait3A_173 = tpu.memref_squeeze %dma_wait3A_172 : memref<1x16x1024xf32, #tpu.memory_space<hbm>> -> memref<16x1024xf32, #tpu.memory_space<hbm>>
    tpu.wait_dma2 semaphore(%arg18 : memref<!tpu.dma_semaphore, #tpu.memory_space<semaphore_mem>>) src(%arg6 : memref<16x1024xf32, #tpu.memory_space<vmem>>) dst(%dma_wait3A_173 : memref<16x1024xf32, #tpu.memory_space<hbm>>)
    %add3A_174 = arith.constant 16 : i32
    %add3A_175 = arith.addi %mul3A_2, %add3A_174 : i32
    %dma_start3A_176 = arith.constant 2 : i32
    %dma_start3A_177 = arith.constant 0 : i32
    %dma_start3A_178 = tpu.memref_slice %arg2[%dma_start3A_176, %add3A_175, %dma_start3A_177] : memref<4x2048x1024xf32, #tpu.memory_space<hbm>> -> memref<1x16x1024xf32, #tpu.memory_space<hbm>>
    %dma_start3A_179 = tpu.memref_squeeze %dma_start3A_178 : memref<1x16x1024xf32, #tpu.memory_space<hbm>> -> memref<16x1024xf32, #tpu.memory_space<hbm>>
    %dma_start3A_180 = arith.constant 0 : i32
    %dma_start3A_181 = tpu.memref_slice %arg2[%dma_start3A_176, %add3A_175, %dma_start3A_180] : memref<4x2048x1024xf32, #tpu.memory_space<hbm>> -> memref<1x16x1024xf32, #tpu.memory_space<hbm>>
    %dma_start3A_182 = tpu.memref_squeeze %dma_start3A_181 : memref<1x16x1024xf32, #tpu.memory_space<hbm>> -> memref<16x1024xf32, #tpu.memory_space<hbm>>
    tpu.enqueue_dma source(%dma_start3A_182 : memref<16x1024xf32, #tpu.memory_space<hbm>>) target(%arg6 : memref<16x1024xf32, #tpu.memory_space<vmem>>) target_semaphore(%arg13 : memref<!tpu.dma_semaphore, #tpu.memory_space<semaphore_mem>>)
    %add3A_183 = arith.constant 16 : i32
    %add3A_184 = arith.addi %mul3A_2, %add3A_183 : i32
    %dma_wait3A_185 = arith.constant 0 : i32
    %dma_wait3A_186 = tpu.memref_slice %arg3[%add3A_184, %dma_wait3A_185] : memref<2048x1024xf32, #tpu.memory_space<hbm>> -> memref<16x1024xf32, #tpu.memory_space<hbm>>
    %dma_wait3A_187 = arith.constant 0 : i32
    %dma_wait3A_188 = tpu.memref_slice %arg3[%add3A_184, %dma_wait3A_187] : memref<2048x1024xf32, #tpu.memory_space<hbm>> -> memref<16x1024xf32, #tpu.memory_space<hbm>>
    tpu.wait_dma2 semaphore(%arg23 : memref<!tpu.dma_semaphore, #tpu.memory_space<semaphore_mem>>) src(%dma_wait3A_188 : memref<16x1024xf32, #tpu.memory_space<hbm>>) dst(%arg11 : memref<16x1024xf32, #tpu.memory_space<vmem>>)
    %add3A_189 = arith.constant 32 : i32
    %add3A_190 = arith.addi %mul3A_2, %add3A_189 : i32
    %dma_start3A_191 = arith.constant 0 : i32
    %dma_start3A_192 = tpu.memref_slice %arg3[%add3A_190, %dma_start3A_191] : memref<2048x1024xf32, #tpu.memory_space<hbm>> -> memref<16x1024xf32, #tpu.memory_space<hbm>>
    %dma_start3A_193 = arith.constant 0 : i32
    %dma_start3A_194 = tpu.memref_slice %arg3[%add3A_190, %dma_start3A_193] : memref<2048x1024xf32, #tpu.memory_space<hbm>> -> memref<16x1024xf32, #tpu.memory_space<hbm>>
    tpu.enqueue_dma source(%dma_start3A_194 : memref<16x1024xf32, #tpu.memory_space<hbm>>) target(%arg10 : memref<16x1024xf32, #tpu.memory_space<vmem>>) target_semaphore(%arg22 : memref<!tpu.dma_semaphore, #tpu.memory_space<semaphore_mem>>)
    %add3A_195 = arith.constant 16 : i32
    %add3A_196 = arith.addi %mul3A_2, %add3A_195 : i32
    %dma_wait3A_197 = arith.constant 0 : i32
    %dma_wait3A_198 = arith.constant 0 : i32
    %dma_wait3A_199 = tpu.memref_slice %arg2[%dma_wait3A_197, %add3A_196, %dma_wait3A_198] : memref<4x2048x1024xf32, #tpu.memory_space<hbm>> -> memref<1x16x1024xf32, #tpu.memory_space<hbm>>
    %dma_wait3A_200 = tpu.memref_squeeze %dma_wait3A_199 : memref<1x16x1024xf32, #tpu.memory_space<hbm>> -> memref<16x1024xf32, #tpu.memory_space<hbm>>
    %dma_wait3A_201 = arith.constant 0 : i32
    %dma_wait3A_202 = tpu.memref_slice %arg2[%dma_wait3A_197, %add3A_196, %dma_wait3A_201] : memref<4x2048x1024xf32, #tpu.memory_space<hbm>> -> memref<1x16x1024xf32, #tpu.memory_space<hbm>>
    %dma_wait3A_203 = tpu.memref_squeeze %dma_wait3A_202 : memref<1x16x1024xf32, #tpu.memory_space<hbm>> -> memref<16x1024xf32, #tpu.memory_space<hbm>>
    tpu.wait_dma2 semaphore(%arg16 : memref<!tpu.dma_semaphore, #tpu.memory_space<semaphore_mem>>) src(%dma_wait3A_203 : memref<16x1024xf32, #tpu.memory_space<hbm>>) dst(%arg9 : memref<16x1024xf32, #tpu.memory_space<vmem>>)
    %parallel_loop3A_204 = arith.constant 0 : i32
    %parallel_loop3A_205 = arith.constant 1024 : i32
    %parallel_loop3A_206 = arith.constant 1 : i32
    scf.for %parallel_loop3A_672 = %parallel_loop3A_204 to %parallel_loop3A_205 step %parallel_loop3A_206  : i32 {
      %parallel_loop3A_673 = arith.constant 64 : i32
      %parallel_loop3A_674 = arith.divsi %parallel_loop3A_672, %parallel_loop3A_673 : i32
      %parallel_loop3A_675 = arith.constant 0 : i32
      %parallel_loop3A_676 = arith.cmpi sgt, %parallel_loop3A_672, %parallel_loop3A_675 : i32
      %parallel_loop3A_677 = arith.extui %parallel_loop3A_676 : i1 to i32
      %parallel_loop3A_678 = arith.constant 0 : i32
      %parallel_loop3A_679 = arith.cmpi slt, %parallel_loop3A_672, %parallel_loop3A_678 : i32
      %parallel_loop3A_680 = arith.extui %parallel_loop3A_679 : i1 to i32
      %parallel_loop3A_681 = arith.subi %parallel_loop3A_677, %parallel_loop3A_680 : i32
      %parallel_loop3A_682 = arith.constant 0 : i32
      %parallel_loop3A_683 = arith.cmpi sgt, %parallel_loop3A_673, %parallel_loop3A_682 : i32
      %parallel_loop3A_684 = arith.extui %parallel_loop3A_683 : i1 to i32
      %parallel_loop3A_685 = arith.constant 0 : i32
      %parallel_loop3A_686 = arith.cmpi slt, %parallel_loop3A_673, %parallel_loop3A_685 : i32
      %parallel_loop3A_687 = arith.extui %parallel_loop3A_686 : i1 to i32
      %parallel_loop3A_688 = arith.subi %parallel_loop3A_684, %parallel_loop3A_687 : i32
      %parallel_loop3A_689 = arith.cmpi ne, %parallel_loop3A_681, %parallel_loop3A_688 : i32
      %parallel_loop3A_690 = arith.remsi %parallel_loop3A_672, %parallel_loop3A_673 : i32
      %parallel_loop3A_691 = arith.constant 0 : i32
      %parallel_loop3A_692 = arith.cmpi ne, %parallel_loop3A_690, %parallel_loop3A_691 : i32
      %parallel_loop3A_693 = arith.andi %parallel_loop3A_689, %parallel_loop3A_692 : i1
      %parallel_loop3A_694 = arith.constant 1 : i32
      %parallel_loop3A_695 = arith.subi %parallel_loop3A_674, %parallel_loop3A_694 : i32
      %parallel_loop3A_696 = arith.select %parallel_loop3A_693, %parallel_loop3A_695, %parallel_loop3A_674 : i32
      %parallel_loop3A_697 = arith.constant 64 : i32
      %parallel_loop3A_698 = arith.remsi %parallel_loop3A_672, %parallel_loop3A_697 : i32
      %parallel_loop3A_699 = arith.constant 16 : i32
      %parallel_loop3A_700 = arith.muli %parallel_loop3A_698, %parallel_loop3A_699 : i32
      %parallel_loop3A_701 = arith.index_cast %parallel_loop3A_696 : i32 to index
      %parallel_loop3A_702 = arith.index_cast %parallel_loop3A_700 : i32 to index
      %parallel_loop3A_703 = tpu.vector_load %arg11[%parallel_loop3A_701, %parallel_loop3A_702] {strides = array<i32>} : memref<16x1024xf32, #tpu.memory_space<vmem>>, vector<1x16xf32>,
      %parallel_loop3A_704 = vector.shape_cast %parallel_loop3A_703 : vector<1x16xf32> to vector<16xf32>
      %parallel_loop3A_705 = arith.index_cast %parallel_loop3A_696 : i32 to index
      %parallel_loop3A_706 = arith.index_cast %parallel_loop3A_700 : i32 to index
      %parallel_loop3A_707 = tpu.vector_load %arg9[%parallel_loop3A_705, %parallel_loop3A_706] {strides = array<i32>} : memref<16x1024xf32, #tpu.memory_space<vmem>>, vector<1x16xf32>,
      %parallel_loop3A_708 = vector.shape_cast %parallel_loop3A_707 : vector<1x16xf32> to vector<16xf32>
      %parallel_loop3A_709 = vector.shape_cast %parallel_loop3A_704 : vector<16xf32> to vector<1x16xf32>
      tpu.vector_store %arg9[%parallel_loop3A_705, %parallel_loop3A_706], %parallel_loop3A_709 {add = true, strides = array<i32>} : memref<16x1024xf32, #tpu.memory_space<vmem>>, vector<1x16xf32>,
    } {sc.loop_unroll_factor = 4 : i64, sc.parallel_access}
    %add3A_207 = arith.constant 16 : i32
    %add3A_208 = arith.addi %mul3A_2, %add3A_207 : i32
    %dma_start3A_209 = arith.constant 0 : i32
    %dma_start3A_210 = arith.constant 0 : i32
    %dma_start3A_211 = tpu.memref_slice %arg4[%dma_start3A_209, %add3A_208, %dma_start3A_210] : memref<4x2048x1024xf32, #tpu.memory_space<hbm>> -> memref<1x16x1024xf32, #tpu.memory_space<hbm>>
    %dma_start3A_212 = tpu.memref_squeeze %dma_start3A_211 : memref<1x16x1024xf32, #tpu.memory_space<hbm>> -> memref<16x1024xf32, #tpu.memory_space<hbm>>
    %dma_start3A_213 = arith.constant 0 : i32
    %dma_start3A_214 = tpu.memref_slice %arg4[%dma_start3A_209, %add3A_208, %dma_start3A_213] : memref<4x2048x1024xf32, #tpu.memory_space<hbm>> -> memref<1x16x1024xf32, #tpu.memory_space<hbm>>
    %dma_start3A_215 = tpu.memref_squeeze %dma_start3A_214 : memref<1x16x1024xf32, #tpu.memory_space<hbm>> -> memref<16x1024xf32, #tpu.memory_space<hbm>>
    tpu.enqueue_dma source(%arg9 : memref<16x1024xf32, #tpu.memory_space<vmem>>) target(%dma_start3A_215 : memref<16x1024xf32, #tpu.memory_space<hbm>>) target_semaphore(%arg21 : memref<!tpu.dma_semaphore, #tpu.memory_space<semaphore_mem>>)
    %add3A_216 = arith.constant 0 : i32
    %add3A_217 = arith.addi %mul3A_2, %add3A_216 : i32
    %dma_wait3A_218 = arith.constant 2 : i32
    %dma_wait3A_219 = arith.constant 0 : i32
    %dma_wait3A_220 = tpu.memref_slice %arg4[%dma_wait3A_218, %add3A_217, %dma_wait3A_219] : memref<4x2048x1024xf32, #tpu.memory_space<hbm>> -> memref<1x16x1024xf32, #tpu.memory_space<hbm>>
    %dma_wait3A_221 = tpu.memref_squeeze %dma_wait3A_220 : memref<1x16x1024xf32, #tpu.memory_space<hbm>> -> memref<16x1024xf32, #tpu.memory_space<hbm>>
    %dma_wait3A_222 = arith.constant 0 : i32
    %dma_wait3A_223 = tpu.memref_slice %arg4[%dma_wait3A_218, %add3A_217, %dma_wait3A_222] : memref<4x2048x1024xf32, #tpu.memory_space<hbm>> -> memref<1x16x1024xf32, #tpu.memory_space<hbm>>
    %dma_wait3A_224 = tpu.memref_squeeze %dma_wait3A_223 : memref<1x16x1024xf32, #tpu.memory_space<hbm>> -> memref<16x1024xf32, #tpu.memory_space<hbm>>
    tpu.wait_dma2 semaphore(%arg19 : memref<!tpu.dma_semaphore, #tpu.memory_space<semaphore_mem>>) src(%arg7 : memref<16x1024xf32, #tpu.memory_space<vmem>>) dst(%dma_wait3A_224 : memref<16x1024xf32, #tpu.memory_space<hbm>>)
    %add3A_225 = arith.constant 16 : i32
    %add3A_226 = arith.addi %mul3A_2, %add3A_225 : i32
    %dma_start3A_227 = arith.constant 3 : i32
    %dma_start3A_228 = arith.constant 0 : i32
    %dma_start3A_229 = tpu.memref_slice %arg2[%dma_start3A_227, %add3A_226, %dma_start3A_228] : memref<4x2048x1024xf32, #tpu.memory_space<hbm>> -> memref<1x16x1024xf32, #tpu.memory_space<hbm>>
    %dma_start3A_230 = tpu.memref_squeeze %dma_start3A_229 : memref<1x16x1024xf32, #tpu.memory_space<hbm>> -> memref<16x1024xf32, #tpu.memory_space<hbm>>
    %dma_start3A_231 = arith.constant 0 : i32
    %dma_start3A_232 = tpu.memref_slice %arg2[%dma_start3A_227, %add3A_226, %dma_start3A_231] : memref<4x2048x1024xf32, #tpu.memory_space<hbm>> -> memref<1x16x1024xf32, #tpu.memory_space<hbm>>
    %dma_start3A_233 = tpu.memref_squeeze %dma_start3A_232 : memref<1x16x1024xf32, #tpu.memory_space<hbm>> -> memref<16x1024xf32, #tpu.memory_space<hbm>>
    tpu.enqueue_dma source(%dma_start3A_233 : memref<16x1024xf32, #tpu.memory_space<hbm>>) target(%arg7 : memref<16x1024xf32, #tpu.memory_space<vmem>>) target_semaphore(%arg14 : memref<!tpu.dma_semaphore, #tpu.memory_space<semaphore_mem>>)
    %add3A_234 = arith.constant 16 : i32
    %add3A_235 = arith.addi %mul3A_2, %add3A_234 : i32
    %dma_wait3A_236 = arith.constant 1 : i32
    %dma_wait3A_237 = arith.constant 0 : i32
    %dma_wait3A_238 = tpu.memref_slice %arg2[%dma_wait3A_236, %add3A_235, %dma_wait3A_237] : memref<4x2048x1024xf32, #tpu.memory_space<hbm>> -> memref<1x16x1024xf32, #tpu.memory_space<hbm>>
    %dma_wait3A_239 = tpu.memref_squeeze %dma_wait3A_238 : memref<1x16x1024xf32, #tpu.memory_space<hbm>> -> memref<16x1024xf32, #tpu.memory_space<hbm>>
    %dma_wait3A_240 = arith.constant 0 : i32
    %dma_wait3A_241 = tpu.memref_slice %arg2[%dma_wait3A_236, %add3A_235, %dma_wait3A_240] : memref<4x2048x1024xf32, #tpu.memory_space<hbm>> -> memref<1x16x1024xf32, #tpu.memory_space<hbm>>
    %dma_wait3A_242 = tpu.memref_squeeze %dma_wait3A_241 : memref<1x16x1024xf32, #tpu.memory_space<hbm>> -> memref<16x1024xf32, #tpu.memory_space<hbm>>
    tpu.wait_dma2 semaphore(%arg12 : memref<!tpu.dma_semaphore, #tpu.memory_space<semaphore_mem>>) src(%dma_wait3A_242 : memref<16x1024xf32, #tpu.memory_space<hbm>>) dst(%arg5 : memref<16x1024xf32, #tpu.memory_space<vmem>>)
    %parallel_loop3A_243 = arith.constant 0 : i32
    %parallel_loop3A_244 = arith.constant 1024 : i32
    %parallel_loop3A_245 = arith.constant 1 : i32
    scf.for %parallel_loop3A_672 = %parallel_loop3A_243 to %parallel_loop3A_244 step %parallel_loop3A_245  : i32 {
      %parallel_loop3A_673 = arith.constant 64 : i32
      %parallel_loop3A_674 = arith.divsi %parallel_loop3A_672, %parallel_loop3A_673 : i32
      %parallel_loop3A_675 = arith.constant 0 : i32
      %parallel_loop3A_676 = arith.cmpi sgt, %parallel_loop3A_672, %parallel_loop3A_675 : i32
      %parallel_loop3A_677 = arith.extui %parallel_loop3A_676 : i1 to i32
      %parallel_loop3A_678 = arith.constant 0 : i32
      %parallel_loop3A_679 = arith.cmpi slt, %parallel_loop3A_672, %parallel_loop3A_678 : i32
      %parallel_loop3A_680 = arith.extui %parallel_loop3A_679 : i1 to i32
      %parallel_loop3A_681 = arith.subi %parallel_loop3A_677, %parallel_loop3A_680 : i32
      %parallel_loop3A_682 = arith.constant 0 : i32
      %parallel_loop3A_683 = arith.cmpi sgt, %parallel_loop3A_673, %parallel_loop3A_682 : i32
      %parallel_loop3A_684 = arith.extui %parallel_loop3A_683 : i1 to i32
      %parallel_loop3A_685 = arith.constant 0 : i32
      %parallel_loop3A_686 = arith.cmpi slt, %parallel_loop3A_673, %parallel_loop3A_685 : i32
      %parallel_loop3A_687 = arith.extui %parallel_loop3A_686 : i1 to i32
      %parallel_loop3A_688 = arith.subi %parallel_loop3A_684, %parallel_loop3A_687 : i32
      %parallel_loop3A_689 = arith.cmpi ne, %parallel_loop3A_681, %parallel_loop3A_688 : i32
      %parallel_loop3A_690 = arith.remsi %parallel_loop3A_672, %parallel_loop3A_673 : i32
      %parallel_loop3A_691 = arith.constant 0 : i32
      %parallel_loop3A_692 = arith.cmpi ne, %parallel_loop3A_690, %parallel_loop3A_691 : i32
      %parallel_loop3A_693 = arith.andi %parallel_loop3A_689, %parallel_loop3A_692 : i1
      %parallel_loop3A_694 = arith.constant 1 : i32
      %parallel_loop3A_695 = arith.subi %parallel_loop3A_674, %parallel_loop3A_694 : i32
      %parallel_loop3A_696 = arith.select %parallel_loop3A_693, %parallel_loop3A_695, %parallel_loop3A_674 : i32
      %parallel_loop3A_697 = arith.constant 64 : i32
      %parallel_loop3A_698 = arith.remsi %parallel_loop3A_672, %parallel_loop3A_697 : i32
      %parallel_loop3A_699 = arith.constant 16 : i32
      %parallel_loop3A_700 = arith.muli %parallel_loop3A_698, %parallel_loop3A_699 : i32
      %parallel_loop3A_701 = arith.index_cast %parallel_loop3A_696 : i32 to index
      %parallel_loop3A_702 = arith.index_cast %parallel_loop3A_700 : i32 to index
      %parallel_loop3A_703 = tpu.vector_load %arg11[%parallel_loop3A_701, %parallel_loop3A_702] {strides = array<i32>} : memref<16x1024xf32, #tpu.memory_space<vmem>>, vector<1x16xf32>,
      %parallel_loop3A_704 = vector.shape_cast %parallel_loop3A_703 : vector<1x16xf32> to vector<16xf32>
      %parallel_loop3A_705 = arith.index_cast %parallel_loop3A_696 : i32 to index
      %parallel_loop3A_706 = arith.index_cast %parallel_loop3A_700 : i32 to index
      %parallel_loop3A_707 = tpu.vector_load %arg5[%parallel_loop3A_705, %parallel_loop3A_706] {strides = array<i32>} : memref<16x1024xf32, #tpu.memory_space<vmem>>, vector<1x16xf32>,
      %parallel_loop3A_708 = vector.shape_cast %parallel_loop3A_707 : vector<1x16xf32> to vector<16xf32>
      %parallel_loop3A_709 = vector.shape_cast %parallel_loop3A_704 : vector<16xf32> to vector<1x16xf32>
      tpu.vector_store %arg5[%parallel_loop3A_705, %parallel_loop3A_706], %parallel_loop3A_709 {add = true, strides = array<i32>} : memref<16x1024xf32, #tpu.memory_space<vmem>>, vector<1x16xf32>,
    } {sc.loop_unroll_factor = 4 : i64, sc.parallel_access}
    %add3A_246 = arith.constant 16 : i32
    %add3A_247 = arith.addi %mul3A_2, %add3A_246 : i32
    %dma_start3A_248 = arith.constant 1 : i32
    %dma_start3A_249 = arith.constant 0 : i32
    %dma_start3A_250 = tpu.memref_slice %arg4[%dma_start3A_248, %add3A_247, %dma_start3A_249] : memref<4x2048x1024xf32, #tpu.memory_space<hbm>> -> memref<1x16x1024xf32, #tpu.memory_space<hbm>>
    %dma_start3A_251 = tpu.memref_squeeze %dma_start3A_250 : memref<1x16x1024xf32, #tpu.memory_space<hbm>> -> memref<16x1024xf32, #tpu.memory_space<hbm>>
    %dma_start3A_252 = arith.constant 0 : i32
    %dma_start3A_253 = tpu.memref_slice %arg4[%dma_start3A_248, %add3A_247, %dma_start3A_252] : memref<4x2048x1024xf32, #tpu.memory_space<hbm>> -> memref<1x16x1024xf32, #tpu.memory_space<hbm>>
    %dma_start3A_254 = tpu.memref_squeeze %dma_start3A_253 : memref<1x16x1024xf32, #tpu.memory_space<hbm>> -> memref<16x1024xf32, #tpu.memory_space<hbm>>
    tpu.enqueue_dma source(%arg5 : memref<16x1024xf32, #tpu.memory_space<vmem>>) target(%dma_start3A_254 : memref<16x1024xf32, #tpu.memory_space<hbm>>) target_semaphore(%arg17 : memref<!tpu.dma_semaphore, #tpu.memory_space<semaphore_mem>>)
    %add3A_255 = arith.constant 0 : i32
    %add3A_256 = arith.addi %mul3A_2, %add3A_255 : i32
    %dma_wait3A_257 = arith.constant 3 : i32
    %dma_wait3A_258 = arith.constant 0 : i32
    %dma_wait3A_259 = tpu.memref_slice %arg4[%dma_wait3A_257, %add3A_256, %dma_wait3A_258] : memref<4x2048x1024xf32, #tpu.memory_space<hbm>> -> memref<1x16x1024xf32, #tpu.memory_space<hbm>>
    %dma_wait3A_260 = tpu.memref_squeeze %dma_wait3A_259 : memref<1x16x1024xf32, #tpu.memory_space<hbm>> -> memref<16x1024xf32, #tpu.memory_space<hbm>>
    %dma_wait3A_261 = arith.constant 0 : i32
    %dma_wait3A_262 = tpu.memref_slice %arg4[%dma_wait3A_257, %add3A_256, %dma_wait3A_261] : memref<4x2048x1024xf32, #tpu.memory_space<hbm>> -> memref<1x16x1024xf32, #tpu.memory_space<hbm>>
    %dma_wait3A_263 = tpu.memref_squeeze %dma_wait3A_262 : memref<1x16x1024xf32, #tpu.memory_space<hbm>> -> memref<16x1024xf32, #tpu.memory_space<hbm>>
    tpu.wait_dma2 semaphore(%arg20 : memref<!tpu.dma_semaphore, #tpu.memory_space<semaphore_mem>>) src(%arg8 : memref<16x1024xf32, #tpu.memory_space<vmem>>) dst(%dma_wait3A_263 : memref<16x1024xf32, #tpu.memory_space<hbm>>)
    %add3A_264 = arith.constant 32 : i32
    %add3A_265 = arith.addi %mul3A_2, %add3A_264 : i32
    %dma_start3A_266 = arith.constant 0 : i32
    %dma_start3A_267 = arith.constant 0 : i32
    %dma_start3A_268 = tpu.memref_slice %arg2[%dma_start3A_266, %add3A_265, %dma_start3A_267] : memref<4x2048x1024xf32, #tpu.memory_space<hbm>> -> memref<1x16x1024xf32, #tpu.memory_space<hbm>>
    %dma_start3A_269 = tpu.memref_squeeze %dma_start3A_268 : memref<1x16x1024xf32, #tpu.memory_space<hbm>> -> memref<16x1024xf32, #tpu.memory_space<hbm>>
    %dma_start3A_270 = arith.constant 0 : i32
    %dma_start3A_271 = tpu.memref_slice %arg2[%dma_start3A_266, %add3A_265, %dma_start3A_270] : memref<4x2048x1024xf32, #tpu.memory_space<hbm>> -> memref<1x16x1024xf32, #tpu.memory_space<hbm>>
    %dma_start3A_272 = tpu.memref_squeeze %dma_start3A_271 : memref<1x16x1024xf32, #tpu.memory_space<hbm>> -> memref<16x1024xf32, #tpu.memory_space<hbm>>
    tpu.enqueue_dma source(%dma_start3A_272 : memref<16x1024xf32, #tpu.memory_space<hbm>>) target(%arg8 : memref<16x1024xf32, #tpu.memory_space<vmem>>) target_semaphore(%arg15 : memref<!tpu.dma_semaphore, #tpu.memory_space<semaphore_mem>>)
    %add3A_273 = arith.constant 16 : i32
    %add3A_274 = arith.addi %mul3A_2, %add3A_273 : i32
    %dma_wait3A_275 = arith.constant 2 : i32
    %dma_wait3A_276 = arith.constant 0 : i32
    %dma_wait3A_277 = tpu.memref_slice %arg2[%dma_wait3A_275, %add3A_274, %dma_wait3A_276] : memref<4x2048x1024xf32, #tpu.memory_space<hbm>> -> memref<1x16x1024xf32, #tpu.memory_space<hbm>>
    %dma_wait3A_278 = tpu.memref_squeeze %dma_wait3A_277 : memref<1x16x1024xf32, #tpu.memory_space<hbm>> -> memref<16x1024xf32, #tpu.memory_space<hbm>>
    %dma_wait3A_279 = arith.constant 0 : i32
    %dma_wait3A_280 = tpu.memref_slice %arg2[%dma_wait3A_275, %add3A_274, %dma_wait3A_279] : memref<4x2048x1024xf32, #tpu.memory_space<hbm>> -> memref<1x16x1024xf32, #tpu.memory_space<hbm>>
    %dma_wait3A_281 = tpu.memref_squeeze %dma_wait3A_280 : memref<1x16x1024xf32, #tpu.memory_space<hbm>> -> memref<16x1024xf32, #tpu.memory_space<hbm>>
    tpu.wait_dma2 semaphore(%arg13 : memref<!tpu.dma_semaphore, #tpu.memory_space<semaphore_mem>>) src(%dma_wait3A_281 : memref<16x1024xf32, #tpu.memory_space<hbm>>) dst(%arg6 : memref<16x1024xf32, #tpu.memory_space<vmem>>)
    %parallel_loop3A_282 = arith.constant 0 : i32
    %parallel_loop3A_283 = arith.constant 1024 : i32
    %parallel_loop3A_284 = arith.constant 1 : i32
    scf.for %parallel_loop3A_672 = %parallel_loop3A_282 to %parallel_loop3A_283 step %parallel_loop3A_284  : i32 {
      %parallel_loop3A_673 = arith.constant 64 : i32
      %parallel_loop3A_674 = arith.divsi %parallel_loop3A_672, %parallel_loop3A_673 : i32
      %parallel_loop3A_675 = arith.constant 0 : i32
      %parallel_loop3A_676 = arith.cmpi sgt, %parallel_loop3A_672, %parallel_loop3A_675 : i32
      %parallel_loop3A_677 = arith.extui %parallel_loop3A_676 : i1 to i32
      %parallel_loop3A_678 = arith.constant 0 : i32
      %parallel_loop3A_679 = arith.cmpi slt, %parallel_loop3A_672, %parallel_loop3A_678 : i32
      %parallel_loop3A_680 = arith.extui %parallel_loop3A_679 : i1 to i32
      %parallel_loop3A_681 = arith.subi %parallel_loop3A_677, %parallel_loop3A_680 : i32
      %parallel_loop3A_682 = arith.constant 0 : i32
      %parallel_loop3A_683 = arith.cmpi sgt, %parallel_loop3A_673, %parallel_loop3A_682 : i32
      %parallel_loop3A_684 = arith.extui %parallel_loop3A_683 : i1 to i32
      %parallel_loop3A_685 = arith.constant 0 : i32
      %parallel_loop3A_686 = arith.cmpi slt, %parallel_loop3A_673, %parallel_loop3A_685 : i32
      %parallel_loop3A_687 = arith.extui %parallel_loop3A_686 : i1 to i32
      %parallel_loop3A_688 = arith.subi %parallel_loop3A_684, %parallel_loop3A_687 : i32
      %parallel_loop3A_689 = arith.cmpi ne, %parallel_loop3A_681, %parallel_loop3A_688 : i32
      %parallel_loop3A_690 = arith.remsi %parallel_loop3A_672, %parallel_loop3A_673 : i32
      %parallel_loop3A_691 = arith.constant 0 : i32
      %parallel_loop3A_692 = arith.cmpi ne, %parallel_loop3A_690, %parallel_loop3A_691 : i32
      %parallel_loop3A_693 = arith.andi %parallel_loop3A_689, %parallel_loop3A_692 : i1
      %parallel_loop3A_694 = arith.constant 1 : i32
      %parallel_loop3A_695 = arith.subi %parallel_loop3A_674, %parallel_loop3A_694 : i32
      %parallel_loop3A_696 = arith.select %parallel_loop3A_693, %parallel_loop3A_695, %parallel_loop3A_674 : i32
      %parallel_loop3A_697 = arith.constant 64 : i32
      %parallel_loop3A_698 = arith.remsi %parallel_loop3A_672, %parallel_loop3A_697 : i32
      %parallel_loop3A_699 = arith.constant 16 : i32
      %parallel_loop3A_700 = arith.muli %parallel_loop3A_698, %parallel_loop3A_699 : i32
      %parallel_loop3A_701 = arith.index_cast %parallel_loop3A_696 : i32 to index
      %parallel_loop3A_702 = arith.index_cast %parallel_loop3A_700 : i32 to index
      %parallel_loop3A_703 = tpu.vector_load %arg11[%parallel_loop3A_701, %parallel_loop3A_702] {strides = array<i32>} : memref<16x1024xf32, #tpu.memory_space<vmem>>, vector<1x16xf32>,
      %parallel_loop3A_704 = vector.shape_cast %parallel_loop3A_703 : vector<1x16xf32> to vector<16xf32>
      %parallel_loop3A_705 = arith.index_cast %parallel_loop3A_696 : i32 to index
      %parallel_loop3A_706 = arith.index_cast %parallel_loop3A_700 : i32 to index
      %parallel_loop3A_707 = tpu.vector_load %arg6[%parallel_loop3A_705, %parallel_loop3A_706] {strides = array<i32>} : memref<16x1024xf32, #tpu.memory_space<vmem>>, vector<1x16xf32>,
      %parallel_loop3A_708 = vector.shape_cast %parallel_loop3A_707 : vector<1x16xf32> to vector<16xf32>
      %parallel_loop3A_709 = vector.shape_cast %parallel_loop3A_704 : vector<16xf32> to vector<1x16xf32>
      tpu.vector_store %arg6[%parallel_loop3A_705, %parallel_loop3A_706], %parallel_loop3A_709 {add = true, strides = array<i32>} : memref<16x1024xf32, #tpu.memory_space<vmem>>, vector<1x16xf32>,
    } {sc.loop_unroll_factor = 4 : i64, sc.parallel_access}
    %add3A_285 = arith.constant 16 : i32
    %add3A_286 = arith.addi %mul3A_2, %add3A_285 : i32
    %dma_start3A_287 = arith.constant 2 : i32
    %dma_start3A_288 = arith.constant 0 : i32
    %dma_start3A_289 = tpu.memref_slice %arg4[%dma_start3A_287, %add3A_286, %dma_start3A_288] : memref<4x2048x1024xf32, #tpu.memory_space<hbm>> -> memref<1x16x1024xf32, #tpu.memory_space<hbm>>
    %dma_start3A_290 = tpu.memref_squeeze %dma_start3A_289 : memref<1x16x1024xf32, #tpu.memory_space<hbm>> -> memref<16x1024xf32, #tpu.memory_space<hbm>>
    %dma_start3A_291 = arith.constant 0 : i32
    %dma_start3A_292 = tpu.memref_slice %arg4[%dma_start3A_287, %add3A_286, %dma_start3A_291] : memref<4x2048x1024xf32, #tpu.memory_space<hbm>> -> memref<1x16x1024xf32, #tpu.memory_space<hbm>>
    %dma_start3A_293 = tpu.memref_squeeze %dma_start3A_292 : memref<1x16x1024xf32, #tpu.memory_space<hbm>> -> memref<16x1024xf32, #tpu.memory_space<hbm>>
    tpu.enqueue_dma source(%arg6 : memref<16x1024xf32, #tpu.memory_space<vmem>>) target(%dma_start3A_293 : memref<16x1024xf32, #tpu.memory_space<hbm>>) target_semaphore(%arg18 : memref<!tpu.dma_semaphore, #tpu.memory_space<semaphore_mem>>)
    %add3A_294 = arith.constant 16 : i32
    %add3A_295 = arith.addi %mul3A_2, %add3A_294 : i32
    %dma_wait3A_296 = arith.constant 0 : i32
    %dma_wait3A_297 = arith.constant 0 : i32
    %dma_wait3A_298 = tpu.memref_slice %arg4[%dma_wait3A_296, %add3A_295, %dma_wait3A_297] : memref<4x2048x1024xf32, #tpu.memory_space<hbm>> -> memref<1x16x1024xf32, #tpu.memory_space<hbm>>
    %dma_wait3A_299 = tpu.memref_squeeze %dma_wait3A_298 : memref<1x16x1024xf32, #tpu.memory_space<hbm>> -> memref<16x1024xf32, #tpu.memory_space<hbm>>
    %dma_wait3A_300 = arith.constant 0 : i32
    %dma_wait3A_301 = tpu.memref_slice %arg4[%dma_wait3A_296, %add3A_295, %dma_wait3A_300] : memref<4x2048x1024xf32, #tpu.memory_space<hbm>> -> memref<1x16x1024xf32, #tpu.memory_space<hbm>>
    %dma_wait3A_302 = tpu.memref_squeeze %dma_wait3A_301 : memref<1x16x1024xf32, #tpu.memory_space<hbm>> -> memref<16x1024xf32, #tpu.memory_space<hbm>>
    tpu.wait_dma2 semaphore(%arg21 : memref<!tpu.dma_semaphore, #tpu.memory_space<semaphore_mem>>) src(%arg9 : memref<16x1024xf32, #tpu.memory_space<vmem>>) dst(%dma_wait3A_302 : memref<16x1024xf32, #tpu.memory_space<hbm>>)
    %add3A_303 = arith.constant 32 : i32
    %add3A_304 = arith.addi %mul3A_2, %add3A_303 : i32
    %dma_start3A_305 = arith.constant 1 : i32
    %dma_start3A_306 = arith.constant 0 : i32
    %dma_start3A_307 = tpu.memref_slice %arg2[%dma_start3A_305, %add3A_304, %dma_start3A_306] : memref<4x2048x1024xf32, #tpu.memory_space<hbm>> -> memref<1x16x1024xf32, #tpu.memory_space<hbm>>
    %dma_start3A_308 = tpu.memref_squeeze %dma_start3A_307 : memref<1x16x1024xf32, #tpu.memory_space<hbm>> -> memref<16x1024xf32, #tpu.memory_space<hbm>>
    %dma_start3A_309 = arith.constant 0 : i32
    %dma_start3A_310 = tpu.memref_slice %arg2[%dma_start3A_305, %add3A_304, %dma_start3A_309] : memref<4x2048x1024xf32, #tpu.memory_space<hbm>> -> memref<1x16x1024xf32, #tpu.memory_space<hbm>>
    %dma_start3A_311 = tpu.memref_squeeze %dma_start3A_310 : memref<1x16x1024xf32, #tpu.memory_space<hbm>> -> memref<16x1024xf32, #tpu.memory_space<hbm>>
    tpu.enqueue_dma source(%dma_start3A_311 : memref<16x1024xf32, #tpu.memory_space<hbm>>) target(%arg9 : memref<16x1024xf32, #tpu.memory_space<vmem>>) target_semaphore(%arg16 : memref<!tpu.dma_semaphore, #tpu.memory_space<semaphore_mem>>)
    %add3A_312 = arith.constant 16 : i32
    %add3A_313 = arith.addi %mul3A_2, %add3A_312 : i32
    %dma_wait3A_314 = arith.constant 3 : i32
    %dma_wait3A_315 = arith.constant 0 : i32
    %dma_wait3A_316 = tpu.memref_slice %arg2[%dma_wait3A_314, %add3A_313, %dma_wait3A_315] : memref<4x2048x1024xf32, #tpu.memory_space<hbm>> -> memref<1x16x1024xf32, #tpu.memory_space<hbm>>
    %dma_wait3A_317 = tpu.memref_squeeze %dma_wait3A_316 : memref<1x16x1024xf32, #tpu.memory_space<hbm>> -> memref<16x1024xf32, #tpu.memory_space<hbm>>
    %dma_wait3A_318 = arith.constant 0 : i32
    %dma_wait3A_319 = tpu.memref_slice %arg2[%dma_wait3A_314, %add3A_313, %dma_wait3A_318] : memref<4x2048x1024xf32, #tpu.memory_space<hbm>> -> memref<1x16x1024xf32, #tpu.memory_space<hbm>>
    %dma_wait3A_320 = tpu.memref_squeeze %dma_wait3A_319 : memref<1x16x1024xf32, #tpu.memory_space<hbm>> -> memref<16x1024xf32, #tpu.memory_space<hbm>>
    tpu.wait_dma2 semaphore(%arg14 : memref<!tpu.dma_semaphore, #tpu.memory_space<semaphore_mem>>) src(%dma_wait3A_320 : memref<16x1024xf32, #tpu.memory_space<hbm>>) dst(%arg7 : memref<16x1024xf32, #tpu.memory_space<vmem>>)
    %parallel_loop3A_321 = arith.constant 0 : i32
    %parallel_loop3A_322 = arith.constant 1024 : i32
    %parallel_loop3A_323 = arith.constant 1 : i32
    scf.for %parallel_loop3A_672 = %parallel_loop3A_321 to %parallel_loop3A_322 step %parallel_loop3A_323  : i32 {
      %parallel_loop3A_673 = arith.constant 64 : i32
      %parallel_loop3A_674 = arith.divsi %parallel_loop3A_672, %parallel_loop3A_673 : i32
      %parallel_loop3A_675 = arith.constant 0 : i32
      %parallel_loop3A_676 = arith.cmpi sgt, %parallel_loop3A_672, %parallel_loop3A_675 : i32
      %parallel_loop3A_677 = arith.extui %parallel_loop3A_676 : i1 to i32
      %parallel_loop3A_678 = arith.constant 0 : i32
      %parallel_loop3A_679 = arith.cmpi slt, %parallel_loop3A_672, %parallel_loop3A_678 : i32
      %parallel_loop3A_680 = arith.extui %parallel_loop3A_679 : i1 to i32
      %parallel_loop3A_681 = arith.subi %parallel_loop3A_677, %parallel_loop3A_680 : i32
      %parallel_loop3A_682 = arith.constant 0 : i32
      %parallel_loop3A_683 = arith.cmpi sgt, %parallel_loop3A_673, %parallel_loop3A_682 : i32
      %parallel_loop3A_684 = arith.extui %parallel_loop3A_683 : i1 to i32
      %parallel_loop3A_685 = arith.constant 0 : i32
      %parallel_loop3A_686 = arith.cmpi slt, %parallel_loop3A_673, %parallel_loop3A_685 : i32
      %parallel_loop3A_687 = arith.extui %parallel_loop3A_686 : i1 to i32
      %parallel_loop3A_688 = arith.subi %parallel_loop3A_684, %parallel_loop3A_687 : i32
      %parallel_loop3A_689 = arith.cmpi ne, %parallel_loop3A_681, %parallel_loop3A_688 : i32
      %parallel_loop3A_690 = arith.remsi %parallel_loop3A_672, %parallel_loop3A_673 : i32
      %parallel_loop3A_691 = arith.constant 0 : i32
      %parallel_loop3A_692 = arith.cmpi ne, %parallel_loop3A_690, %parallel_loop3A_691 : i32
      %parallel_loop3A_693 = arith.andi %parallel_loop3A_689, %parallel_loop3A_692 : i1
      %parallel_loop3A_694 = arith.constant 1 : i32
      %parallel_loop3A_695 = arith.subi %parallel_loop3A_674, %parallel_loop3A_694 : i32
      %parallel_loop3A_696 = arith.select %parallel_loop3A_693, %parallel_loop3A_695, %parallel_loop3A_674 : i32
      %parallel_loop3A_697 = arith.constant 64 : i32
      %parallel_loop3A_698 = arith.remsi %parallel_loop3A_672, %parallel_loop3A_697 : i32
      %parallel_loop3A_699 = arith.constant 16 : i32
      %parallel_loop3A_700 = arith.muli %parallel_loop3A_698, %parallel_loop3A_699 : i32
      %parallel_loop3A_701 = arith.index_cast %parallel_loop3A_696 : i32 to index
      %parallel_loop3A_702 = arith.index_cast %parallel_loop3A_700 : i32 to index
      %parallel_loop3A_703 = tpu.vector_load %arg11[%parallel_loop3A_701, %parallel_loop3A_702] {strides = array<i32>} : memref<16x1024xf32, #tpu.memory_space<vmem>>, vector<1x16xf32>,
      %parallel_loop3A_704 = vector.shape_cast %parallel_loop3A_703 : vector<1x16xf32> to vector<16xf32>
      %parallel_loop3A_705 = arith.index_cast %parallel_loop3A_696 : i32 to index
      %parallel_loop3A_706 = arith.index_cast %parallel_loop3A_700 : i32 to index
      %parallel_loop3A_707 = tpu.vector_load %arg7[%parallel_loop3A_705, %parallel_loop3A_706] {strides = array<i32>} : memref<16x1024xf32, #tpu.memory_space<vmem>>, vector<1x16xf32>,
      %parallel_loop3A_708 = vector.shape_cast %parallel_loop3A_707 : vector<1x16xf32> to vector<16xf32>
      %parallel_loop3A_709 = vector.shape_cast %parallel_loop3A_704 : vector<16xf32> to vector<1x16xf32>
      tpu.vector_store %arg7[%parallel_loop3A_705, %parallel_loop3A_706], %parallel_loop3A_709 {add = true, strides = array<i32>} : memref<16x1024xf32, #tpu.memory_space<vmem>>, vector<1x16xf32>,
    } {sc.loop_unroll_factor = 4 : i64, sc.parallel_access}
    %add3A_324 = arith.constant 16 : i32
    %add3A_325 = arith.addi %mul3A_2, %add3A_324 : i32
    %dma_start3A_326 = arith.constant 3 : i32
    %dma_start3A_327 = arith.constant 0 : i32
    %dma_start3A_328 = tpu.memref_slice %arg4[%dma_start3A_326, %add3A_325, %dma_start3A_327] : memref<4x2048x1024xf32, #tpu.memory_space<hbm>> -> memref<1x16x1024xf32, #tpu.memory_space<hbm>>
    %dma_start3A_329 = tpu.memref_squeeze %dma_start3A_328 : memref<1x16x1024xf32, #tpu.memory_space<hbm>> -> memref<16x1024xf32, #tpu.memory_space<hbm>>
    %dma_start3A_330 = arith.constant 0 : i32
    %dma_start3A_331 = tpu.memref_slice %arg4[%dma_start3A_326, %add3A_325, %dma_start3A_330] : memref<4x2048x1024xf32, #tpu.memory_space<hbm>> -> memref<1x16x1024xf32, #tpu.memory_space<hbm>>
    %dma_start3A_332 = tpu.memref_squeeze %dma_start3A_331 : memref<1x16x1024xf32, #tpu.memory_space<hbm>> -> memref<16x1024xf32, #tpu.memory_space<hbm>>
    tpu.enqueue_dma source(%arg7 : memref<16x1024xf32, #tpu.memory_space<vmem>>) target(%dma_start3A_332 : memref<16x1024xf32, #tpu.memory_space<hbm>>) target_semaphore(%arg19 : memref<!tpu.dma_semaphore, #tpu.memory_space<semaphore_mem>>)
    %add3A_333 = arith.constant 16 : i32
    %add3A_334 = arith.addi %mul3A_2, %add3A_333 : i32
    %dma_wait3A_335 = arith.constant 1 : i32
    %dma_wait3A_336 = arith.constant 0 : i32
    %dma_wait3A_337 = tpu.memref_slice %arg4[%dma_wait3A_335, %add3A_334, %dma_wait3A_336] : memref<4x2048x1024xf32, #tpu.memory_space<hbm>> -> memref<1x16x1024xf32, #tpu.memory_space<hbm>>
    %dma_wait3A_338 = tpu.memref_squeeze %dma_wait3A_337 : memref<1x16x1024xf32, #tpu.memory_space<hbm>> -> memref<16x1024xf32, #tpu.memory_space<hbm>>
    %dma_wait3A_339 = arith.constant 0 : i32
    %dma_wait3A_340 = tpu.memref_slice %arg4[%dma_wait3A_335, %add3A_334, %dma_wait3A_339] : memref<4x2048x1024xf32, #tpu.memory_space<hbm>> -> memref<1x16x1024xf32, #tpu.memory_space<hbm>>
    %dma_wait3A_341 = tpu.memref_squeeze %dma_wait3A_340 : memref<1x16x1024xf32, #tpu.memory_space<hbm>> -> memref<16x1024xf32, #tpu.memory_space<hbm>>
    tpu.wait_dma2 semaphore(%arg17 : memref<!tpu.dma_semaphore, #tpu.memory_space<semaphore_mem>>) src(%arg5 : memref<16x1024xf32, #tpu.memory_space<vmem>>) dst(%dma_wait3A_341 : memref<16x1024xf32, #tpu.memory_space<hbm>>)
    %add3A_342 = arith.constant 32 : i32
    %add3A_343 = arith.addi %mul3A_2, %add3A_342 : i32
    %dma_start3A_344 = arith.constant 2 : i32
    %dma_start3A_345 = arith.constant 0 : i32
    %dma_start3A_346 = tpu.memref_slice %arg2[%dma_start3A_344, %add3A_343, %dma_start3A_345] : memref<4x2048x1024xf32, #tpu.memory_space<hbm>> -> memref<1x16x1024xf32, #tpu.memory_space<hbm>>
    %dma_start3A_347 = tpu.memref_squeeze %dma_start3A_346 : memref<1x16x1024xf32, #tpu.memory_space<hbm>> -> memref<16x1024xf32, #tpu.memory_space<hbm>>
    %dma_start3A_348 = arith.constant 0 : i32
    %dma_start3A_349 = tpu.memref_slice %arg2[%dma_start3A_344, %add3A_343, %dma_start3A_348] : memref<4x2048x1024xf32, #tpu.memory_space<hbm>> -> memref<1x16x1024xf32, #tpu.memory_space<hbm>>
    %dma_start3A_350 = tpu.memref_squeeze %dma_start3A_349 : memref<1x16x1024xf32, #tpu.memory_space<hbm>> -> memref<16x1024xf32, #tpu.memory_space<hbm>>
    tpu.enqueue_dma source(%dma_start3A_350 : memref<16x1024xf32, #tpu.memory_space<hbm>>) target(%arg5 : memref<16x1024xf32, #tpu.memory_space<vmem>>) target_semaphore(%arg12 : memref<!tpu.dma_semaphore, #tpu.memory_space<semaphore_mem>>)
    %add3A_351 = arith.constant 32 : i32
    %add3A_352 = arith.addi %mul3A_2, %add3A_351 : i32
    %dma_wait3A_353 = arith.constant 0 : i32
    %dma_wait3A_354 = tpu.memref_slice %arg3[%add3A_352, %dma_wait3A_353] : memref<2048x1024xf32, #tpu.memory_space<hbm>> -> memref<16x1024xf32, #tpu.memory_space<hbm>>
    %dma_wait3A_355 = arith.constant 0 : i32
    %dma_wait3A_356 = tpu.memref_slice %arg3[%add3A_352, %dma_wait3A_355] : memref<2048x1024xf32, #tpu.memory_space<hbm>> -> memref<16x1024xf32, #tpu.memory_space<hbm>>
    tpu.wait_dma2 semaphore(%arg22 : memref<!tpu.dma_semaphore, #tpu.memory_space<semaphore_mem>>) src(%dma_wait3A_356 : memref<16x1024xf32, #tpu.memory_space<hbm>>) dst(%arg10 : memref<16x1024xf32, #tpu.memory_space<vmem>>)
    %add3A_357 = arith.constant 48 : i32
    %add3A_358 = arith.addi %mul3A_2, %add3A_357 : i32
    %dma_start3A_359 = arith.constant 0 : i32
    %dma_start3A_360 = tpu.memref_slice %arg3[%add3A_358, %dma_start3A_359] : memref<2048x1024xf32, #tpu.memory_space<hbm>> -> memref<16x1024xf32, #tpu.memory_space<hbm>>
    %dma_start3A_361 = arith.constant 0 : i32
    %dma_start3A_362 = tpu.memref_slice %arg3[%add3A_358, %dma_start3A_361] : memref<2048x1024xf32, #tpu.memory_space<hbm>> -> memref<16x1024xf32, #tpu.memory_space<hbm>>
    tpu.enqueue_dma source(%dma_start3A_362 : memref<16x1024xf32, #tpu.memory_space<hbm>>) target(%arg11 : memref<16x1024xf32, #tpu.memory_space<vmem>>) target_semaphore(%arg23 : memref<!tpu.dma_semaphore, #tpu.memory_space<semaphore_mem>>)
    %add3A_363 = arith.constant 32 : i32
    %add3A_364 = arith.addi %mul3A_2, %add3A_363 : i32
    %dma_wait3A_365 = arith.constant 0 : i32
    %dma_wait3A_366 = arith.constant 0 : i32
    %dma_wait3A_367 = tpu.memref_slice %arg2[%dma_wait3A_365, %add3A_364, %dma_wait3A_366] : memref<4x2048x1024xf32, #tpu.memory_space<hbm>> -> memref<1x16x1024xf32, #tpu.memory_space<hbm>>
    %dma_wait3A_368 = tpu.memref_squeeze %dma_wait3A_367 : memref<1x16x1024xf32, #tpu.memory_space<hbm>> -> memref<16x1024xf32, #tpu.memory_space<hbm>>
    %dma_wait3A_369 = arith.constant 0 : i32
    %dma_wait3A_370 = tpu.memref_slice %arg2[%dma_wait3A_365, %add3A_364, %dma_wait3A_369] : memref<4x2048x1024xf32, #tpu.memory_space<hbm>> -> memref<1x16x1024xf32, #tpu.memory_space<hbm>>
    %dma_wait3A_371 = tpu.memref_squeeze %dma_wait3A_370 : memref<1x16x1024xf32, #tpu.memory_space<hbm>> -> memref<16x1024xf32, #tpu.memory_space<hbm>>
    tpu.wait_dma2 semaphore(%arg15 : memref<!tpu.dma_semaphore, #tpu.memory_space<semaphore_mem>>) src(%dma_wait3A_371 : memref<16x1024xf32, #tpu.memory_space<hbm>>) dst(%arg8 : memref<16x1024xf32, #tpu.memory_space<vmem>>)
    %parallel_loop3A_372 = arith.constant 0 : i32
    %parallel_loop3A_373 = arith.constant 1024 : i32
    %parallel_loop3A_374 = arith.constant 1 : i32
    scf.for %parallel_loop3A_672 = %parallel_loop3A_372 to %parallel_loop3A_373 step %parallel_loop3A_374  : i32 {
      %parallel_loop3A_673 = arith.constant 64 : i32
      %parallel_loop3A_674 = arith.divsi %parallel_loop3A_672, %parallel_loop3A_673 : i32
      %parallel_loop3A_675 = arith.constant 0 : i32
      %parallel_loop3A_676 = arith.cmpi sgt, %parallel_loop3A_672, %parallel_loop3A_675 : i32
      %parallel_loop3A_677 = arith.extui %parallel_loop3A_676 : i1 to i32
      %parallel_loop3A_678 = arith.constant 0 : i32
      %parallel_loop3A_679 = arith.cmpi slt, %parallel_loop3A_672, %parallel_loop3A_678 : i32
      %parallel_loop3A_680 = arith.extui %parallel_loop3A_679 : i1 to i32
      %parallel_loop3A_681 = arith.subi %parallel_loop3A_677, %parallel_loop3A_680 : i32
      %parallel_loop3A_682 = arith.constant 0 : i32
      %parallel_loop3A_683 = arith.cmpi sgt, %parallel_loop3A_673, %parallel_loop3A_682 : i32
      %parallel_loop3A_684 = arith.extui %parallel_loop3A_683 : i1 to i32
      %parallel_loop3A_685 = arith.constant 0 : i32
      %parallel_loop3A_686 = arith.cmpi slt, %parallel_loop3A_673, %parallel_loop3A_685 : i32
      %parallel_loop3A_687 = arith.extui %parallel_loop3A_686 : i1 to i32
      %parallel_loop3A_688 = arith.subi %parallel_loop3A_684, %parallel_loop3A_687 : i32
      %parallel_loop3A_689 = arith.cmpi ne, %parallel_loop3A_681, %parallel_loop3A_688 : i32
      %parallel_loop3A_690 = arith.remsi %parallel_loop3A_672, %parallel_loop3A_673 : i32
      %parallel_loop3A_691 = arith.constant 0 : i32
      %parallel_loop3A_692 = arith.cmpi ne, %parallel_loop3A_690, %parallel_loop3A_691 : i32
      %parallel_loop3A_693 = arith.andi %parallel_loop3A_689, %parallel_loop3A_692 : i1
      %parallel_loop3A_694 = arith.constant 1 : i32
      %parallel_loop3A_695 = arith.subi %parallel_loop3A_674, %parallel_loop3A_694 : i32
      %parallel_loop3A_696 = arith.select %parallel_loop3A_693, %parallel_loop3A_695, %parallel_loop3A_674 : i32
      %parallel_loop3A_697 = arith.constant 64 : i32
      %parallel_loop3A_698 = arith.remsi %parallel_loop3A_672, %parallel_loop3A_697 : i32
      %parallel_loop3A_699 = arith.constant 16 : i32
      %parallel_loop3A_700 = arith.muli %parallel_loop3A_698, %parallel_loop3A_699 : i32
      %parallel_loop3A_701 = arith.index_cast %parallel_loop3A_696 : i32 to index
      %parallel_loop3A_702 = arith.index_cast %parallel_loop3A_700 : i32 to index
      %parallel_loop3A_703 = tpu.vector_load %arg10[%parallel_loop3A_701, %parallel_loop3A_702] {strides = array<i32>} : memref<16x1024xf32, #tpu.memory_space<vmem>>, vector<1x16xf32>,
      %parallel_loop3A_704 = vector.shape_cast %parallel_loop3A_703 : vector<1x16xf32> to vector<16xf32>
      %parallel_loop3A_705 = arith.index_cast %parallel_loop3A_696 : i32 to index
      %parallel_loop3A_706 = arith.index_cast %parallel_loop3A_700 : i32 to index
      %parallel_loop3A_707 = tpu.vector_load %arg8[%parallel_loop3A_705, %parallel_loop3A_706] {strides = array<i32>} : memref<16x1024xf32, #tpu.memory_space<vmem>>, vector<1x16xf32>,
      %parallel_loop3A_708 = vector.shape_cast %parallel_loop3A_707 : vector<1x16xf32> to vector<16xf32>
      %parallel_loop3A_709 = vector.shape_cast %parallel_loop3A_704 : vector<16xf32> to vector<1x16xf32>
      tpu.vector_store %arg8[%parallel_loop3A_705, %parallel_loop3A_706], %parallel_loop3A_709 {add = true, strides = array<i32>} : memref<16x1024xf32, #tpu.memory_space<vmem>>, vector<1x16xf32>,
    } {sc.loop_unroll_factor = 4 : i64, sc.parallel_access}
    %add3A_375 = arith.constant 32 : i32
    %add3A_376 = arith.addi %mul3A_2, %add3A_375 : i32
    %dma_start3A_377 = arith.constant 0 : i32
    %dma_start3A_378 = arith.constant 0 : i32
    %dma_start3A_379 = tpu.memref_slice %arg4[%dma_start3A_377, %add3A_376, %dma_start3A_378] : memref<4x2048x1024xf32, #tpu.memory_space<hbm>> -> memref<1x16x1024xf32, #tpu.memory_space<hbm>>
    %dma_start3A_380 = tpu.memref_squeeze %dma_start3A_379 : memref<1x16x1024xf32, #tpu.memory_space<hbm>> -> memref<16x1024xf32, #tpu.memory_space<hbm>>
    %dma_start3A_381 = arith.constant 0 : i32
    %dma_start3A_382 = tpu.memref_slice %arg4[%dma_start3A_377, %add3A_376, %dma_start3A_381] : memref<4x2048x1024xf32, #tpu.memory_space<hbm>> -> memref<1x16x1024xf32, #tpu.memory_space<hbm>>
    %dma_start3A_383 = tpu.memref_squeeze %dma_start3A_382 : memref<1x16x1024xf32, #tpu.memory_space<hbm>> -> memref<16x1024xf32, #tpu.memory_space<hbm>>
    tpu.enqueue_dma source(%arg8 : memref<16x1024xf32, #tpu.memory_space<vmem>>) target(%dma_start3A_383 : memref<16x1024xf32, #tpu.memory_space<hbm>>) target_semaphore(%arg20 : memref<!tpu.dma_semaphore, #tpu.memory_space<semaphore_mem>>)
    %add3A_384 = arith.constant 16 : i32
    %add3A_385 = arith.addi %mul3A_2, %add3A_384 : i32
    %dma_wait3A_386 = arith.constant 2 : i32
    %dma_wait3A_387 = arith.constant 0 : i32
    %dma_wait3A_388 = tpu.memref_slice %arg4[%dma_wait3A_386, %add3A_385, %dma_wait3A_387] : memref<4x2048x1024xf32, #tpu.memory_space<hbm>> -> memref<1x16x1024xf32, #tpu.memory_space<hbm>>
    %dma_wait3A_389 = tpu.memref_squeeze %dma_wait3A_388 : memref<1x16x1024xf32, #tpu.memory_space<hbm>> -> memref<16x1024xf32, #tpu.memory_space<hbm>>
    %dma_wait3A_390 = arith.constant 0 : i32
    %dma_wait3A_391 = tpu.memref_slice %arg4[%dma_wait3A_386, %add3A_385, %dma_wait3A_390] : memref<4x2048x1024xf32, #tpu.memory_space<hbm>> -> memref<1x16x1024xf32, #tpu.memory_space<hbm>>
    %dma_wait3A_392 = tpu.memref_squeeze %dma_wait3A_391 : memref<1x16x1024xf32, #tpu.memory_space<hbm>> -> memref<16x1024xf32, #tpu.memory_space<hbm>>
    tpu.wait_dma2 semaphore(%arg18 : memref<!tpu.dma_semaphore, #tpu.memory_space<semaphore_mem>>) src(%arg6 : memref<16x1024xf32, #tpu.memory_space<vmem>>) dst(%dma_wait3A_392 : memref<16x1024xf32, #tpu.memory_space<hbm>>)
    %add3A_393 = arith.constant 32 : i32
    %add3A_394 = arith.addi %mul3A_2, %add3A_393 : i32
    %dma_start3A_395 = arith.constant 3 : i32
    %dma_start3A_396 = arith.constant 0 : i32
    %dma_start3A_397 = tpu.memref_slice %arg2[%dma_start3A_395, %add3A_394, %dma_start3A_396] : memref<4x2048x1024xf32, #tpu.memory_space<hbm>> -> memref<1x16x1024xf32, #tpu.memory_space<hbm>>
    %dma_start3A_398 = tpu.memref_squeeze %dma_start3A_397 : memref<1x16x1024xf32, #tpu.memory_space<hbm>> -> memref<16x1024xf32, #tpu.memory_space<hbm>>
    %dma_start3A_399 = arith.constant 0 : i32
    %dma_start3A_400 = tpu.memref_slice %arg2[%dma_start3A_395, %add3A_394, %dma_start3A_399] : memref<4x2048x1024xf32, #tpu.memory_space<hbm>> -> memref<1x16x1024xf32, #tpu.memory_space<hbm>>
    %dma_start3A_401 = tpu.memref_squeeze %dma_start3A_400 : memref<1x16x1024xf32, #tpu.memory_space<hbm>> -> memref<16x1024xf32, #tpu.memory_space<hbm>>
    tpu.enqueue_dma source(%dma_start3A_401 : memref<16x1024xf32, #tpu.memory_space<hbm>>) target(%arg6 : memref<16x1024xf32, #tpu.memory_space<vmem>>) target_semaphore(%arg13 : memref<!tpu.dma_semaphore, #tpu.memory_space<semaphore_mem>>)
    %add3A_402 = arith.constant 32 : i32
    %add3A_403 = arith.addi %mul3A_2, %add3A_402 : i32
    %dma_wait3A_404 = arith.constant 1 : i32
    %dma_wait3A_405 = arith.constant 0 : i32
    %dma_wait3A_406 = tpu.memref_slice %arg2[%dma_wait3A_404, %add3A_403, %dma_wait3A_405] : memref<4x2048x1024xf32, #tpu.memory_space<hbm>> -> memref<1x16x1024xf32, #tpu.memory_space<hbm>>
    %dma_wait3A_407 = tpu.memref_squeeze %dma_wait3A_406 : memref<1x16x1024xf32, #tpu.memory_space<hbm>> -> memref<16x1024xf32, #tpu.memory_space<hbm>>
    %dma_wait3A_408 = arith.constant 0 : i32
    %dma_wait3A_409 = tpu.memref_slice %arg2[%dma_wait3A_404, %add3A_403, %dma_wait3A_408] : memref<4x2048x1024xf32, #tpu.memory_space<hbm>> -> memref<1x16x1024xf32, #tpu.memory_space<hbm>>
    %dma_wait3A_410 = tpu.memref_squeeze %dma_wait3A_409 : memref<1x16x1024xf32, #tpu.memory_space<hbm>> -> memref<16x1024xf32, #tpu.memory_space<hbm>>
    tpu.wait_dma2 semaphore(%arg16 : memref<!tpu.dma_semaphore, #tpu.memory_space<semaphore_mem>>) src(%dma_wait3A_410 : memref<16x1024xf32, #tpu.memory_space<hbm>>) dst(%arg9 : memref<16x1024xf32, #tpu.memory_space<vmem>>)
    %parallel_loop3A_411 = arith.constant 0 : i32
    %parallel_loop3A_412 = arith.constant 1024 : i32
    %parallel_loop3A_413 = arith.constant 1 : i32
    scf.for %parallel_loop3A_672 = %parallel_loop3A_411 to %parallel_loop3A_412 step %parallel_loop3A_413  : i32 {
      %parallel_loop3A_673 = arith.constant 64 : i32
      %parallel_loop3A_674 = arith.divsi %parallel_loop3A_672, %parallel_loop3A_673 : i32
      %parallel_loop3A_675 = arith.constant 0 : i32
      %parallel_loop3A_676 = arith.cmpi sgt, %parallel_loop3A_672, %parallel_loop3A_675 : i32
      %parallel_loop3A_677 = arith.extui %parallel_loop3A_676 : i1 to i32
      %parallel_loop3A_678 = arith.constant 0 : i32
      %parallel_loop3A_679 = arith.cmpi slt, %parallel_loop3A_672, %parallel_loop3A_678 : i32
      %parallel_loop3A_680 = arith.extui %parallel_loop3A_679 : i1 to i32
      %parallel_loop3A_681 = arith.subi %parallel_loop3A_677, %parallel_loop3A_680 : i32
      %parallel_loop3A_682 = arith.constant 0 : i32
      %parallel_loop3A_683 = arith.cmpi sgt, %parallel_loop3A_673, %parallel_loop3A_682 : i32
      %parallel_loop3A_684 = arith.extui %parallel_loop3A_683 : i1 to i32
      %parallel_loop3A_685 = arith.constant 0 : i32
      %parallel_loop3A_686 = arith.cmpi slt, %parallel_loop3A_673, %parallel_loop3A_685 : i32
      %parallel_loop3A_687 = arith.extui %parallel_loop3A_686 : i1 to i32
      %parallel_loop3A_688 = arith.subi %parallel_loop3A_684, %parallel_loop3A_687 : i32
      %parallel_loop3A_689 = arith.cmpi ne, %parallel_loop3A_681, %parallel_loop3A_688 : i32
      %parallel_loop3A_690 = arith.remsi %parallel_loop3A_672, %parallel_loop3A_673 : i32
      %parallel_loop3A_691 = arith.constant 0 : i32
      %parallel_loop3A_692 = arith.cmpi ne, %parallel_loop3A_690, %parallel_loop3A_691 : i32
      %parallel_loop3A_693 = arith.andi %parallel_loop3A_689, %parallel_loop3A_692 : i1
      %parallel_loop3A_694 = arith.constant 1 : i32
      %parallel_loop3A_695 = arith.subi %parallel_loop3A_674, %parallel_loop3A_694 : i32
      %parallel_loop3A_696 = arith.select %parallel_loop3A_693, %parallel_loop3A_695, %parallel_loop3A_674 : i32
      %parallel_loop3A_697 = arith.constant 64 : i32
      %parallel_loop3A_698 = arith.remsi %parallel_loop3A_672, %parallel_loop3A_697 : i32
      %parallel_loop3A_699 = arith.constant 16 : i32
      %parallel_loop3A_700 = arith.muli %parallel_loop3A_698, %parallel_loop3A_699 : i32
      %parallel_loop3A_701 = arith.index_cast %parallel_loop3A_696 : i32 to index
      %parallel_loop3A_702 = arith.index_cast %parallel_loop3A_700 : i32 to index
      %parallel_loop3A_703 = tpu.vector_load %arg10[%parallel_loop3A_701, %parallel_loop3A_702] {strides = array<i32>} : memref<16x1024xf32, #tpu.memory_space<vmem>>, vector<1x16xf32>,
      %parallel_loop3A_704 = vector.shape_cast %parallel_loop3A_703 : vector<1x16xf32> to vector<16xf32>
      %parallel_loop3A_705 = arith.index_cast %parallel_loop3A_696 : i32 to index
      %parallel_loop3A_706 = arith.index_cast %parallel_loop3A_700 : i32 to index
      %parallel_loop3A_707 = tpu.vector_load %arg9[%parallel_loop3A_705, %parallel_loop3A_706] {strides = array<i32>} : memref<16x1024xf32, #tpu.memory_space<vmem>>, vector<1x16xf32>,
      %parallel_loop3A_708 = vector.shape_cast %parallel_loop3A_707 : vector<1x16xf32> to vector<16xf32>
      %parallel_loop3A_709 = vector.shape_cast %parallel_loop3A_704 : vector<16xf32> to vector<1x16xf32>
      tpu.vector_store %arg9[%parallel_loop3A_705, %parallel_loop3A_706], %parallel_loop3A_709 {add = true, strides = array<i32>} : memref<16x1024xf32, #tpu.memory_space<vmem>>, vector<1x16xf32>,
    } {sc.loop_unroll_factor = 4 : i64, sc.parallel_access}
    %add3A_414 = arith.constant 32 : i32
    %add3A_415 = arith.addi %mul3A_2, %add3A_414 : i32
    %dma_start3A_416 = arith.constant 1 : i32
    %dma_start3A_417 = arith.constant 0 : i32
    %dma_start3A_418 = tpu.memref_slice %arg4[%dma_start3A_416, %add3A_415, %dma_start3A_417] : memref<4x2048x1024xf32, #tpu.memory_space<hbm>> -> memref<1x16x1024xf32, #tpu.memory_space<hbm>>
    %dma_start3A_419 = tpu.memref_squeeze %dma_start3A_418 : memref<1x16x1024xf32, #tpu.memory_space<hbm>> -> memref<16x1024xf32, #tpu.memory_space<hbm>>
    %dma_start3A_420 = arith.constant 0 : i32
    %dma_start3A_421 = tpu.memref_slice %arg4[%dma_start3A_416, %add3A_415, %dma_start3A_420] : memref<4x2048x1024xf32, #tpu.memory_space<hbm>> -> memref<1x16x1024xf32, #tpu.memory_space<hbm>>
    %dma_start3A_422 = tpu.memref_squeeze %dma_start3A_421 : memref<1x16x1024xf32, #tpu.memory_space<hbm>> -> memref<16x1024xf32, #tpu.memory_space<hbm>>
    tpu.enqueue_dma source(%arg9 : memref<16x1024xf32, #tpu.memory_space<vmem>>) target(%dma_start3A_422 : memref<16x1024xf32, #tpu.memory_space<hbm>>) target_semaphore(%arg21 : memref<!tpu.dma_semaphore, #tpu.memory_space<semaphore_mem>>)
    %add3A_423 = arith.constant 16 : i32
    %add3A_424 = arith.addi %mul3A_2, %add3A_423 : i32
    %dma_wait3A_425 = arith.constant 3 : i32
    %dma_wait3A_426 = arith.constant 0 : i32
    %dma_wait3A_427 = tpu.memref_slice %arg4[%dma_wait3A_425, %add3A_424, %dma_wait3A_426] : memref<4x2048x1024xf32, #tpu.memory_space<hbm>> -> memref<1x16x1024xf32, #tpu.memory_space<hbm>>
    %dma_wait3A_428 = tpu.memref_squeeze %dma_wait3A_427 : memref<1x16x1024xf32, #tpu.memory_space<hbm>> -> memref<16x1024xf32, #tpu.memory_space<hbm>>
    %dma_wait3A_429 = arith.constant 0 : i32
    %dma_wait3A_430 = tpu.memref_slice %arg4[%dma_wait3A_425, %add3A_424, %dma_wait3A_429] : memref<4x2048x1024xf32, #tpu.memory_space<hbm>> -> memref<1x16x1024xf32, #tpu.memory_space<hbm>>
    %dma_wait3A_431 = tpu.memref_squeeze %dma_wait3A_430 : memref<1x16x1024xf32, #tpu.memory_space<hbm>> -> memref<16x1024xf32, #tpu.memory_space<hbm>>
    tpu.wait_dma2 semaphore(%arg19 : memref<!tpu.dma_semaphore, #tpu.memory_space<semaphore_mem>>) src(%arg7 : memref<16x1024xf32, #tpu.memory_space<vmem>>) dst(%dma_wait3A_431 : memref<16x1024xf32, #tpu.memory_space<hbm>>)
    %add3A_432 = arith.constant 48 : i32
    %add3A_433 = arith.addi %mul3A_2, %add3A_432 : i32
    %dma_start3A_434 = arith.constant 0 : i32
    %dma_start3A_435 = arith.constant 0 : i32
    %dma_start3A_436 = tpu.memref_slice %arg2[%dma_start3A_434, %add3A_433, %dma_start3A_435] : memref<4x2048x1024xf32, #tpu.memory_space<hbm>> -> memref<1x16x1024xf32, #tpu.memory_space<hbm>>
    %dma_start3A_437 = tpu.memref_squeeze %dma_start3A_436 : memref<1x16x1024xf32, #tpu.memory_space<hbm>> -> memref<16x1024xf32, #tpu.memory_space<hbm>>
    %dma_start3A_438 = arith.constant 0 : i32
    %dma_start3A_439 = tpu.memref_slice %arg2[%dma_start3A_434, %add3A_433, %dma_start3A_438] : memref<4x2048x1024xf32, #tpu.memory_space<hbm>> -> memref<1x16x1024xf32, #tpu.memory_space<hbm>>
    %dma_start3A_440 = tpu.memref_squeeze %dma_start3A_439 : memref<1x16x1024xf32, #tpu.memory_space<hbm>> -> memref<16x1024xf32, #tpu.memory_space<hbm>>
    tpu.enqueue_dma source(%dma_start3A_440 : memref<16x1024xf32, #tpu.memory_space<hbm>>) target(%arg7 : memref<16x1024xf32, #tpu.memory_space<vmem>>) target_semaphore(%arg14 : memref<!tpu.dma_semaphore, #tpu.memory_space<semaphore_mem>>)
    %add3A_441 = arith.constant 32 : i32
    %add3A_442 = arith.addi %mul3A_2, %add3A_441 : i32
    %dma_wait3A_443 = arith.constant 2 : i32
    %dma_wait3A_444 = arith.constant 0 : i32
    %dma_wait3A_445 = tpu.memref_slice %arg2[%dma_wait3A_443, %add3A_442, %dma_wait3A_444] : memref<4x2048x1024xf32, #tpu.memory_space<hbm>> -> memref<1x16x1024xf32, #tpu.memory_space<hbm>>
    %dma_wait3A_446 = tpu.memref_squeeze %dma_wait3A_445 : memref<1x16x1024xf32, #tpu.memory_space<hbm>> -> memref<16x1024xf32, #tpu.memory_space<hbm>>
    %dma_wait3A_447 = arith.constant 0 : i32
    %dma_wait3A_448 = tpu.memref_slice %arg2[%dma_wait3A_443, %add3A_442, %dma_wait3A_447] : memref<4x2048x1024xf32, #tpu.memory_space<hbm>> -> memref<1x16x1024xf32, #tpu.memory_space<hbm>>
    %dma_wait3A_449 = tpu.memref_squeeze %dma_wait3A_448 : memref<1x16x1024xf32, #tpu.memory_space<hbm>> -> memref<16x1024xf32, #tpu.memory_space<hbm>>
    tpu.wait_dma2 semaphore(%arg12 : memref<!tpu.dma_semaphore, #tpu.memory_space<semaphore_mem>>) src(%dma_wait3A_449 : memref<16x1024xf32, #tpu.memory_space<hbm>>) dst(%arg5 : memref<16x1024xf32, #tpu.memory_space<vmem>>)
    %parallel_loop3A_450 = arith.constant 0 : i32
    %parallel_loop3A_451 = arith.constant 1024 : i32
    %parallel_loop3A_452 = arith.constant 1 : i32
    scf.for %parallel_loop3A_672 = %parallel_loop3A_450 to %parallel_loop3A_451 step %parallel_loop3A_452  : i32 {
      %parallel_loop3A_673 = arith.constant 64 : i32
      %parallel_loop3A_674 = arith.divsi %parallel_loop3A_672, %parallel_loop3A_673 : i32
      %parallel_loop3A_675 = arith.constant 0 : i32
      %parallel_loop3A_676 = arith.cmpi sgt, %parallel_loop3A_672, %parallel_loop3A_675 : i32
      %parallel_loop3A_677 = arith.extui %parallel_loop3A_676 : i1 to i32
      %parallel_loop3A_678 = arith.constant 0 : i32
      %parallel_loop3A_679 = arith.cmpi slt, %parallel_loop3A_672, %parallel_loop3A_678 : i32
      %parallel_loop3A_680 = arith.extui %parallel_loop3A_679 : i1 to i32
      %parallel_loop3A_681 = arith.subi %parallel_loop3A_677, %parallel_loop3A_680 : i32
      %parallel_loop3A_682 = arith.constant 0 : i32
      %parallel_loop3A_683 = arith.cmpi sgt, %parallel_loop3A_673, %parallel_loop3A_682 : i32
      %parallel_loop3A_684 = arith.extui %parallel_loop3A_683 : i1 to i32
      %parallel_loop3A_685 = arith.constant 0 : i32
      %parallel_loop3A_686 = arith.cmpi slt, %parallel_loop3A_673, %parallel_loop3A_685 : i32
      %parallel_loop3A_687 = arith.extui %parallel_loop3A_686 : i1 to i32
      %parallel_loop3A_688 = arith.subi %parallel_loop3A_684, %parallel_loop3A_687 : i32
      %parallel_loop3A_689 = arith.cmpi ne, %parallel_loop3A_681, %parallel_loop3A_688 : i32
      %parallel_loop3A_690 = arith.remsi %parallel_loop3A_672, %parallel_loop3A_673 : i32
      %parallel_loop3A_691 = arith.constant 0 : i32
      %parallel_loop3A_692 = arith.cmpi ne, %parallel_loop3A_690, %parallel_loop3A_691 : i32
      %parallel_loop3A_693 = arith.andi %parallel_loop3A_689, %parallel_loop3A_692 : i1
      %parallel_loop3A_694 = arith.constant 1 : i32
      %parallel_loop3A_695 = arith.subi %parallel_loop3A_674, %parallel_loop3A_694 : i32
      %parallel_loop3A_696 = arith.select %parallel_loop3A_693, %parallel_loop3A_695, %parallel_loop3A_674 : i32
      %parallel_loop3A_697 = arith.constant 64 : i32
      %parallel_loop3A_698 = arith.remsi %parallel_loop3A_672, %parallel_loop3A_697 : i32
      %parallel_loop3A_699 = arith.constant 16 : i32
      %parallel_loop3A_700 = arith.muli %parallel_loop3A_698, %parallel_loop3A_699 : i32
      %parallel_loop3A_701 = arith.index_cast %parallel_loop3A_696 : i32 to index
      %parallel_loop3A_702 = arith.index_cast %parallel_loop3A_700 : i32 to index
      %parallel_loop3A_703 = tpu.vector_load %arg10[%parallel_loop3A_701, %parallel_loop3A_702] {strides = array<i32>} : memref<16x1024xf32, #tpu.memory_space<vmem>>, vector<1x16xf32>,
      %parallel_loop3A_704 = vector.shape_cast %parallel_loop3A_703 : vector<1x16xf32> to vector<16xf32>
      %parallel_loop3A_705 = arith.index_cast %parallel_loop3A_696 : i32 to index
      %parallel_loop3A_706 = arith.index_cast %parallel_loop3A_700 : i32 to index
      %parallel_loop3A_707 = tpu.vector_load %arg5[%parallel_loop3A_705, %parallel_loop3A_706] {strides = array<i32>} : memref<16x1024xf32, #tpu.memory_space<vmem>>, vector<1x16xf32>,
      %parallel_loop3A_708 = vector.shape_cast %parallel_loop3A_707 : vector<1x16xf32> to vector<16xf32>
      %parallel_loop3A_709 = vector.shape_cast %parallel_loop3A_704 : vector<16xf32> to vector<1x16xf32>
      tpu.vector_store %arg5[%parallel_loop3A_705, %parallel_loop3A_706], %parallel_loop3A_709 {add = true, strides = array<i32>} : memref<16x1024xf32, #tpu.memory_space<vmem>>, vector<1x16xf32>,
    } {sc.loop_unroll_factor = 4 : i64, sc.parallel_access}
    %add3A_453 = arith.constant 32 : i32
    %add3A_454 = arith.addi %mul3A_2, %add3A_453 : i32
    %dma_start3A_455 = arith.constant 2 : i32
    %dma_start3A_456 = arith.constant 0 : i32
    %dma_start3A_457 = tpu.memref_slice %arg4[%dma_start3A_455, %add3A_454, %dma_start3A_456] : memref<4x2048x1024xf32, #tpu.memory_space<hbm>> -> memref<1x16x1024xf32, #tpu.memory_space<hbm>>
    %dma_start3A_458 = tpu.memref_squeeze %dma_start3A_457 : memref<1x16x1024xf32, #tpu.memory_space<hbm>> -> memref<16x1024xf32, #tpu.memory_space<hbm>>
    %dma_start3A_459 = arith.constant 0 : i32
    %dma_start3A_460 = tpu.memref_slice %arg4[%dma_start3A_455, %add3A_454, %dma_start3A_459] : memref<4x2048x1024xf32, #tpu.memory_space<hbm>> -> memref<1x16x1024xf32, #tpu.memory_space<hbm>>
    %dma_start3A_461 = tpu.memref_squeeze %dma_start3A_460 : memref<1x16x1024xf32, #tpu.memory_space<hbm>> -> memref<16x1024xf32, #tpu.memory_space<hbm>>
    tpu.enqueue_dma source(%arg5 : memref<16x1024xf32, #tpu.memory_space<vmem>>) target(%dma_start3A_461 : memref<16x1024xf32, #tpu.memory_space<hbm>>) target_semaphore(%arg17 : memref<!tpu.dma_semaphore, #tpu.memory_space<semaphore_mem>>)
    %add3A_462 = arith.constant 32 : i32
    %add3A_463 = arith.addi %mul3A_2, %add3A_462 : i32
    %dma_wait3A_464 = arith.constant 0 : i32
    %dma_wait3A_465 = arith.constant 0 : i32
    %dma_wait3A_466 = tpu.memref_slice %arg4[%dma_wait3A_464, %add3A_463, %dma_wait3A_465] : memref<4x2048x1024xf32, #tpu.memory_space<hbm>> -> memref<1x16x1024xf32, #tpu.memory_space<hbm>>
    %dma_wait3A_467 = tpu.memref_squeeze %dma_wait3A_466 : memref<1x16x1024xf32, #tpu.memory_space<hbm>> -> memref<16x1024xf32, #tpu.memory_space<hbm>>
    %dma_wait3A_468 = arith.constant 0 : i32
    %dma_wait3A_469 = tpu.memref_slice %arg4[%dma_wait3A_464, %add3A_463, %dma_wait3A_468] : memref<4x2048x1024xf32, #tpu.memory_space<hbm>> -> memref<1x16x1024xf32, #tpu.memory_space<hbm>>
    %dma_wait3A_470 = tpu.memref_squeeze %dma_wait3A_469 : memref<1x16x1024xf32, #tpu.memory_space<hbm>> -> memref<16x1024xf32, #tpu.memory_space<hbm>>
    tpu.wait_dma2 semaphore(%arg20 : memref<!tpu.dma_semaphore, #tpu.memory_space<semaphore_mem>>) src(%arg8 : memref<16x1024xf32, #tpu.memory_space<vmem>>) dst(%dma_wait3A_470 : memref<16x1024xf32, #tpu.memory_space<hbm>>)
    %add3A_471 = arith.constant 48 : i32
    %add3A_472 = arith.addi %mul3A_2, %add3A_471 : i32
    %dma_start3A_473 = arith.constant 1 : i32
    %dma_start3A_474 = arith.constant 0 : i32
    %dma_start3A_475 = tpu.memref_slice %arg2[%dma_start3A_473, %add3A_472, %dma_start3A_474] : memref<4x2048x1024xf32, #tpu.memory_space<hbm>> -> memref<1x16x1024xf32, #tpu.memory_space<hbm>>
    %dma_start3A_476 = tpu.memref_squeeze %dma_start3A_475 : memref<1x16x1024xf32, #tpu.memory_space<hbm>> -> memref<16x1024xf32, #tpu.memory_space<hbm>>
    %dma_start3A_477 = arith.constant 0 : i32
    %dma_start3A_478 = tpu.memref_slice %arg2[%dma_start3A_473, %add3A_472, %dma_start3A_477] : memref<4x2048x1024xf32, #tpu.memory_space<hbm>> -> memref<1x16x1024xf32, #tpu.memory_space<hbm>>
    %dma_start3A_479 = tpu.memref_squeeze %dma_start3A_478 : memref<1x16x1024xf32, #tpu.memory_space<hbm>> -> memref<16x1024xf32, #tpu.memory_space<hbm>>
    tpu.enqueue_dma source(%dma_start3A_479 : memref<16x1024xf32, #tpu.memory_space<hbm>>) target(%arg8 : memref<16x1024xf32, #tpu.memory_space<vmem>>) target_semaphore(%arg15 : memref<!tpu.dma_semaphore, #tpu.memory_space<semaphore_mem>>)
    %add3A_480 = arith.constant 32 : i32
    %add3A_481 = arith.addi %mul3A_2, %add3A_480 : i32
    %dma_wait3A_482 = arith.constant 3 : i32
    %dma_wait3A_483 = arith.constant 0 : i32
    %dma_wait3A_484 = tpu.memref_slice %arg2[%dma_wait3A_482, %add3A_481, %dma_wait3A_483] : memref<4x2048x1024xf32, #tpu.memory_space<hbm>> -> memref<1x16x1024xf32, #tpu.memory_space<hbm>>
    %dma_wait3A_485 = tpu.memref_squeeze %dma_wait3A_484 : memref<1x16x1024xf32, #tpu.memory_space<hbm>> -> memref<16x1024xf32, #tpu.memory_space<hbm>>
    %dma_wait3A_486 = arith.constant 0 : i32
    %dma_wait3A_487 = tpu.memref_slice %arg2[%dma_wait3A_482, %add3A_481, %dma_wait3A_486] : memref<4x2048x1024xf32, #tpu.memory_space<hbm>> -> memref<1x16x1024xf32, #tpu.memory_space<hbm>>
    %dma_wait3A_488 = tpu.memref_squeeze %dma_wait3A_487 : memref<1x16x1024xf32, #tpu.memory_space<hbm>> -> memref<16x1024xf32, #tpu.memory_space<hbm>>
    tpu.wait_dma2 semaphore(%arg13 : memref<!tpu.dma_semaphore, #tpu.memory_space<semaphore_mem>>) src(%dma_wait3A_488 : memref<16x1024xf32, #tpu.memory_space<hbm>>) dst(%arg6 : memref<16x1024xf32, #tpu.memory_space<vmem>>)
    %parallel_loop3A_489 = arith.constant 0 : i32
    %parallel_loop3A_490 = arith.constant 1024 : i32
    %parallel_loop3A_491 = arith.constant 1 : i32
    scf.for %parallel_loop3A_672 = %parallel_loop3A_489 to %parallel_loop3A_490 step %parallel_loop3A_491  : i32 {
      %parallel_loop3A_673 = arith.constant 64 : i32
      %parallel_loop3A_674 = arith.divsi %parallel_loop3A_672, %parallel_loop3A_673 : i32
      %parallel_loop3A_675 = arith.constant 0 : i32
      %parallel_loop3A_676 = arith.cmpi sgt, %parallel_loop3A_672, %parallel_loop3A_675 : i32
      %parallel_loop3A_677 = arith.extui %parallel_loop3A_676 : i1 to i32
      %parallel_loop3A_678 = arith.constant 0 : i32
      %parallel_loop3A_679 = arith.cmpi slt, %parallel_loop3A_672, %parallel_loop3A_678 : i32
      %parallel_loop3A_680 = arith.extui %parallel_loop3A_679 : i1 to i32
      %parallel_loop3A_681 = arith.subi %parallel_loop3A_677, %parallel_loop3A_680 : i32
      %parallel_loop3A_682 = arith.constant 0 : i32
      %parallel_loop3A_683 = arith.cmpi sgt, %parallel_loop3A_673, %parallel_loop3A_682 : i32
      %parallel_loop3A_684 = arith.extui %parallel_loop3A_683 : i1 to i32
      %parallel_loop3A_685 = arith.constant 0 : i32
      %parallel_loop3A_686 = arith.cmpi slt, %parallel_loop3A_673, %parallel_loop3A_685 : i32
      %parallel_loop3A_687 = arith.extui %parallel_loop3A_686 : i1 to i32
      %parallel_loop3A_688 = arith.subi %parallel_loop3A_684, %parallel_loop3A_687 : i32
      %parallel_loop3A_689 = arith.cmpi ne, %parallel_loop3A_681, %parallel_loop3A_688 : i32
      %parallel_loop3A_690 = arith.remsi %parallel_loop3A_672, %parallel_loop3A_673 : i32
      %parallel_loop3A_691 = arith.constant 0 : i32
      %parallel_loop3A_692 = arith.cmpi ne, %parallel_loop3A_690, %parallel_loop3A_691 : i32
      %parallel_loop3A_693 = arith.andi %parallel_loop3A_689, %parallel_loop3A_692 : i1
      %parallel_loop3A_694 = arith.constant 1 : i32
      %parallel_loop3A_695 = arith.subi %parallel_loop3A_674, %parallel_loop3A_694 : i32
      %parallel_loop3A_696 = arith.select %parallel_loop3A_693, %parallel_loop3A_695, %parallel_loop3A_674 : i32
      %parallel_loop3A_697 = arith.constant 64 : i32
      %parallel_loop3A_698 = arith.remsi %parallel_loop3A_672, %parallel_loop3A_697 : i32
      %parallel_loop3A_699 = arith.constant 16 : i32
      %parallel_loop3A_700 = arith.muli %parallel_loop3A_698, %parallel_loop3A_699 : i32
      %parallel_loop3A_701 = arith.index_cast %parallel_loop3A_696 : i32 to index
      %parallel_loop3A_702 = arith.index_cast %parallel_loop3A_700 : i32 to index
      %parallel_loop3A_703 = tpu.vector_load %arg10[%parallel_loop3A_701, %parallel_loop3A_702] {strides = array<i32>} : memref<16x1024xf32, #tpu.memory_space<vmem>>, vector<1x16xf32>,
      %parallel_loop3A_704 = vector.shape_cast %parallel_loop3A_703 : vector<1x16xf32> to vector<16xf32>
      %parallel_loop3A_705 = arith.index_cast %parallel_loop3A_696 : i32 to index
      %parallel_loop3A_706 = arith.index_cast %parallel_loop3A_700 : i32 to index
      %parallel_loop3A_707 = tpu.vector_load %arg6[%parallel_loop3A_705, %parallel_loop3A_706] {strides = array<i32>} : memref<16x1024xf32, #tpu.memory_space<vmem>>, vector<1x16xf32>,
      %parallel_loop3A_708 = vector.shape_cast %parallel_loop3A_707 : vector<1x16xf32> to vector<16xf32>
      %parallel_loop3A_709 = vector.shape_cast %parallel_loop3A_704 : vector<16xf32> to vector<1x16xf32>
      tpu.vector_store %arg6[%parallel_loop3A_705, %parallel_loop3A_706], %parallel_loop3A_709 {add = true, strides = array<i32>} : memref<16x1024xf32, #tpu.memory_space<vmem>>, vector<1x16xf32>,
    } {sc.loop_unroll_factor = 4 : i64, sc.parallel_access}
    %add3A_492 = arith.constant 32 : i32
    %add3A_493 = arith.addi %mul3A_2, %add3A_492 : i32
    %dma_start3A_494 = arith.constant 3 : i32
    %dma_start3A_495 = arith.constant 0 : i32
    %dma_start3A_496 = tpu.memref_slice %arg4[%dma_start3A_494, %add3A_493, %dma_start3A_495] : memref<4x2048x1024xf32, #tpu.memory_space<hbm>> -> memref<1x16x1024xf32, #tpu.memory_space<hbm>>
    %dma_start3A_497 = tpu.memref_squeeze %dma_start3A_496 : memref<1x16x1024xf32, #tpu.memory_space<hbm>> -> memref<16x1024xf32, #tpu.memory_space<hbm>>
    %dma_start3A_498 = arith.constant 0 : i32
    %dma_start3A_499 = tpu.memref_slice %arg4[%dma_start3A_494, %add3A_493, %dma_start3A_498] : memref<4x2048x1024xf32, #tpu.memory_space<hbm>> -> memref<1x16x1024xf32, #tpu.memory_space<hbm>>
    %dma_start3A_500 = tpu.memref_squeeze %dma_start3A_499 : memref<1x16x1024xf32, #tpu.memory_space<hbm>> -> memref<16x1024xf32, #tpu.memory_space<hbm>>
    tpu.enqueue_dma source(%arg6 : memref<16x1024xf32, #tpu.memory_space<vmem>>) target(%dma_start3A_500 : memref<16x1024xf32, #tpu.memory_space<hbm>>) target_semaphore(%arg18 : memref<!tpu.dma_semaphore, #tpu.memory_space<semaphore_mem>>)
    %add3A_501 = arith.constant 32 : i32
    %add3A_502 = arith.addi %mul3A_2, %add3A_501 : i32
    %dma_wait3A_503 = arith.constant 1 : i32
    %dma_wait3A_504 = arith.constant 0 : i32
    %dma_wait3A_505 = tpu.memref_slice %arg4[%dma_wait3A_503, %add3A_502, %dma_wait3A_504] : memref<4x2048x1024xf32, #tpu.memory_space<hbm>> -> memref<1x16x1024xf32, #tpu.memory_space<hbm>>
    %dma_wait3A_506 = tpu.memref_squeeze %dma_wait3A_505 : memref<1x16x1024xf32, #tpu.memory_space<hbm>> -> memref<16x1024xf32, #tpu.memory_space<hbm>>
    %dma_wait3A_507 = arith.constant 0 : i32
    %dma_wait3A_508 = tpu.memref_slice %arg4[%dma_wait3A_503, %add3A_502, %dma_wait3A_507] : memref<4x2048x1024xf32, #tpu.memory_space<hbm>> -> memref<1x16x1024xf32, #tpu.memory_space<hbm>>
    %dma_wait3A_509 = tpu.memref_squeeze %dma_wait3A_508 : memref<1x16x1024xf32, #tpu.memory_space<hbm>> -> memref<16x1024xf32, #tpu.memory_space<hbm>>
    tpu.wait_dma2 semaphore(%arg21 : memref<!tpu.dma_semaphore, #tpu.memory_space<semaphore_mem>>) src(%arg9 : memref<16x1024xf32, #tpu.memory_space<vmem>>) dst(%dma_wait3A_509 : memref<16x1024xf32, #tpu.memory_space<hbm>>)
    %add3A_510 = arith.constant 48 : i32
    %add3A_511 = arith.addi %mul3A_2, %add3A_510 : i32
    %dma_start3A_512 = arith.constant 2 : i32
    %dma_start3A_513 = arith.constant 0 : i32
    %dma_start3A_514 = tpu.memref_slice %arg2[%dma_start3A_512, %add3A_511, %dma_start3A_513] : memref<4x2048x1024xf32, #tpu.memory_space<hbm>> -> memref<1x16x1024xf32, #tpu.memory_space<hbm>>
    %dma_start3A_515 = tpu.memref_squeeze %dma_start3A_514 : memref<1x16x1024xf32, #tpu.memory_space<hbm>> -> memref<16x1024xf32, #tpu.memory_space<hbm>>
    %dma_start3A_516 = arith.constant 0 : i32
    %dma_start3A_517 = tpu.memref_slice %arg2[%dma_start3A_512, %add3A_511, %dma_start3A_516] : memref<4x2048x1024xf32, #tpu.memory_space<hbm>> -> memref<1x16x1024xf32, #tpu.memory_space<hbm>>
    %dma_start3A_518 = tpu.memref_squeeze %dma_start3A_517 : memref<1x16x1024xf32, #tpu.memory_space<hbm>> -> memref<16x1024xf32, #tpu.memory_space<hbm>>
    tpu.enqueue_dma source(%dma_start3A_518 : memref<16x1024xf32, #tpu.memory_space<hbm>>) target(%arg9 : memref<16x1024xf32, #tpu.memory_space<vmem>>) target_semaphore(%arg16 : memref<!tpu.dma_semaphore, #tpu.memory_space<semaphore_mem>>)
    %add3A_519 = arith.constant 48 : i32
    %add3A_520 = arith.addi %mul3A_2, %add3A_519 : i32
    %dma_wait3A_521 = arith.constant 0 : i32
    %dma_wait3A_522 = tpu.memref_slice %arg3[%add3A_520, %dma_wait3A_521] : memref<2048x1024xf32, #tpu.memory_space<hbm>> -> memref<16x1024xf32, #tpu.memory_space<hbm>>
    %dma_wait3A_523 = arith.constant 0 : i32
    %dma_wait3A_524 = tpu.memref_slice %arg3[%add3A_520, %dma_wait3A_523] : memref<2048x1024xf32, #tpu.memory_space<hbm>> -> memref<16x1024xf32, #tpu.memory_space<hbm>>
    tpu.wait_dma2 semaphore(%arg23 : memref<!tpu.dma_semaphore, #tpu.memory_space<semaphore_mem>>) src(%dma_wait3A_524 : memref<16x1024xf32, #tpu.memory_space<hbm>>) dst(%arg11 : memref<16x1024xf32, #tpu.memory_space<vmem>>)
    %add3A_525 = arith.constant 48 : i32
    %add3A_526 = arith.addi %mul3A_2, %add3A_525 : i32
    %dma_wait3A_527 = arith.constant 0 : i32
    %dma_wait3A_528 = arith.constant 0 : i32
    %dma_wait3A_529 = tpu.memref_slice %arg2[%dma_wait3A_527, %add3A_526, %dma_wait3A_528] : memref<4x2048x1024xf32, #tpu.memory_space<hbm>> -> memref<1x16x1024xf32, #tpu.memory_space<hbm>>
    %dma_wait3A_530 = tpu.memref_squeeze %dma_wait3A_529 : memref<1x16x1024xf32, #tpu.memory_space<hbm>> -> memref<16x1024xf32, #tpu.memory_space<hbm>>
    %dma_wait3A_531 = arith.constant 0 : i32
    %dma_wait3A_532 = tpu.memref_slice %arg2[%dma_wait3A_527, %add3A_526, %dma_wait3A_531] : memref<4x2048x1024xf32, #tpu.memory_space<hbm>> -> memref<1x16x1024xf32, #tpu.memory_space<hbm>>
    %dma_wait3A_533 = tpu.memref_squeeze %dma_wait3A_532 : memref<1x16x1024xf32, #tpu.memory_space<hbm>> -> memref<16x1024xf32, #tpu.memory_space<hbm>>
    tpu.wait_dma2 semaphore(%arg14 : memref<!tpu.dma_semaphore, #tpu.memory_space<semaphore_mem>>) src(%dma_wait3A_533 : memref<16x1024xf32, #tpu.memory_space<hbm>>) dst(%arg7 : memref<16x1024xf32, #tpu.memory_space<vmem>>)
    %parallel_loop3A_534 = arith.constant 0 : i32
    %parallel_loop3A_535 = arith.constant 1024 : i32
    %parallel_loop3A_536 = arith.constant 1 : i32
    scf.for %parallel_loop3A_672 = %parallel_loop3A_534 to %parallel_loop3A_535 step %parallel_loop3A_536  : i32 {
      %parallel_loop3A_673 = arith.constant 64 : i32
      %parallel_loop3A_674 = arith.divsi %parallel_loop3A_672, %parallel_loop3A_673 : i32
      %parallel_loop3A_675 = arith.constant 0 : i32
      %parallel_loop3A_676 = arith.cmpi sgt, %parallel_loop3A_672, %parallel_loop3A_675 : i32
      %parallel_loop3A_677 = arith.extui %parallel_loop3A_676 : i1 to i32
      %parallel_loop3A_678 = arith.constant 0 : i32
      %parallel_loop3A_679 = arith.cmpi slt, %parallel_loop3A_672, %parallel_loop3A_678 : i32
      %parallel_loop3A_680 = arith.extui %parallel_loop3A_679 : i1 to i32
      %parallel_loop3A_681 = arith.subi %parallel_loop3A_677, %parallel_loop3A_680 : i32
      %parallel_loop3A_682 = arith.constant 0 : i32
      %parallel_loop3A_683 = arith.cmpi sgt, %parallel_loop3A_673, %parallel_loop3A_682 : i32
      %parallel_loop3A_684 = arith.extui %parallel_loop3A_683 : i1 to i32
      %parallel_loop3A_685 = arith.constant 0 : i32
      %parallel_loop3A_686 = arith.cmpi slt, %parallel_loop3A_673, %parallel_loop3A_685 : i32
      %parallel_loop3A_687 = arith.extui %parallel_loop3A_686 : i1 to i32
      %parallel_loop3A_688 = arith.subi %parallel_loop3A_684, %parallel_loop3A_687 : i32
      %parallel_loop3A_689 = arith.cmpi ne, %parallel_loop3A_681, %parallel_loop3A_688 : i32
      %parallel_loop3A_690 = arith.remsi %parallel_loop3A_672, %parallel_loop3A_673 : i32
      %parallel_loop3A_691 = arith.constant 0 : i32
      %parallel_loop3A_692 = arith.cmpi ne, %parallel_loop3A_690, %parallel_loop3A_691 : i32
      %parallel_loop3A_693 = arith.andi %parallel_loop3A_689, %parallel_loop3A_692 : i1
      %parallel_loop3A_694 = arith.constant 1 : i32
      %parallel_loop3A_695 = arith.subi %parallel_loop3A_674, %parallel_loop3A_694 : i32
      %parallel_loop3A_696 = arith.select %parallel_loop3A_693, %parallel_loop3A_695, %parallel_loop3A_674 : i32
      %parallel_loop3A_697 = arith.constant 64 : i32
      %parallel_loop3A_698 = arith.remsi %parallel_loop3A_672, %parallel_loop3A_697 : i32
      %parallel_loop3A_699 = arith.constant 16 : i32
      %parallel_loop3A_700 = arith.muli %parallel_loop3A_698, %parallel_loop3A_699 : i32
      %parallel_loop3A_701 = arith.index_cast %parallel_loop3A_696 : i32 to index
      %parallel_loop3A_702 = arith.index_cast %parallel_loop3A_700 : i32 to index
      %parallel_loop3A_703 = tpu.vector_load %arg11[%parallel_loop3A_701, %parallel_loop3A_702] {strides = array<i32>} : memref<16x1024xf32, #tpu.memory_space<vmem>>, vector<1x16xf32>,
      %parallel_loop3A_704 = vector.shape_cast %parallel_loop3A_703 : vector<1x16xf32> to vector<16xf32>
      %parallel_loop3A_705 = arith.index_cast %parallel_loop3A_696 : i32 to index
      %parallel_loop3A_706 = arith.index_cast %parallel_loop3A_700 : i32 to index
      %parallel_loop3A_707 = tpu.vector_load %arg7[%parallel_loop3A_705, %parallel_loop3A_706] {strides = array<i32>} : memref<16x1024xf32, #tpu.memory_space<vmem>>, vector<1x16xf32>,
      %parallel_loop3A_708 = vector.shape_cast %parallel_loop3A_707 : vector<1x16xf32> to vector<16xf32>
      %parallel_loop3A_709 = vector.shape_cast %parallel_loop3A_704 : vector<16xf32> to vector<1x16xf32>
      tpu.vector_store %arg7[%parallel_loop3A_705, %parallel_loop3A_706], %parallel_loop3A_709 {add = true, strides = array<i32>} : memref<16x1024xf32, #tpu.memory_space<vmem>>, vector<1x16xf32>,
    } {sc.loop_unroll_factor = 4 : i64, sc.parallel_access}
    %add3A_537 = arith.constant 48 : i32
    %add3A_538 = arith.addi %mul3A_2, %add3A_537 : i32
    %dma_start3A_539 = arith.constant 0 : i32
    %dma_start3A_540 = arith.constant 0 : i32
    %dma_start3A_541 = tpu.memref_slice %arg4[%dma_start3A_539, %add3A_538, %dma_start3A_540] : memref<4x2048x1024xf32, #tpu.memory_space<hbm>> -> memref<1x16x1024xf32, #tpu.memory_space<hbm>>
    %dma_start3A_542 = tpu.memref_squeeze %dma_start3A_541 : memref<1x16x1024xf32, #tpu.memory_space<hbm>> -> memref<16x1024xf32, #tpu.memory_space<hbm>>
    %dma_start3A_543 = arith.constant 0 : i32
    %dma_start3A_544 = tpu.memref_slice %arg4[%dma_start3A_539, %add3A_538, %dma_start3A_543] : memref<4x2048x1024xf32, #tpu.memory_space<hbm>> -> memref<1x16x1024xf32, #tpu.memory_space<hbm>>
    %dma_start3A_545 = tpu.memref_squeeze %dma_start3A_544 : memref<1x16x1024xf32, #tpu.memory_space<hbm>> -> memref<16x1024xf32, #tpu.memory_space<hbm>>
    tpu.enqueue_dma source(%arg7 : memref<16x1024xf32, #tpu.memory_space<vmem>>) target(%dma_start3A_545 : memref<16x1024xf32, #tpu.memory_space<hbm>>) target_semaphore(%arg19 : memref<!tpu.dma_semaphore, #tpu.memory_space<semaphore_mem>>)
    %add3A_546 = arith.constant 32 : i32
    %add3A_547 = arith.addi %mul3A_2, %add3A_546 : i32
    %dma_wait3A_548 = arith.constant 2 : i32
    %dma_wait3A_549 = arith.constant 0 : i32
    %dma_wait3A_550 = tpu.memref_slice %arg4[%dma_wait3A_548, %add3A_547, %dma_wait3A_549] : memref<4x2048x1024xf32, #tpu.memory_space<hbm>> -> memref<1x16x1024xf32, #tpu.memory_space<hbm>>
    %dma_wait3A_551 = tpu.memref_squeeze %dma_wait3A_550 : memref<1x16x1024xf32, #tpu.memory_space<hbm>> -> memref<16x1024xf32, #tpu.memory_space<hbm>>
    %dma_wait3A_552 = arith.constant 0 : i32
    %dma_wait3A_553 = tpu.memref_slice %arg4[%dma_wait3A_548, %add3A_547, %dma_wait3A_552] : memref<4x2048x1024xf32, #tpu.memory_space<hbm>> -> memref<1x16x1024xf32, #tpu.memory_space<hbm>>
    %dma_wait3A_554 = tpu.memref_squeeze %dma_wait3A_553 : memref<1x16x1024xf32, #tpu.memory_space<hbm>> -> memref<16x1024xf32, #tpu.memory_space<hbm>>
    tpu.wait_dma2 semaphore(%arg17 : memref<!tpu.dma_semaphore, #tpu.memory_space<semaphore_mem>>) src(%arg5 : memref<16x1024xf32, #tpu.memory_space<vmem>>) dst(%dma_wait3A_554 : memref<16x1024xf32, #tpu.memory_space<hbm>>)
    %add3A_555 = arith.constant 48 : i32
    %add3A_556 = arith.addi %mul3A_2, %add3A_555 : i32
    %dma_start3A_557 = arith.constant 3 : i32
    %dma_start3A_558 = arith.constant 0 : i32
    %dma_start3A_559 = tpu.memref_slice %arg2[%dma_start3A_557, %add3A_556, %dma_start3A_558] : memref<4x2048x1024xf32, #tpu.memory_space<hbm>> -> memref<1x16x1024xf32, #tpu.memory_space<hbm>>
    %dma_start3A_560 = tpu.memref_squeeze %dma_start3A_559 : memref<1x16x1024xf32, #tpu.memory_space<hbm>> -> memref<16x1024xf32, #tpu.memory_space<hbm>>
    %dma_start3A_561 = arith.constant 0 : i32
    %dma_start3A_562 = tpu.memref_slice %arg2[%dma_start3A_557, %add3A_556, %dma_start3A_561] : memref<4x2048x1024xf32, #tpu.memory_space<hbm>> -> memref<1x16x1024xf32, #tpu.memory_space<hbm>>
    %dma_start3A_563 = tpu.memref_squeeze %dma_start3A_562 : memref<1x16x1024xf32, #tpu.memory_space<hbm>> -> memref<16x1024xf32, #tpu.memory_space<hbm>>
    tpu.enqueue_dma source(%dma_start3A_563 : memref<16x1024xf32, #tpu.memory_space<hbm>>) target(%arg5 : memref<16x1024xf32, #tpu.memory_space<vmem>>) target_semaphore(%arg12 : memref<!tpu.dma_semaphore, #tpu.memory_space<semaphore_mem>>)
    %add3A_564 = arith.constant 48 : i32
    %add3A_565 = arith.addi %mul3A_2, %add3A_564 : i32
    %dma_wait3A_566 = arith.constant 1 : i32
    %dma_wait3A_567 = arith.constant 0 : i32
    %dma_wait3A_568 = tpu.memref_slice %arg2[%dma_wait3A_566, %add3A_565, %dma_wait3A_567] : memref<4x2048x1024xf32, #tpu.memory_space<hbm>> -> memref<1x16x1024xf32, #tpu.memory_space<hbm>>
    %dma_wait3A_569 = tpu.memref_squeeze %dma_wait3A_568 : memref<1x16x1024xf32, #tpu.memory_space<hbm>> -> memref<16x1024xf32, #tpu.memory_space<hbm>>
    %dma_wait3A_570 = arith.constant 0 : i32
    %dma_wait3A_571 = tpu.memref_slice %arg2[%dma_wait3A_566, %add3A_565, %dma_wait3A_570] : memref<4x2048x1024xf32, #tpu.memory_space<hbm>> -> memref<1x16x1024xf32, #tpu.memory_space<hbm>>
    %dma_wait3A_572 = tpu.memref_squeeze %dma_wait3A_571 : memref<1x16x1024xf32, #tpu.memory_space<hbm>> -> memref<16x1024xf32, #tpu.memory_space<hbm>>
    tpu.wait_dma2 semaphore(%arg15 : memref<!tpu.dma_semaphore, #tpu.memory_space<semaphore_mem>>) src(%dma_wait3A_572 : memref<16x1024xf32, #tpu.memory_space<hbm>>) dst(%arg8 : memref<16x1024xf32, #tpu.memory_space<vmem>>)
    %parallel_loop3A_573 = arith.constant 0 : i32
    %parallel_loop3A_574 = arith.constant 1024 : i32
    %parallel_loop3A_575 = arith.constant 1 : i32
    scf.for %parallel_loop3A_672 = %parallel_loop3A_573 to %parallel_loop3A_574 step %parallel_loop3A_575  : i32 {
      %parallel_loop3A_673 = arith.constant 64 : i32
      %parallel_loop3A_674 = arith.divsi %parallel_loop3A_672, %parallel_loop3A_673 : i32
      %parallel_loop3A_675 = arith.constant 0 : i32
      %parallel_loop3A_676 = arith.cmpi sgt, %parallel_loop3A_672, %parallel_loop3A_675 : i32
      %parallel_loop3A_677 = arith.extui %parallel_loop3A_676 : i1 to i32
      %parallel_loop3A_678 = arith.constant 0 : i32
      %parallel_loop3A_679 = arith.cmpi slt, %parallel_loop3A_672, %parallel_loop3A_678 : i32
      %parallel_loop3A_680 = arith.extui %parallel_loop3A_679 : i1 to i32
      %parallel_loop3A_681 = arith.subi %parallel_loop3A_677, %parallel_loop3A_680 : i32
      %parallel_loop3A_682 = arith.constant 0 : i32
      %parallel_loop3A_683 = arith.cmpi sgt, %parallel_loop3A_673, %parallel_loop3A_682 : i32
      %parallel_loop3A_684 = arith.extui %parallel_loop3A_683 : i1 to i32
      %parallel_loop3A_685 = arith.constant 0 : i32
      %parallel_loop3A_686 = arith.cmpi slt, %parallel_loop3A_673, %parallel_loop3A_685 : i32
      %parallel_loop3A_687 = arith.extui %parallel_loop3A_686 : i1 to i32
      %parallel_loop3A_688 = arith.subi %parallel_loop3A_684, %parallel_loop3A_687 : i32
      %parallel_loop3A_689 = arith.cmpi ne, %parallel_loop3A_681, %parallel_loop3A_688 : i32
      %parallel_loop3A_690 = arith.remsi %parallel_loop3A_672, %parallel_loop3A_673 : i32
      %parallel_loop3A_691 = arith.constant 0 : i32
      %parallel_loop3A_692 = arith.cmpi ne, %parallel_loop3A_690, %parallel_loop3A_691 : i32
      %parallel_loop3A_693 = arith.andi %parallel_loop3A_689, %parallel_loop3A_692 : i1
      %parallel_loop3A_694 = arith.constant 1 : i32
      %parallel_loop3A_695 = arith.subi %parallel_loop3A_674, %parallel_loop3A_694 : i32
      %parallel_loop3A_696 = arith.select %parallel_loop3A_693, %parallel_loop3A_695, %parallel_loop3A_674 : i32
      %parallel_loop3A_697 = arith.constant 64 : i32
      %parallel_loop3A_698 = arith.remsi %parallel_loop3A_672, %parallel_loop3A_697 : i32
      %parallel_loop3A_699 = arith.constant 16 : i32
      %parallel_loop3A_700 = arith.muli %parallel_loop3A_698, %parallel_loop3A_699 : i32
      %parallel_loop3A_701 = arith.index_cast %parallel_loop3A_696 : i32 to index
      %parallel_loop3A_702 = arith.index_cast %parallel_loop3A_700 : i32 to index
      %parallel_loop3A_703 = tpu.vector_load %arg11[%parallel_loop3A_701, %parallel_loop3A_702] {strides = array<i32>} : memref<16x1024xf32, #tpu.memory_space<vmem>>, vector<1x16xf32>,
      %parallel_loop3A_704 = vector.shape_cast %parallel_loop3A_703 : vector<1x16xf32> to vector<16xf32>
      %parallel_loop3A_705 = arith.index_cast %parallel_loop3A_696 : i32 to index
      %parallel_loop3A_706 = arith.index_cast %parallel_loop3A_700 : i32 to index
      %parallel_loop3A_707 = tpu.vector_load %arg8[%parallel_loop3A_705, %parallel_loop3A_706] {strides = array<i32>} : memref<16x1024xf32, #tpu.memory_space<vmem>>, vector<1x16xf32>,
      %parallel_loop3A_708 = vector.shape_cast %parallel_loop3A_707 : vector<1x16xf32> to vector<16xf32>
      %parallel_loop3A_709 = vector.shape_cast %parallel_loop3A_704 : vector<16xf32> to vector<1x16xf32>
      tpu.vector_store %arg8[%parallel_loop3A_705, %parallel_loop3A_706], %parallel_loop3A_709 {add = true, strides = array<i32>} : memref<16x1024xf32, #tpu.memory_space<vmem>>, vector<1x16xf32>,
    } {sc.loop_unroll_factor = 4 : i64, sc.parallel_access}
    %add3A_576 = arith.constant 48 : i32
    %add3A_577 = arith.addi %mul3A_2, %add3A_576 : i32
    %dma_start3A_578 = arith.constant 1 : i32
    %dma_start3A_579 = arith.constant 0 : i32
    %dma_start3A_580 = tpu.memref_slice %arg4[%dma_start3A_578, %add3A_577, %dma_start3A_579] : memref<4x2048x1024xf32, #tpu.memory_space<hbm>> -> memref<1x16x1024xf32, #tpu.memory_space<hbm>>
    %dma_start3A_581 = tpu.memref_squeeze %dma_start3A_580 : memref<1x16x1024xf32, #tpu.memory_space<hbm>> -> memref<16x1024xf32, #tpu.memory_space<hbm>>
    %dma_start3A_582 = arith.constant 0 : i32
    %dma_start3A_583 = tpu.memref_slice %arg4[%dma_start3A_578, %add3A_577, %dma_start3A_582] : memref<4x2048x1024xf32, #tpu.memory_space<hbm>> -> memref<1x16x1024xf32, #tpu.memory_space<hbm>>
    %dma_start3A_584 = tpu.memref_squeeze %dma_start3A_583 : memref<1x16x1024xf32, #tpu.memory_space<hbm>> -> memref<16x1024xf32, #tpu.memory_space<hbm>>
    tpu.enqueue_dma source(%arg8 : memref<16x1024xf32, #tpu.memory_space<vmem>>) target(%dma_start3A_584 : memref<16x1024xf32, #tpu.memory_space<hbm>>) target_semaphore(%arg20 : memref<!tpu.dma_semaphore, #tpu.memory_space<semaphore_mem>>)
    %add3A_585 = arith.constant 48 : i32
    %add3A_586 = arith.addi %mul3A_2, %add3A_585 : i32
    %dma_wait3A_587 = arith.constant 2 : i32
    %dma_wait3A_588 = arith.constant 0 : i32
    %dma_wait3A_589 = tpu.memref_slice %arg2[%dma_wait3A_587, %add3A_586, %dma_wait3A_588] : memref<4x2048x1024xf32, #tpu.memory_space<hbm>> -> memref<1x16x1024xf32, #tpu.memory_space<hbm>>
    %dma_wait3A_590 = tpu.memref_squeeze %dma_wait3A_589 : memref<1x16x1024xf32, #tpu.memory_space<hbm>> -> memref<16x1024xf32, #tpu.memory_space<hbm>>
    %dma_wait3A_591 = arith.constant 0 : i32
    %dma_wait3A_592 = tpu.memref_slice %arg2[%dma_wait3A_587, %add3A_586, %dma_wait3A_591] : memref<4x2048x1024xf32, #tpu.memory_space<hbm>> -> memref<1x16x1024xf32, #tpu.memory_space<hbm>>
    %dma_wait3A_593 = tpu.memref_squeeze %dma_wait3A_592 : memref<1x16x1024xf32, #tpu.memory_space<hbm>> -> memref<16x1024xf32, #tpu.memory_space<hbm>>
    tpu.wait_dma2 semaphore(%arg16 : memref<!tpu.dma_semaphore, #tpu.memory_space<semaphore_mem>>) src(%dma_wait3A_593 : memref<16x1024xf32, #tpu.memory_space<hbm>>) dst(%arg9 : memref<16x1024xf32, #tpu.memory_space<vmem>>)
    %parallel_loop3A_594 = arith.constant 0 : i32
    %parallel_loop3A_595 = arith.constant 1024 : i32
    %parallel_loop3A_596 = arith.constant 1 : i32
    scf.for %parallel_loop3A_672 = %parallel_loop3A_594 to %parallel_loop3A_595 step %parallel_loop3A_596  : i32 {
      %parallel_loop3A_673 = arith.constant 64 : i32
      %parallel_loop3A_674 = arith.divsi %parallel_loop3A_672, %parallel_loop3A_673 : i32
      %parallel_loop3A_675 = arith.constant 0 : i32
      %parallel_loop3A_676 = arith.cmpi sgt, %parallel_loop3A_672, %parallel_loop3A_675 : i32
      %parallel_loop3A_677 = arith.extui %parallel_loop3A_676 : i1 to i32
      %parallel_loop3A_678 = arith.constant 0 : i32
      %parallel_loop3A_679 = arith.cmpi slt, %parallel_loop3A_672, %parallel_loop3A_678 : i32
      %parallel_loop3A_680 = arith.extui %parallel_loop3A_679 : i1 to i32
      %parallel_loop3A_681 = arith.subi %parallel_loop3A_677, %parallel_loop3A_680 : i32
      %parallel_loop3A_682 = arith.constant 0 : i32
      %parallel_loop3A_683 = arith.cmpi sgt, %parallel_loop3A_673, %parallel_loop3A_682 : i32
      %parallel_loop3A_684 = arith.extui %parallel_loop3A_683 : i1 to i32
      %parallel_loop3A_685 = arith.constant 0 : i32
      %parallel_loop3A_686 = arith.cmpi slt, %parallel_loop3A_673, %parallel_loop3A_685 : i32
      %parallel_loop3A_687 = arith.extui %parallel_loop3A_686 : i1 to i32
      %parallel_loop3A_688 = arith.subi %parallel_loop3A_684, %parallel_loop3A_687 : i32
      %parallel_loop3A_689 = arith.cmpi ne, %parallel_loop3A_681, %parallel_loop3A_688 : i32
      %parallel_loop3A_690 = arith.remsi %parallel_loop3A_672, %parallel_loop3A_673 : i32
      %parallel_loop3A_691 = arith.constant 0 : i32
      %parallel_loop3A_692 = arith.cmpi ne, %parallel_loop3A_690, %parallel_loop3A_691 : i32
      %parallel_loop3A_693 = arith.andi %parallel_loop3A_689, %parallel_loop3A_692 : i1
      %parallel_loop3A_694 = arith.constant 1 : i32
      %parallel_loop3A_695 = arith.subi %parallel_loop3A_674, %parallel_loop3A_694 : i32
      %parallel_loop3A_696 = arith.select %parallel_loop3A_693, %parallel_loop3A_695, %parallel_loop3A_674 : i32
      %parallel_loop3A_697 = arith.constant 64 : i32
      %parallel_loop3A_698 = arith.remsi %parallel_loop3A_672, %parallel_loop3A_697 : i32
      %parallel_loop3A_699 = arith.constant 16 : i32
      %parallel_loop3A_700 = arith.muli %parallel_loop3A_698, %parallel_loop3A_699 : i32
      %parallel_loop3A_701 = arith.index_cast %parallel_loop3A_696 : i32 to index
      %parallel_loop3A_702 = arith.index_cast %parallel_loop3A_700 : i32 to index
      %parallel_loop3A_703 = tpu.vector_load %arg11[%parallel_loop3A_701, %parallel_loop3A_702] {strides = array<i32>} : memref<16x1024xf32, #tpu.memory_space<vmem>>, vector<1x16xf32>,
      %parallel_loop3A_704 = vector.shape_cast %parallel_loop3A_703 : vector<1x16xf32> to vector<16xf32>
      %parallel_loop3A_705 = arith.index_cast %parallel_loop3A_696 : i32 to index
      %parallel_loop3A_706 = arith.index_cast %parallel_loop3A_700 : i32 to index
      %parallel_loop3A_707 = tpu.vector_load %arg9[%parallel_loop3A_705, %parallel_loop3A_706] {strides = array<i32>} : memref<16x1024xf32, #tpu.memory_space<vmem>>, vector<1x16xf32>,
      %parallel_loop3A_708 = vector.shape_cast %parallel_loop3A_707 : vector<1x16xf32> to vector<16xf32>
      %parallel_loop3A_709 = vector.shape_cast %parallel_loop3A_704 : vector<16xf32> to vector<1x16xf32>
      tpu.vector_store %arg9[%parallel_loop3A_705, %parallel_loop3A_706], %parallel_loop3A_709 {add = true, strides = array<i32>} : memref<16x1024xf32, #tpu.memory_space<vmem>>, vector<1x16xf32>,
    } {sc.loop_unroll_factor = 4 : i64, sc.parallel_access}
    %add3A_597 = arith.constant 48 : i32
    %add3A_598 = arith.addi %mul3A_2, %add3A_597 : i32
    %dma_start3A_599 = arith.constant 2 : i32
    %dma_start3A_600 = arith.constant 0 : i32
    %dma_start3A_601 = tpu.memref_slice %arg4[%dma_start3A_599, %add3A_598, %dma_start3A_600] : memref<4x2048x1024xf32, #tpu.memory_space<hbm>> -> memref<1x16x1024xf32, #tpu.memory_space<hbm>>
    %dma_start3A_602 = tpu.memref_squeeze %dma_start3A_601 : memref<1x16x1024xf32, #tpu.memory_space<hbm>> -> memref<16x1024xf32, #tpu.memory_space<hbm>>
    %dma_start3A_603 = arith.constant 0 : i32
    %dma_start3A_604 = tpu.memref_slice %arg4[%dma_start3A_599, %add3A_598, %dma_start3A_603] : memref<4x2048x1024xf32, #tpu.memory_space<hbm>> -> memref<1x16x1024xf32, #tpu.memory_space<hbm>>
    %dma_start3A_605 = tpu.memref_squeeze %dma_start3A_604 : memref<1x16x1024xf32, #tpu.memory_space<hbm>> -> memref<16x1024xf32, #tpu.memory_space<hbm>>
    tpu.enqueue_dma source(%arg9 : memref<16x1024xf32, #tpu.memory_space<vmem>>) target(%dma_start3A_605 : memref<16x1024xf32, #tpu.memory_space<hbm>>) target_semaphore(%arg21 : memref<!tpu.dma_semaphore, #tpu.memory_space<semaphore_mem>>)
    %add3A_606 = arith.constant 48 : i32
    %add3A_607 = arith.addi %mul3A_2, %add3A_606 : i32
    %dma_wait3A_608 = arith.constant 3 : i32
    %dma_wait3A_609 = arith.constant 0 : i32
    %dma_wait3A_610 = tpu.memref_slice %arg2[%dma_wait3A_608, %add3A_607, %dma_wait3A_609] : memref<4x2048x1024xf32, #tpu.memory_space<hbm>> -> memref<1x16x1024xf32, #tpu.memory_space<hbm>>
    %dma_wait3A_611 = tpu.memref_squeeze %dma_wait3A_610 : memref<1x16x1024xf32, #tpu.memory_space<hbm>> -> memref<16x1024xf32, #tpu.memory_space<hbm>>
    %dma_wait3A_612 = arith.constant 0 : i32
    %dma_wait3A_613 = tpu.memref_slice %arg2[%dma_wait3A_608, %add3A_607, %dma_wait3A_612] : memref<4x2048x1024xf32, #tpu.memory_space<hbm>> -> memref<1x16x1024xf32, #tpu.memory_space<hbm>>
    %dma_wait3A_614 = tpu.memref_squeeze %dma_wait3A_613 : memref<1x16x1024xf32, #tpu.memory_space<hbm>> -> memref<16x1024xf32, #tpu.memory_space<hbm>>
    tpu.wait_dma2 semaphore(%arg12 : memref<!tpu.dma_semaphore, #tpu.memory_space<semaphore_mem>>) src(%dma_wait3A_614 : memref<16x1024xf32, #tpu.memory_space<hbm>>) dst(%arg5 : memref<16x1024xf32, #tpu.memory_space<vmem>>)
    %parallel_loop3A_615 = arith.constant 0 : i32
    %parallel_loop3A_616 = arith.constant 1024 : i32
    %parallel_loop3A_617 = arith.constant 1 : i32
    scf.for %parallel_loop3A_672 = %parallel_loop3A_615 to %parallel_loop3A_616 step %parallel_loop3A_617  : i32 {
      %parallel_loop3A_673 = arith.constant 64 : i32
      %parallel_loop3A_674 = arith.divsi %parallel_loop3A_672, %parallel_loop3A_673 : i32
      %parallel_loop3A_675 = arith.constant 0 : i32
      %parallel_loop3A_676 = arith.cmpi sgt, %parallel_loop3A_672, %parallel_loop3A_675 : i32
      %parallel_loop3A_677 = arith.extui %parallel_loop3A_676 : i1 to i32
      %parallel_loop3A_678 = arith.constant 0 : i32
      %parallel_loop3A_679 = arith.cmpi slt, %parallel_loop3A_672, %parallel_loop3A_678 : i32
      %parallel_loop3A_680 = arith.extui %parallel_loop3A_679 : i1 to i32
      %parallel_loop3A_681 = arith.subi %parallel_loop3A_677, %parallel_loop3A_680 : i32
      %parallel_loop3A_682 = arith.constant 0 : i32
      %parallel_loop3A_683 = arith.cmpi sgt, %parallel_loop3A_673, %parallel_loop3A_682 : i32
      %parallel_loop3A_684 = arith.extui %parallel_loop3A_683 : i1 to i32
      %parallel_loop3A_685 = arith.constant 0 : i32
      %parallel_loop3A_686 = arith.cmpi slt, %parallel_loop3A_673, %parallel_loop3A_685 : i32
      %parallel_loop3A_687 = arith.extui %parallel_loop3A_686 : i1 to i32
      %parallel_loop3A_688 = arith.subi %parallel_loop3A_684, %parallel_loop3A_687 : i32
      %parallel_loop3A_689 = arith.cmpi ne, %parallel_loop3A_681, %parallel_loop3A_688 : i32
      %parallel_loop3A_690 = arith.remsi %parallel_loop3A_672, %parallel_loop3A_673 : i32
      %parallel_loop3A_691 = arith.constant 0 : i32
      %parallel_loop3A_692 = arith.cmpi ne, %parallel_loop3A_690, %parallel_loop3A_691 : i32
      %parallel_loop3A_693 = arith.andi %parallel_loop3A_689, %parallel_loop3A_692 : i1
      %parallel_loop3A_694 = arith.constant 1 : i32
      %parallel_loop3A_695 = arith.subi %parallel_loop3A_674, %parallel_loop3A_694 : i32
      %parallel_loop3A_696 = arith.select %parallel_loop3A_693, %parallel_loop3A_695, %parallel_loop3A_674 : i32
      %parallel_loop3A_697 = arith.constant 64 : i32
      %parallel_loop3A_698 = arith.remsi %parallel_loop3A_672, %parallel_loop3A_697 : i32
      %parallel_loop3A_699 = arith.constant 16 : i32
      %parallel_loop3A_700 = arith.muli %parallel_loop3A_698, %parallel_loop3A_699 : i32
      %parallel_loop3A_701 = arith.index_cast %parallel_loop3A_696 : i32 to index
      %parallel_loop3A_702 = arith.index_cast %parallel_loop3A_700 : i32 to index
      %parallel_loop3A_703 = tpu.vector_load %arg11[%parallel_loop3A_701, %parallel_loop3A_702] {strides = array<i32>} : memref<16x1024xf32, #tpu.memory_space<vmem>>, vector<1x16xf32>,
      %parallel_loop3A_704 = vector.shape_cast %parallel_loop3A_703 : vector<1x16xf32> to vector<16xf32>
      %parallel_loop3A_705 = arith.index_cast %parallel_loop3A_696 : i32 to index
      %parallel_loop3A_706 = arith.index_cast %parallel_loop3A_700 : i32 to index
      %parallel_loop3A_707 = tpu.vector_load %arg5[%parallel_loop3A_705, %parallel_loop3A_706] {strides = array<i32>} : memref<16x1024xf32, #tpu.memory_space<vmem>>, vector<1x16xf32>,
      %parallel_loop3A_708 = vector.shape_cast %parallel_loop3A_707 : vector<1x16xf32> to vector<16xf32>
      %parallel_loop3A_709 = vector.shape_cast %parallel_loop3A_704 : vector<16xf32> to vector<1x16xf32>
      tpu.vector_store %arg5[%parallel_loop3A_705, %parallel_loop3A_706], %parallel_loop3A_709 {add = true, strides = array<i32>} : memref<16x1024xf32, #tpu.memory_space<vmem>>, vector<1x16xf32>,
    } {sc.loop_unroll_factor = 4 : i64, sc.parallel_access}
    %add3A_618 = arith.constant 48 : i32
    %add3A_619 = arith.addi %mul3A_2, %add3A_618 : i32
    %dma_start3A_620 = arith.constant 3 : i32
    %dma_start3A_621 = arith.constant 0 : i32
    %dma_start3A_622 = tpu.memref_slice %arg4[%dma_start3A_620, %add3A_619, %dma_start3A_621] : memref<4x2048x1024xf32, #tpu.memory_space<hbm>> -> memref<1x16x1024xf32, #tpu.memory_space<hbm>>
    %dma_start3A_623 = tpu.memref_squeeze %dma_start3A_622 : memref<1x16x1024xf32, #tpu.memory_space<hbm>> -> memref<16x1024xf32, #tpu.memory_space<hbm>>
    %dma_start3A_624 = arith.constant 0 : i32
    %dma_start3A_625 = tpu.memref_slice %arg4[%dma_start3A_620, %add3A_619, %dma_start3A_624] : memref<4x2048x1024xf32, #tpu.memory_space<hbm>> -> memref<1x16x1024xf32, #tpu.memory_space<hbm>>
    %dma_start3A_626 = tpu.memref_squeeze %dma_start3A_625 : memref<1x16x1024xf32, #tpu.memory_space<hbm>> -> memref<16x1024xf32, #tpu.memory_space<hbm>>
    tpu.enqueue_dma source(%arg5 : memref<16x1024xf32, #tpu.memory_space<vmem>>) target(%dma_start3A_626 : memref<16x1024xf32, #tpu.memory_space<hbm>>) target_semaphore(%arg17 : memref<!tpu.dma_semaphore, #tpu.memory_space<semaphore_mem>>)
    %add3A_627 = arith.constant 32 : i32
    %add3A_628 = arith.addi %mul3A_2, %add3A_627 : i32
    %dma_wait3A_629 = arith.constant 3 : i32
    %dma_wait3A_630 = arith.constant 0 : i32
    %dma_wait3A_631 = tpu.memref_slice %arg4[%dma_wait3A_629, %add3A_628, %dma_wait3A_630] : memref<4x2048x1024xf32, #tpu.memory_space<hbm>> -> memref<1x16x1024xf32, #tpu.memory_space<hbm>>
    %dma_wait3A_632 = tpu.memref_squeeze %dma_wait3A_631 : memref<1x16x1024xf32, #tpu.memory_space<hbm>> -> memref<16x1024xf32, #tpu.memory_space<hbm>>
    %dma_wait3A_633 = arith.constant 0 : i32
    %dma_wait3A_634 = tpu.memref_slice %arg4[%dma_wait3A_629, %add3A_628, %dma_wait3A_633] : memref<4x2048x1024xf32, #tpu.memory_space<hbm>> -> memref<1x16x1024xf32, #tpu.memory_space<hbm>>
    %dma_wait3A_635 = tpu.memref_squeeze %dma_wait3A_634 : memref<1x16x1024xf32, #tpu.memory_space<hbm>> -> memref<16x1024xf32, #tpu.memory_space<hbm>>
    tpu.wait_dma2 semaphore(%arg18 : memref<!tpu.dma_semaphore, #tpu.memory_space<semaphore_mem>>) src(%arg6 : memref<16x1024xf32, #tpu.memory_space<vmem>>) dst(%dma_wait3A_635 : memref<16x1024xf32, #tpu.memory_space<hbm>>)
    %add3A_636 = arith.constant 48 : i32
    %add3A_637 = arith.addi %mul3A_2, %add3A_636 : i32
    %dma_wait3A_638 = arith.constant 0 : i32
    %dma_wait3A_639 = arith.constant 0 : i32
    %dma_wait3A_640 = tpu.memref_slice %arg4[%dma_wait3A_638, %add3A_637, %dma_wait3A_639] : memref<4x2048x1024xf32, #tpu.memory_space<hbm>> -> memref<1x16x1024xf32, #tpu.memory_space<hbm>>
    %dma_wait3A_641 = tpu.memref_squeeze %dma_wait3A_640 : memref<1x16x1024xf32, #tpu.memory_space<hbm>> -> memref<16x1024xf32, #tpu.memory_space<hbm>>
    %dma_wait3A_642 = arith.constant 0 : i32
    %dma_wait3A_643 = tpu.memref_slice %arg4[%dma_wait3A_638, %add3A_637, %dma_wait3A_642] : memref<4x2048x1024xf32, #tpu.memory_space<hbm>> -> memref<1x16x1024xf32, #tpu.memory_space<hbm>>
    %dma_wait3A_644 = tpu.memref_squeeze %dma_wait3A_643 : memref<1x16x1024xf32, #tpu.memory_space<hbm>> -> memref<16x1024xf32, #tpu.memory_space<hbm>>
    tpu.wait_dma2 semaphore(%arg19 : memref<!tpu.dma_semaphore, #tpu.memory_space<semaphore_mem>>) src(%arg7 : memref<16x1024xf32, #tpu.memory_space<vmem>>) dst(%dma_wait3A_644 : memref<16x1024xf32, #tpu.memory_space<hbm>>)
    %add3A_645 = arith.constant 48 : i32
    %add3A_646 = arith.addi %mul3A_2, %add3A_645 : i32
    %dma_wait3A_647 = arith.constant 1 : i32
    %dma_wait3A_648 = arith.constant 0 : i32
    %dma_wait3A_649 = tpu.memref_slice %arg4[%dma_wait3A_647, %add3A_646, %dma_wait3A_648] : memref<4x2048x1024xf32, #tpu.memory_space<hbm>> -> memref<1x16x1024xf32, #tpu.memory_space<hbm>>
    %dma_wait3A_650 = tpu.memref_squeeze %dma_wait3A_649 : memref<1x16x1024xf32, #tpu.memory_space<hbm>> -> memref<16x1024xf32, #tpu.memory_space<hbm>>
    %dma_wait3A_651 = arith.constant 0 : i32
    %dma_wait3A_652 = tpu.memref_slice %arg4[%dma_wait3A_647, %add3A_646, %dma_wait3A_651] : memref<4x2048x1024xf32, #tpu.memory_space<hbm>> -> memref<1x16x1024xf32, #tpu.memory_space<hbm>>
    %dma_wait3A_653 = tpu.memref_squeeze %dma_wait3A_652 : memref<1x16x1024xf32, #tpu.memory_space<hbm>> -> memref<16x1024xf32, #tpu.memory_space<hbm>>
    tpu.wait_dma2 semaphore(%arg20 : memref<!tpu.dma_semaphore, #tpu.memory_space<semaphore_mem>>) src(%arg8 : memref<16x1024xf32, #tpu.memory_space<vmem>>) dst(%dma_wait3A_653 : memref<16x1024xf32, #tpu.memory_space<hbm>>)
    %add3A_654 = arith.constant 48 : i32
    %add3A_655 = arith.addi %mul3A_2, %add3A_654 : i32
    %dma_wait3A_656 = arith.constant 2 : i32
    %dma_wait3A_657 = arith.constant 0 : i32
    %dma_wait3A_658 = tpu.memref_slice %arg4[%dma_wait3A_656, %add3A_655, %dma_wait3A_657] : memref<4x2048x1024xf32, #tpu.memory_space<hbm>> -> memref<1x16x1024xf32, #tpu.memory_space<hbm>>
    %dma_wait3A_659 = tpu.memref_squeeze %dma_wait3A_658 : memref<1x16x1024xf32, #tpu.memory_space<hbm>> -> memref<16x1024xf32, #tpu.memory_space<hbm>>
    %dma_wait3A_660 = arith.constant 0 : i32
    %dma_wait3A_661 = tpu.memref_slice %arg4[%dma_wait3A_656, %add3A_655, %dma_wait3A_660] : memref<4x2048x1024xf32, #tpu.memory_space<hbm>> -> memref<1x16x1024xf32, #tpu.memory_space<hbm>>
    %dma_wait3A_662 = tpu.memref_squeeze %dma_wait3A_661 : memref<1x16x1024xf32, #tpu.memory_space<hbm>> -> memref<16x1024xf32, #tpu.memory_space<hbm>>
    tpu.wait_dma2 semaphore(%arg21 : memref<!tpu.dma_semaphore, #tpu.memory_space<semaphore_mem>>) src(%arg9 : memref<16x1024xf32, #tpu.memory_space<vmem>>) dst(%dma_wait3A_662 : memref<16x1024xf32, #tpu.memory_space<hbm>>)
    %add3A_663 = arith.constant 48 : i32
    %add3A_664 = arith.addi %mul3A_2, %add3A_663 : i32
    %dma_wait3A_665 = arith.constant 3 : i32
    %dma_wait3A_666 = arith.constant 0 : i32
    %dma_wait3A_667 = tpu.memref_slice %arg4[%dma_wait3A_665, %add3A_664, %dma_wait3A_666] : memref<4x2048x1024xf32, #tpu.memory_space<hbm>> -> memref<1x16x1024xf32, #tpu.memory_space<hbm>>
    %dma_wait3A_668 = tpu.memref_squeeze %dma_wait3A_667 : memref<1x16x1024xf32, #tpu.memory_space<hbm>> -> memref<16x1024xf32, #tpu.memory_space<hbm>>
    %dma_wait3A_669 = arith.constant 0 : i32
    %dma_wait3A_670 = tpu.memref_slice %arg4[%dma_wait3A_665, %add3A_664, %dma_wait3A_669] : memref<4x2048x1024xf32, #tpu.memory_space<hbm>> -> memref<1x16x1024xf32, #tpu.memory_space<hbm>>
    %dma_wait3A_671 = tpu.memref_squeeze %dma_wait3A_670 : memref<1x16x1024xf32, #tpu.memory_space<hbm>> -> memref<16x1024xf32, #tpu.memory_space<hbm>>
    tpu.wait_dma2 semaphore(%arg17 : memref<!tpu.dma_semaphore, #tpu.memory_space<semaphore_mem>>) src(%arg5 : memref<16x1024xf32, #tpu.memory_space<vmem>>) dst(%dma_wait3A_671 : memref<16x1024xf32, #tpu.memory_space<hbm>>)
    return
  }
}

</mosaic_0001>

<sc_bundles>
// kernel: kernel.3.cloned.1.call-start
scs
__scs_entry_jumppad:
0x0: {  	(pc) =	sbr.rel $0x88, $3  }
0x1: {  	(tag) =	ssettag $0x0;
	lr =	simm.s32 $0x1  }
0x2: {  	[smem:$0x3F9F] =	sst lr;
	_ =	strace $0xD0000000  }
0x3: {  	_ = 	snop  }
0x4: {  	_ = 	snop  }
0x5: {  	_ = 	snop  }
0x6: {  	_ = 	snop  }
0x7: {  	_ = 	snop  }
__scs_overlays_trampoline_lowered:
0x8: {  	[smem:$0x3FAE] =	sst s0  }
0x9: {  	[smem:$0x3FAF] =	sst s1  }
0xa: {  	[smem:$0x3FB0] =	sst s2  }
0xb: {  	[smem:$0x3FB1] =	sst s3  }
0xc: {  	[smem:$0x3FB2] =	sst s4  }
0xd: {  	[smem:$0x3FB3] =	sst s5  }
0xe: {  	[smem:$0x3FB4] =	sst s6  }
0xf: {  	[smem:$0x3FB5] =	sst s7  }
0x10: {  	[smem:$0x3FB6] =	sst s8  }
0x11: {  	[smem:$0x3FB7] =	sst s9;
	s0 =	simm.s32 @!p0 $0x0  }
0x12: {  	s1 =	sld [smem:$0x3F9D];
	s0 =	simm.s32 @p0 $0x1  }
0x13: {  	[smem:$0x3FB8] =	sst s0;
	s0 =	simm.s32 @!p1 $0x0  }
0x14: {  	s2 =	sld [smem:$0x3F9C];
	s0 =	simm.s32 @p1 $0x1  }
0x15: {  	[smem:$0x3FB9] =	sst s0;
	s0 =	simm.s32 @!p2 $0x0  }
0x16: {  	s3 =	sld [smem:$0x3FDB];
	s0 =	simm.s32 @p2 $0x1  }
0x17: {  	s4 =	simm.s32 $0x1BF5;
	[smem:$0x3FBB] =	sst s0  }
0x18: {  	s0 =	sld [smem:$0x3F9E];
	_ =	swait.ge [sflag:s4], $0x0  }
0x19: {  	s7 =	sld [smem:$0x3F9F]  }
0x1a: {  	s8 =	sadd.s32 $0xFFFFE003, lr  }
0x1b: {  	s9 =	sadd.s32 $0xFFFFFEF7, lr;
	s5 =	simm.s32 $0xFFFFFFFF;
	p2 =	slt.u32 s8, $0xFFFFF086  }
0x1c: {  	p1 =	slt.u32 s9, $0xF7A;
	s5 =	simm.s32 @!p2 $0x0  }
0x1d: {  	s5 =	simm.s32 @p1 $0x1;
	p0 =	seq.s32 s7, s2  }
0x1e: {  	s7 =	smul.u32 @!p0 $0xF7A, s2;
	p2 =	seq.s32 @!p0 s5, $0x0  }
0x1f: {  	s9 =	smul.u32 $0xF7A, s1;
	s8 =	simm.s32 @!p0 $0x1BF5;
	p2 =	por !p2, p0  }
0x20: {  	[sflag:s8] =	ssyncset.s32 @!p0 $0xFFFFF086;
	s6 =	sadd.s32 @!p0 s3, s7;
	s7 =	simm.s32 @!p0 $0x108  }
0x21: {  	s3 =	sadd.s32 s3, s9;
	s6 =	sadd.s32 @!p0 $0x88, s6;
	s7 =	simm.s32 @p2 $0x1082  }
0x22: {  	[simem:s7], [sflag:s8] =	dma.local @!p0 [hbm:s6], $0xF7A  }
0x23: {  	s9 =	sor.u32 $0xD0000000, s2;
	s6 =	simm.s32 $0x108;
	_ =	swait.ge @!p0 [sflag:s8], $0x0  }
0x24: {  	s3 =	sadd.s32 $0x88, s3;
	s6 =	simm.s32 @!p1 $0x1082;
	[sflag:s4] =	ssyncset.s32 $0xFFFFF086  }
0x25: {  	[simem:s6], [sflag:s4] =	dma.local [hbm:s3], $0xF7A  }
0x26: {  	[smem:$0x3F9F] =	sst s1;
	(tag) =	ssettag s2;
	_ =	strace s9  }
0x27: {  	s1 =	sld [smem:$0x3FAF]  }
0x28: {  	s2 =	sld [smem:$0x3FB0]  }
0x29: {  	s4 =	sld [smem:$0x3FB2]  }
0x2a: {  	p0 =	seq.s32 s5, $0x0;
	s5 =	sld [smem:$0x3FB3]  }
0x2b: {  	s6 =	sld [smem:$0x3FB4]  }
0x2c: {  	s7 =	sld [smem:$0x3FB5]  }
0x2d: {  	s3 =	simm.s32 $0x108;
	s8 =	sld [smem:$0x3FB6]  }
0x2e: {  	s3 =	simm.s32 @!p0 $0x1082;
	s9 =	sld [smem:$0x3FB7]  }
0x2f: {  	lr =	sadd.s32 s0, s3;
	s0 =	sld [smem:$0x3FAE]  }
0x30: {  	s3 =	sld [smem:$0x3FB1]  }
0x31: {  	[smem:$0x3FBA] =	sst s10  }
0x32: {  	s10 =	sld [smem:$0x3FB8];
	_ =	sdelay $0x3  }
0x33: {  	p0 =	seq.s32 s10, $0x1;
	s10 =	sld [smem:$0x3FBA];
	_ =	sdelay $0x3  }
0x34: {  	[smem:$0x3FBA] =	sst s10  }
0x35: {  	s10 =	sld [smem:$0x3FB9];
	_ =	sdelay $0x3  }
0x36: {  	p1 =	seq.s32 s10, $0x1;
	s10 =	sld [smem:$0x3FBA];
	_ =	sdelay $0x3  }
0x37: {  	[smem:$0x3FBA] =	sst s10  }
0x38: {  	s10 =	sld [smem:$0x3FBB]  }
0x39: {  	_ = 	snop;
	(pc) =	sbr.ind lr, $3  }
0x3a: {  	_ = 	snop  }
0x3b: {  	_ = 	snop  }
0x3c: {  	p2 =	seq.s32 s10, $0x1;
	s10 =	sld [smem:$0x3FBA]  }
0x3d: {  	_ =	shalt  }
0x3e: {  	_ =	shalt  }
0x3f: {  	_ =	shalt  }
0x40: {  	_ =	shalt  }
0x41: {  	_ =	shalt  }
0x42: {  	_ =	shalt  }
0x43: {  	_ =	shalt  }
0x44: {  	_ =	shalt  }
0x45: {  	_ =	shalt  }
0x46: {  	_ =	shalt  }
0x47: {  	_ =	shalt  }
0x48: {  	_ =	shalt  }
0x49: {  	_ =	shalt  }
0x4a: {  	_ =	shalt  }
0x4b: {  	_ =	shalt  }
0x4c: {  	_ =	shalt  }
0x4d: {  	_ =	shalt  }
0x4e: {  	_ =	shalt  }
0x4f: {  	_ =	shalt  }
0x50: {  	_ =	shalt  }
0x51: {  	_ =	shalt  }
0x52: {  	_ =	shalt  }
0x53: {  	_ =	shalt  }
0x54: {  	_ =	shalt  }
0x55: {  	_ =	shalt  }
0x56: {  	_ =	shalt  }
0x57: {  	_ =	shalt  }
0x58: {  	_ =	shalt  }
0x59: {  	_ =	shalt  }
0x5a: {  	_ =	shalt  }
0x5b: {  	_ =	shalt  }
0x5c: {  	_ =	shalt  }
0x5d: {  	_ =	shalt  }
0x5e: {  	_ =	shalt  }
0x5f: {  	_ =	shalt  }
0x60: {  	_ =	shalt  }
0x61: {  	_ =	shalt  }
0x62: {  	_ =	shalt  }
0x63: {  	_ =	shalt  }
0x64: {  	_ =	shalt  }
0x65: {  	_ =	shalt  }
0x66: {  	_ =	shalt  }
0x67: {  	_ =	shalt  }
0x68: {  	_ =	shalt  }
0x69: {  	_ =	shalt  }
0x6a: {  	_ =	shalt  }
0x6b: {  	_ =	shalt  }
0x6c: {  	_ =	shalt  }
0x6d: {  	_ =	shalt  }
0x6e: {  	_ =	shalt  }
0x6f: {  	_ =	shalt  }
0x70: {  	_ =	shalt  }
0x71: {  	_ =	shalt  }
0x72: {  	_ =	shalt  }
0x73: {  	_ =	shalt  }
0x74: {  	_ =	shalt  }
0x75: {  	_ =	shalt  }
0x76: {  	_ =	shalt  }
0x77: {  	_ =	shalt  }
0x78: {  	_ =	shalt  }
0x79: {  	_ =	shalt  }
0x7a: {  	_ =	shalt  }
0x7b: {  	_ =	shalt  }
0x7c: {  	_ =	shalt  }
0x7d: {  	_ =	shalt  }
0x7e: {  	_ =	shalt  }
0x7f: {  	_ =	shalt  }
0x80: {  	_ =	shalt  }
0x81: {  	_ =	shalt  }
0x82: {  	_ =	shalt  }
0x83: {  	_ =	shalt  }
0x84: {  	_ =	shalt  }
0x85: {  	_ =	shalt  }
0x86: {  	_ =	shalt  }
0x87: {  	_ =	shalt  }
.Lfunc_end0:
.L_simem_size_0:
called_computation_lowered:
.L_overlay_start_0:
0x88: {  	s2 =	sld [smem:$0x3FD9]  }
0x89: {  	s3 =	sld [smem:$0x3FFE];
	_ =	sdelay $0x1  }
0x8a: {  	s1 =	srdreg.scid  }
0x8b: {  	s0 =	sand.u32 $0x1, s1  }
0x8c: {  	s18 =	sshll.u32 s0, $0xA;
	s2 =	sadd.s32 s3, s2  }
0x8d: {  	s2 =	sadd.s32 s2, s18  }
0x8e: {  	[smem:$0x3FC6] =	sst s2  }
0x8f: {  	_ = 	snop  }
0x90: {  	s2 =	sld [smem:$0x3FC9]  }
0x91: {  	s19 =	sld [smem:$0x3FC8]  }
0x92: {  	s4 =	sld [smem:$0x3FD0];
	(tm) =	ssettm $0x1  }
0x93: {  	s5 =	sld [smem:$0x3FFB];
	_ =	sdelay $0x3  }
0x94: {  	_ =	strace s5  }
0x95: {  	s5 =	sld [smem:$0x3FFC];
	_ =	sdelay $0x3  }
0x96: {  	_ =	strace s5  }
0x97: {  	s5 =	sld [smem:$0x3FFD];
	_ =	sdelay $0x3  }
0x98: {  	_ =	strace s5  }
0x99: {  	_ =	strace $0x8FFFFFFF  }
0x9a: {  	s20 =	sld [smem:$0x3FDB];
	_ =	sdelay $0x1  }
0x9b: {  	s6 =	simm.s32 $_scs_section_size  }
0x9c: {  	s7 =	simm.s32 $_size__tile_overlayer_lowered;
	s8 =	simm.s32 $_tile_overlayer_lowered  }
0x9d: {  	s23 =	simm.s32 $0x1BFF;
	s22 =	sshll.u32 s8, $0x1;
	s5 =	sadd.s32 s6, s20  }
0x9e: {  	s9 =	simm.s32 $0x0;
	s21 =	sshll.u32 s7, $0x1;
	s7 =	sadd.s32 s22, s5  }
0x9f: {  	[timem:s9], [sflag:s23] =	dma.local [hbm:s7], s21  }
0xa0: {  	_ =	swait.ge [sflag:s23], s21  }
0xa1: {  	s6 =	ssub.s32 $0x0, s21;
	[sflag:s23] =	ssyncset.done $0x0  }
0xa2: {  	[sflag:s23] =	ssyncadd.s32 s6;
	_ =	sdelay $0x1  }
0xa3: {  	s24 =	simm.s32 $0x1B8B  }
0xa4: {  	_ =	swait.ge [sflag:s24], $0x1  }
0xa5: {  	[sflag:s24] =	ssyncset.done $0x0  }
0xa6: {  	s25 =	simm.s32 $0x1B8E;
	[sflag:s24] =	ssyncadd.s32 $0xFFFFFFFF  }
0xa7: {  	s26 =	simm.s32 $execute0_lowered;
	[smem:$0x3FD2] =	sst s25  }
0xa8: {  	s6 =	sshll.u32 s26, $0x1;
	_ =	strace $0x80000046;
	[dreg:$0x1] =	wrdreg $0xFFFFFFFF  }
0xa9: {  	s28 =	simm.s32 $_size_execute0_lowered;
	s5 =	sadd.s32 s5, s6;
	[dreg:$0x0] =	wrdreg $0x0  }
0xaa: {  	s6 =	sshll.u32 s28, $0x1;
	[dreg:$0x2] =	wrdreg s5  }
0xab: {  	[dreg:$0x3] =	wrdreg s6  }
0xac: {  	[dreg:$0x4] =	wrdreg $0xC0  }
0xad: {  	_ =	task [dreg:s9], $0x5FFFF  }
0xae: {  	[dreg:$0x1] =	wrdreg $0xFFFFFFFF  }
0xaf: {  	[dreg:$0x0] =	wrdreg $0x60  }
0xb0: {  	[dreg:$0x2] =	wrdreg s2  }
0xb1: {  	[dreg:$0x3] =	wrdreg s19  }
0xb2: {  	[dreg:$0x4] =	wrdreg s4  }
0xb3: {  	[dreg:$0x5] =	wrdreg $0x9  }
0xb4: {  	_ =	task.clear_ibuf [dreg:s9], $0x6FFFF;
	_ =	strace $0x90000046  }
0xb5: {  	s29 =	simm.s32 $0x9;
	_ =	strace $0x80000048  }
0xb6: {  	_ =	swait.ge [sflag:s29], $0x1  }
0xb7: {  	[sflag:s29] =	ssyncadd.s32 $0xFFFFFFFF  }
0xb8: {  	_ =	strace $0x90000048  }
0xb9: {  	_ =	sfence  }
0xba: {  	s30 =	sld [smem:$0x0];
	_ =	sdelay $0x2  }
0xbb: {  	s31 =	sshll.u32 s1, $0xD;
	s1 =	sshrl.u32 s1, $0x2  }
0xbc: {  	s3 =	sand.u32 $0x4000, s31;
	s1 =	sadd.s32 s1, s30  }
0xbd: {  	s0 =	sor.u32 s3, s0;
	s1 =	sshll.u32 s1, $0x11  }
0xbe: {  	s0 =	sor.u32 s1, s0  }
0xbf: {  	s0 =	sadd.s32 $0x8F2B, s0  }
0xc0: {  	[sflag:s0] =	ssyncadd.remote.s32 $0x1  }
0xc1: {  	_ =	sfence.sel $0xFFFF  }
0xc2: {  	[dreg:$0x0] =	wrdreg $0xFFFFFFFF;
	(pc) =	sbr.abs _section_cstart, $3  }
0xc3: {  	[dreg:$0x1] =	wrdreg $0xFFFFFFFF  }
0xc4: {  	_ =	task.clear_ibuf [dreg:s9], $0x2FFFF;
	_ =	strace $0x9FFFFFFF  }
0xc5: {  	(tm) =	ssettm $0x7FFFFFFF  }
tec
execute0_lowered:
.L_overlay_start_1:
0x0: {  	(tag) =	ssettag $0x1  }
0x1: {  	s0 =	rddreg [dreg:$0x0];
	s1 =	srdreg.scid  }
0x2: {  	s2 =	rddreg [dreg:$0x1];
	s5 =	stileid.u32;
	s1 =	sand.u32 $0x1, s1  }
0x3: {  	s3 =	rddreg [dreg:$0x2];
	s5 =	sshll.u32 s5, $0xE;
	s6 =	sshll.u32 s1, $0xD  }
0x4: {  	s4 =	ssub.s32 $0x2, s1;
	s1 =	simm.s32 $0x0;
	s5 =	sor.u32 s6, s5  }
0x5: {  	[smem:$0x7FF] =	sst s1;
	s13 =	sor.u32 $0x40000, s5;
	s6 =	sadd.s32 s2, s5  }
0x6: {  	s15 =	sor.u32 $0x80000, s5;
	[dreg:$0x4] =	wrdreg s6;
	s14 =	sadd.s32 s0, s13  }
0x7: {  	s17 =	sor.u32 $0x800, s5;
	s16 =	sadd.s32 s0, s15;
	[dreg:$0x5] =	wrdreg s14  }
0x8: {  	s9 =	sor.u32 $0xC0000, s5;
	s10 =	sadd.s32 s2, s17;
	[dreg:$0x6] =	wrdreg s16  }
0x9: {  	s7 =	sshrl.u32 s4, $0x1;
	s18 =	sadd.s32 s0, s9;
	[dreg:$0x7] =	wrdreg s10  }
0xa: {  	s8 =	ssub.s32 s4, s7;
	s4 =	sadd.s32 s3, s13;
	[dreg:$0x8] =	wrdreg s18  }
0xb: {  	s19 =	sadd.s32 s0, s17;
	[dreg:$0x9] =	wrdreg s4  }
0xc: {  	s21 =	sor.u32 $0x40800, s5;
	s20 =	sadd.s32 s3, s15;
	[dreg:$0xa] =	wrdreg s19  }
0xd: {  	s22 =	sadd.s32 s0, s21;
	[dreg:$0xb] =	wrdreg s20  }
0xe: {  	s24 =	sor.u32 $0x80800, s5;
	s23 =	sadd.s32 s3, s9;
	[dreg:$0xc] =	wrdreg s22  }
0xf: {  	s26 =	sor.u32 $0x1000, s5;
	s25 =	sadd.s32 s0, s24;
	[dreg:$0xd] =	wrdreg s23  }
0x10: {  	s11 =	sadd.s32 s2, s26;
	[dreg:$0xe] =	wrdreg s25  }
0x11: {  	s28 =	sor.u32 $0xC0800, s5;
	s7 =	sadd.s32 s3, s17;
	[dreg:$0xf] =	wrdreg s11  }
0x12: {  	s31 =	sor.u32 $0x1800, s5;
	s29 =	sadd.s32 s0, s28;
	[dreg:$0x10] =	wrdreg s7  }
0x13: {  	s30 =	sadd.s32 s3, s24;
	s2 =	sadd.s32 s2, s31;
	[dreg:$0x11] =	wrdreg s29  }
0x14: {  	s12 =	sadd.s32 s0, s26;
	s13 =	sadd.s32 s3, s26;
	[dreg:$0x13] =	wrdreg s30  }
0x15: {  	s15 =	sor.u32 $0x81000, s5;
	s24 =	sor.u32 $0x41800, s5;
	[dreg:$0x15] =	wrdreg s2  }
0x16: {  	s26 =	sor.u32 $0xC1800, s5;
	s8 =	smax.u32 s8, $0x1;
	[dreg:$0x16] =	wrdreg s12  }
0x17: {  	s9 =	simm.s32 $0x5;
	s4 =	sadd.s32 s3, s21;
	[dreg:$0x17] =	wrdreg s13  }
0x18: {  	s10 =	sadd.s32 s3, s28;
	s11 =	sor.u32 $0x41000, s5;
	[dreg:$0x12] =	wrdreg s4  }
0x19: {  	s16 =	sor.u32 $0xC1000, s5;
	s17 =	sadd.s32 s0, s15;
	[dreg:$0x14] =	wrdreg s10  }
0x1a: {  	s20 =	sadd.s32 s0, s31;
	s21 =	sadd.s32 s3, s31;
	[dreg:$0x1a] =	wrdreg s17  }
0x1b: {  	s22 =	sadd.s32 s0, s5;
	s23 =	sadd.s32 s3, s5;
	[dreg:$0x1e] =	wrdreg s20  }
0x1c: {  	s25 =	sor.u32 $0x81800, s5;
	s28 =	sadd.s32 s0, s24;
	[dreg:$0x1f] =	wrdreg s21  }
0x1d: {  	s30 =	sadd.s32 s3, s24;
	s7 =	sadd.s32 s3, s26;
	[smem:$0x7F7] =	sst s22  }
0x1e: {  	s12 =	simm.s32 $0xB;
	s24 =	simm.s32 $0x9;
	[smem:$0x7F8] =	sst s23  }
0x1f: {  	s13 =	simm.s32 $0xA;
	s14 =	sadd.s32 s0, s11;
	[smem:$0x7F9] =	sst s28  }
0x20: {  	s2 =	sadd.s32 s3, s11;
	s18 =	sadd.s32 s0, s16;
	[smem:$0x7FC] =	sst s30  }
0x21: {  	s19 =	sadd.s32 s3, s16;
	s29 =	sadd.s32 s0, s25;
	[dreg:$0x18] =	wrdreg s14  }
0x22: {  	s0 =	sadd.s32 s0, s26;
	s31 =	sadd.s32 s3, s25;
	[dreg:$0x19] =	wrdreg s2  }
0x23: {  	s10 =	simm.s32 $0x4000;
	s11 =	simm.s32 $0x8000;
	[dreg:$0x1c] =	wrdreg s18  }
0x24: {  	s16 =	simm.s32 $0x2;
	s17 =	simm.s32 $0x10000;
	[dreg:$0x1d] =	wrdreg s19  }
0x25: {  	s20 =	simm.s32 $0x4;
	s21 =	simm.s32 $0x7;
	[smem:$0x7FA] =	sst s29  }
0x26: {  	s22 =	simm.s32 $0xC;
	s23 =	simm.s32 $0x8;
	[smem:$0x7FB] =	sst s0  }
0x27: {  	s25 =	simm.s32 $0x0;
	s2 =	sadd.s32 s3, s15;
	[smem:$0x7FD] =	sst s31  }
0x28: {  	s14 =	simm.s32 $0x1;
	s15 =	simm.s32 $0xC000;
	[dreg:$0x1b] =	wrdreg s2  }
0x29: {  	s18 =	simm.s32 $0x3;
	s19 =	simm.s32 $0x6;
	_ =	strace $0x80000047  }
.LBB2_1:
0x2a: {  	s0 =	rddreg [dreg:$0x4]  }
0x2b: {  	s2 =	simm.s32 $0x14000;
	s5 =	sld [smem:$0x7F7]  }
0x2c: {  	[tilespmem:s2], [sflag:$0xB] =	stream.linear.gather [hbm4b:s0+s1], $0x4000, $0x38;
	[tilespmem:$0x1C000] =	vst v63  }
0x2d: {  	_ = 	snop  }
0x2e: {  	[tilespmem:s1], [sflag:$0x1] =	stream.linear.gather [hbm4b:s5+s1], $0x4000, $0x38;
	[tilespmem:$0x1C000] =	vst v63  }
0x2f: {  	s6 =	rddreg [dreg:$0x5]  }
0x30: {  	[tilespmem:s10], [sflag:$0x2] =	stream.linear.gather [hbm4b:s6+s1], $0x4000, $0x38;
	[tilespmem:$0x1C000] =	vst v63  }
0x31: {  	s26 =	rddreg [dreg:$0x6]  }
0x32: {  	[tilespmem:s11], [sflag:$0x3] =	stream.linear.gather [hbm4b:s26+s1], $0x4000, $0x38;
	[tilespmem:$0x1C000] =	vst v63  }
0x33: {  	_ =	swait.ge [sflag:s12], $0x4000  }
0x34: {  	s3 =	simm.s32 $0x18000;
	[sflag:s12] =	ssyncset.done $0x0  }
0x35: {  	s4 =	simm.s32 $0x0;
	s2 =	rddreg [dreg:$0x7];
	[sflag:s12] =	ssyncadd.s32 $0xFFFFC000  }
0x36: {  	[tilespmem:s3], [sflag:$0xC] =	stream.linear.gather [hbm4b:s2+s1], $0x4000, $0x38;
	[tilespmem:$0x1C000] =	vst v63  }
0x37: {  	s0 =	sand.u32 $0x2000, s4;
	s5 =	sand.u32 $0x1C00, s1;
	s3 =	simm.s32 $0x0  }
0x38: {  	s0 =	sor.u32 s5, s0;
	_ =	swait.ge [sflag:s14], $0x4000;
	s6 =	sand.u32 $0x380, s3  }
0x39: {  	s26 =	sand.u32 $0x40, s1;
	[sflag:s14] =	ssyncset.done $0x0;
	s0 =	sor.u32 s6, s0  }
0x3a: {  	[sflag:s14] =	ssyncadd.s32 $0xFFFFC000;
	s0 =	sor.u32 s26, s0  }
0x3b: {  	v1 =	vld [tilespmem:s0+$0x14030]  }
0x3c: {  	v2 =	vld [tilespmem:s0+$0x14000]  }
0x3d: {  	v3 =	vld [tilespmem:s0+$0x14010]  }
0x3e: {  	s28 =	simm.s32 $0x8;
	s4 =	simm.s32 $0x40;
	s26 =	simm.s32 $0x200  }
0x3f: {  	s2 =	sand.u32 $0x2000, s4;
	s5 =	sand.u32 $0x1C00, s26;
	v0 =	vld [tilespmem:s0+$0x14020];
	s29 =	sor.u32 $0x30, s0  }
0x40: {  	s6 =	sand.u32 $0x380, s28;
	s28 =	simm.s32 $0x40;
	s2 =	sor.u32 s5, s2;
	[tilespmem:s29+$0x0] =	vst.add.f32.msk $0xffff, v1  }
0x41: {  	s30 =	sor.u32 $0x10, s0;
	s2 =	sor.u32 s6, s2;
	s29 =	sand.u32 $0x40, s28;
	[tilespmem:s0+$0x0] =	vst.add.f32.msk $0xffff, v2  }
0x42: {  	[tilespmem:s30+$0x0] =	vst.add.f32.msk $0xffff, v3;
	s29 =	sor.u32 s29, s2  }
0x43: {  	s2 =	sor.u32 $0x20, s0;
	v1 =	vld [tilespmem:s29+$0x14030]  }
0x44: {  	s0 =	simm.s32 $0x4;
	s30 =	sor.u32 $0x10, s29;
	s31 =	sor.u32 $0x20, s29;
	v2 =	vld [tilespmem:s29+$0x14000]  }
.LBB2_2:
0x45: {  	s0 =	sadd.s32 $0x4, s0;
	v3 =	vld [tilespmem:s29+$0x14010];
	s26 =	sadd.s32 $0x200, s26;
	s6 =	sor.u32 $0x30, s29  }
0x46: {  	s3 =	sshll.u32 s0, $0x4;
	s4 =	sand.u32 $0x1C00, s26;
	p0 =	slt.u32 s0, $0x3FC;
	v4 =	vld [tilespmem:s29+$0x14020]  }
0x47: {  	s28 =	sadd.s32 $0x40, s28;
	s5 =	sshll.u32 s0, $0x1;
	s3 =	sand.u32 $0x2000, s3;
	[tilespmem:s2+$0x0] =	vst.add.f32.msk $0xffff, v0  }
.Ltmp0:
0x48: {  	s2 =	sor.u32 s4, s3;
	s3 =	sand.u32 $0x380, s5;
	[tilespmem:s6+$0x0] =	vst.add.f32.msk $0xffff, v1;
	(pc) =	sbr.rel @p0 .LBB2_2-.Ltmp0, $4  }
0x49: {  	s4 =	sand.u32 $0x40, s28;
	s3 =	sor.u32 s3, s2;
	[tilespmem:s29+$0x0] =	vst.add.f32.msk $0xffff, v2;
	s2 =	smov.u32 s31  }
0x4a: {  	s29 =	sor.u32 s4, s3;
	[tilespmem:s30+$0x0] =	vst.add.f32.msk $0xffff, v3  }
0x4b: {  	s30 =	sor.u32 $0x10, s29;
	s31 =	sor.u32 $0x20, s29;
	v1 =	vld [tilespmem:s29+$0x14030];
	v0 =	vmov v4  }
0x4c: {  	v2 =	vld [tilespmem:s29+$0x14000]  }
0x4d: {  	v3 =	vld [tilespmem:s29+$0x14010]  }
0x4e: {  	v4 =	vld [tilespmem:s29+$0x14020]  }
0x4f: {  	s0 =	sor.u32 $0x30, s29;
	[tilespmem:s2+$0x0] =	vst.add.f32.msk $0xffff, v0  }
0x50: {  	[tilespmem:s0+$0x0] =	vst.add.f32.msk $0xffff, v1  }
0x51: {  	[tilespmem:s29+$0x0] =	vst.add.f32.msk $0xffff, v2  }
0x52: {  	[tilespmem:s30+$0x0] =	vst.add.f32.msk $0xffff, v3  }
0x53: {  	[tilespmem:s31+$0x0] =	vst.add.f32.msk $0xffff, v4  }
0x54: {  	s2 =	sld [smem:$0x7F8];
	_ =	sdelay $0x1  }
0x55: {  	s26 =	simm.s32 $0x0  }
0x56: {  	[hbm4b:s2+s26] =	stream.linear.scatter [tilespmem:s26], [sflag:$0x6], $0x4000, $0x38;
	[tilespmem:$0x1C000] =	vst v63  }
0x57: {  	s4 =	simm.s32 $0x0;
	s3 =	rddreg [dreg:$0x8]  }
0x58: {  	[tilespmem:s15], [sflag:$0x4] =	stream.linear.gather [hbm4b:s3+s26], $0x4000, $0x38;
	[tilespmem:$0x1C000] =	vst v63  }
0x59: {  	s2 =	sand.u32 $0x2000, s4;
	s4 =	simm.s32 $0x0;
	s3 =	sand.u32 $0x1C00, s26  }
0x5a: {  	s5 =	sand.u32 $0x380, s4;
	_ =	swait.ge [sflag:s16], $0x4000;
	s2 =	sor.u32 s3, s2  }
0x5b: {  	s0 =	sand.u32 $0x40, s26;
	[sflag:s16] =	ssyncset.done $0x0;
	s2 =	sor.u32 s5, s2  }
0x5c: {  	[sflag:s16] =	ssyncadd.s32 $0xFFFFC000;
	s0 =	sor.u32 s0, s2  }
0x5d: {  	v1 =	vld [tilespmem:s0+$0x14030]  }
0x5e: {  	v2 =	vld [tilespmem:s0+$0x14000]  }
0x5f: {  	s26 =	simm.s32 $0x200;
	v3 =	vld [tilespmem:s0+$0x14010]  }
0x60: {  	s6 =	simm.s32 $0x40;
	s28 =	simm.s32 $0x40;
	s4 =	sand.u32 $0x1C00, s26  }
0x61: {  	s3 =	sand.u32 $0x2000, s6;
	s5 =	simm.s32 $0x8;
	v0 =	vld [tilespmem:s0+$0x14020];
	s6 =	sor.u32 $0x4030, s0  }
0x62: {  	s3 =	sor.u32 s4, s3;
	s4 =	sand.u32 $0x380, s5;
	s2 =	sor.u32 $0x4000, s0;
	[tilespmem:s6+$0x0] =	vst.add.f32.msk $0xffff, v1  }
0x63: {  	s5 =	sor.u32 $0x4010, s0;
	s3 =	sor.u32 s4, s3;
	s6 =	sand.u32 $0x40, s28;
	[tilespmem:s2+$0x0] =	vst.add.f32.msk $0xffff, v2  }
0x64: {  	[tilespmem:s5+$0x0] =	vst.add.f32.msk $0xffff, v3;
	s3 =	sor.u32 s6, s3  }
0x65: {  	s30 =	simm.s32 $0x4;
	s2 =	sor.u32 $0x4020, s0;
	v1 =	vld [tilespmem:s3+$0x14030]  }
0x66: {  	s31 =	sor.u32 $0x4000, s3;
	s29 =	sor.u32 $0x4010, s3;
	s0 =	sor.u32 $0x4020, s3;
	v2 =	vld [tilespmem:s3+$0x14000]  }
.LBB2_4:
0x67: {  	s30 =	sadd.s32 $0x4, s30;
	v3 =	vld [tilespmem:s3+$0x14010];
	s26 =	sadd.s32 $0x200, s26;
	s28 =	sadd.s32 $0x40, s28  }
0x68: {  	s4 =	sshll.u32 s30, $0x4;
	s5 =	sand.u32 $0x1C00, s26;
	p0 =	slt.u32 s30, $0x3FC;
	v4 =	vld [tilespmem:s3+$0x14020]  }
0x69: {  	s6 =	sshll.u32 s30, $0x1;
	s3 =	sor.u32 $0x4030, s3;
	s4 =	sand.u32 $0x2000, s4;
	[tilespmem:s2+$0x0] =	vst.add.f32.msk $0xffff, v0  }
.Ltmp1:
0x6a: {  	s2 =	sor.u32 s5, s4;
	s4 =	sand.u32 $0x380, s6;
	[tilespmem:s3+$0x0] =	vst.add.f32.msk $0xffff, v1;
	(pc) =	sbr.rel @p0 .LBB2_4-.Ltmp1, $4  }
0x6b: {  	s3 =	sand.u32 $0x40, s28;
	s4 =	sor.u32 s4, s2;
	[tilespmem:s31+$0x0] =	vst.add.f32.msk $0xffff, v2;
	s2 =	smov.u32 s0  }
0x6c: {  	s3 =	sor.u32 s3, s4;
	[tilespmem:s29+$0x0] =	vst.add.f32.msk $0xffff, v3  }
0x6d: {  	s31 =	sor.u32 $0x4000, s3;
	s29 =	sor.u32 $0x4010, s3;
	s0 =	sor.u32 $0x4020, s3;
	v1 =	vld [tilespmem:s3+$0x14030];
	v0 =	vmov v4  }
0x6e: {  	v2 =	vld [tilespmem:s3+$0x14000]  }
0x6f: {  	v3 =	vld [tilespmem:s3+$0x14010]  }
0x70: {  	v4 =	vld [tilespmem:s3+$0x14020]  }
0x71: {  	s4 =	sor.u32 $0x4030, s3;
	[tilespmem:s2+$0x0] =	vst.add.f32.msk $0xffff, v0  }
0x72: {  	[tilespmem:s4+$0x0] =	vst.add.f32.msk $0xffff, v1  }
0x73: {  	[tilespmem:s31+$0x0] =	vst.add.f32.msk $0xffff, v2  }
0x74: {  	[tilespmem:s29+$0x0] =	vst.add.f32.msk $0xffff, v3  }
0x75: {  	s6 =	simm.s32 $0x0;
	[tilespmem:s0+$0x0] =	vst.add.f32.msk $0xffff, v4  }
0x76: {  	s4 =	simm.s32 $0x0;
	s0 =	simm.s32 $0x0;
	s2 =	rddreg [dreg:$0x9]  }
0x77: {  	[hbm4b:s2+s0] =	stream.linear.scatter [tilespmem:s10], [sflag:$0x7], $0x4000, $0x38;
	[tilespmem:$0x1C000] =	vst v63  }
0x78: {  	s5 =	rddreg [dreg:$0xa];
	s26 =	sand.u32 $0x1C00, s0;
	s2 =	sand.u32 $0x2000, s6  }
0x79: {  	[tilespmem:s17], [sflag:$0x5] =	stream.linear.gather [hbm4b:s5+s0], $0x4000, $0x38;
	[tilespmem:$0x1C000] =	vst v63  }
0x7a: {  	s2 =	sor.u32 s26, s2;
	s5 =	sand.u32 $0x380, s4;
	_ =	swait.ge [sflag:s18], $0x4000  }
0x7b: {  	s0 =	sand.u32 $0x40, s0;
	s2 =	sor.u32 s5, s2;
	[sflag:s18] =	ssyncset.done $0x0  }
0x7c: {  	s0 =	sor.u32 s0, s2;
	[sflag:s18] =	ssyncadd.s32 $0xFFFFC000  }
0x7d: {  	v1 =	vld [tilespmem:s0+$0x14030]  }
0x7e: {  	v2 =	vld [tilespmem:s0+$0x14000]  }
0x7f: {  	s6 =	simm.s32 $0x40;
	v3 =	vld [tilespmem:s0+$0x14010]  }
0x80: {  	s28 =	simm.s32 $0x40;
	s26 =	simm.s32 $0x200;
	s3 =	sand.u32 $0x2000, s6  }
0x81: {  	s4 =	sand.u32 $0x1C00, s26;
	s5 =	simm.s32 $0x8;
	s6 =	sor.u32 $0x8030, s0;
	v0 =	vld [tilespmem:s0+$0x14020]  }
0x82: {  	s3 =	sor.u32 s4, s3;
	s4 =	sand.u32 $0x380, s5;
	s2 =	sor.u32 $0x8000, s0;
	[tilespmem:s6+$0x0] =	vst.add.f32.msk $0xffff, v1  }
0x83: {  	s5 =	sor.u32 $0x8010, s0;
	s3 =	sor.u32 s4, s3;
	s6 =	sand.u32 $0x40, s28;
	[tilespmem:s2+$0x0] =	vst.add.f32.msk $0xffff, v2  }
0x84: {  	[tilespmem:s5+$0x0] =	vst.add.f32.msk $0xffff, v3;
	s3 =	sor.u32 s6, s3  }
0x85: {  	s30 =	simm.s32 $0x4;
	s2 =	sor.u32 $0x8020, s0;
	v1 =	vld [tilespmem:s3+$0x14030]  }
0x86: {  	s31 =	sor.u32 $0x8000, s3;
	s29 =	sor.u32 $0x8010, s3;
	s0 =	sor.u32 $0x8020, s3;
	v2 =	vld [tilespmem:s3+$0x14000]  }
.LBB2_6:
0x87: {  	s30 =	sadd.s32 $0x4, s30;
	v3 =	vld [tilespmem:s3+$0x14010];
	s26 =	sadd.s32 $0x200, s26;
	s28 =	sadd.s32 $0x40, s28  }
0x88: {  	s4 =	sshll.u32 s30, $0x4;
	s5 =	sand.u32 $0x1C00, s26;
	p0 =	slt.u32 s30, $0x3FC;
	v4 =	vld [tilespmem:s3+$0x14020]  }
0x89: {  	s6 =	sshll.u32 s30, $0x1;
	s3 =	sor.u32 $0x8030, s3;
	s4 =	sand.u32 $0x2000, s4;
	[tilespmem:s2+$0x0] =	vst.add.f32.msk $0xffff, v0  }
.Ltmp2:
0x8a: {  	s2 =	sor.u32 s5, s4;
	s4 =	sand.u32 $0x380, s6;
	[tilespmem:s3+$0x0] =	vst.add.f32.msk $0xffff, v1;
	(pc) =	sbr.rel @p0 .LBB2_6-.Ltmp2, $4  }
0x8b: {  	s3 =	sand.u32 $0x40, s28;
	s4 =	sor.u32 s4, s2;
	[tilespmem:s31+$0x0] =	vst.add.f32.msk $0xffff, v2;
	s2 =	smov.u32 s0  }
0x8c: {  	s3 =	sor.u32 s3, s4;
	[tilespmem:s29+$0x0] =	vst.add.f32.msk $0xffff, v3  }
0x8d: {  	s31 =	sor.u32 $0x8000, s3;
	s29 =	sor.u32 $0x8010, s3;
	s0 =	sor.u32 $0x8020, s3;
	v1 =	vld [tilespmem:s3+$0x14030];
	v0 =	vmov v4  }
0x8e: {  	v2 =	vld [tilespmem:s3+$0x14000]  }
0x8f: {  	v3 =	vld [tilespmem:s3+$0x14010]  }
0x90: {  	v4 =	vld [tilespmem:s3+$0x14020]  }
0x91: {  	s4 =	sor.u32 $0x8030, s3;
	[tilespmem:s2+$0x0] =	vst.add.f32.msk $0xffff, v0  }
0x92: {  	[tilespmem:s4+$0x0] =	vst.add.f32.msk $0xffff, v1  }
0x93: {  	[tilespmem:s31+$0x0] =	vst.add.f32.msk $0xffff, v2  }
0x94: {  	[tilespmem:s29+$0x0] =	vst.add.f32.msk $0xffff, v3  }
0x95: {  	[tilespmem:s0+$0x0] =	vst.add.f32.msk $0xffff, v4  }
0x96: {  	s0 =	simm.s32 $0x0;
	s2 =	rddreg [dreg:$0xb]  }
0x97: {  	[hbm4b:s2+s0] =	stream.linear.scatter [tilespmem:s11], [sflag:$0x8], $0x4000, $0x38;
	[tilespmem:$0x1C000] =	vst v63  }
0x98: {  	s6 =	simm.s32 $0x0;
	_ =	swait.ge [sflag:s19], $0x4000  }
0x99: {  	s4 =	simm.s32 $0x0;
	s26 =	sand.u32 $0x1C00, s0;
	[sflag:s19] =	ssyncset.done $0x0  }
0x9a: {  	s2 =	sand.u32 $0x2000, s6;
	s5 =	rddreg [dreg:$0xc];
	[sflag:s19] =	ssyncadd.s32 $0xFFFFC000  }
0x9b: {  	[tilespmem:s0], [sflag:$0x1] =	stream.linear.gather [hbm4b:s5+s0], $0x4000, $0x38;
	[tilespmem:$0x1C000] =	vst v63  }
0x9c: {  	s2 =	sor.u32 s26, s2;
	s5 =	sand.u32 $0x380, s4;
	_ =	swait.ge [sflag:s20], $0x4000  }
0x9d: {  	s0 =	sand.u32 $0x40, s0;
	s2 =	sor.u32 s5, s2;
	[sflag:s20] =	ssyncset.done $0x0  }
0x9e: {  	s0 =	sor.u32 s0, s2;
	[sflag:s20] =	ssyncadd.s32 $0xFFFFC000  }
0x9f: {  	v1 =	vld [tilespmem:s0+$0x14030]  }
0xa0: {  	v2 =	vld [tilespmem:s0+$0x14000]  }
0xa1: {  	s6 =	simm.s32 $0x40;
	v3 =	vld [tilespmem:s0+$0x14010]  }
0xa2: {  	s28 =	simm.s32 $0x40;
	s26 =	simm.s32 $0x200;
	s3 =	sand.u32 $0x2000, s6  }
0xa3: {  	s4 =	sand.u32 $0x1C00, s26;
	s5 =	simm.s32 $0x8;
	s6 =	sor.u32 $0xC030, s0;
	v0 =	vld [tilespmem:s0+$0x14020]  }
0xa4: {  	s3 =	sor.u32 s4, s3;
	s4 =	sand.u32 $0x380, s5;
	s2 =	sor.u32 $0xC000, s0;
	[tilespmem:s6+$0x0] =	vst.add.f32.msk $0xffff, v1  }
0xa5: {  	s5 =	sor.u32 $0xC010, s0;
	s3 =	sor.u32 s4, s3;
	s6 =	sand.u32 $0x40, s28;
	[tilespmem:s2+$0x0] =	vst.add.f32.msk $0xffff, v2  }
0xa6: {  	[tilespmem:s5+$0x0] =	vst.add.f32.msk $0xffff, v3;
	s3 =	sor.u32 s6, s3  }
0xa7: {  	s30 =	simm.s32 $0x4;
	s2 =	sor.u32 $0xC020, s0;
	v1 =	vld [tilespmem:s3+$0x14030]  }
0xa8: {  	s31 =	sor.u32 $0xC000, s3;
	s29 =	sor.u32 $0xC010, s3;
	s0 =	sor.u32 $0xC020, s3;
	v2 =	vld [tilespmem:s3+$0x14000]  }
.LBB2_8:
0xa9: {  	s30 =	sadd.s32 $0x4, s30;
	v3 =	vld [tilespmem:s3+$0x14010];
	s26 =	sadd.s32 $0x200, s26;
	s28 =	sadd.s32 $0x40, s28  }
0xaa: {  	s4 =	sshll.u32 s30, $0x4;
	s5 =	sand.u32 $0x1C00, s26;
	p0 =	slt.u32 s30, $0x3FC;
	v4 =	vld [tilespmem:s3+$0x14020]  }
0xab: {  	s6 =	sshll.u32 s30, $0x1;
	s3 =	sor.u32 $0xC030, s3;
	s4 =	sand.u32 $0x2000, s4;
	[tilespmem:s2+$0x0] =	vst.add.f32.msk $0xffff, v0  }
.Ltmp3:
0xac: {  	s2 =	sor.u32 s5, s4;
	s4 =	sand.u32 $0x380, s6;
	[tilespmem:s3+$0x0] =	vst.add.f32.msk $0xffff, v1;
	(pc) =	sbr.rel @p0 .LBB2_8-.Ltmp3, $4  }
0xad: {  	s3 =	sand.u32 $0x40, s28;
	s4 =	sor.u32 s4, s2;
	[tilespmem:s31+$0x0] =	vst.add.f32.msk $0xffff, v2;
	s2 =	smov.u32 s0  }
0xae: {  	s3 =	sor.u32 s3, s4;
	[tilespmem:s29+$0x0] =	vst.add.f32.msk $0xffff, v3  }
0xaf: {  	s31 =	sor.u32 $0xC000, s3;
	s29 =	sor.u32 $0xC010, s3;
	s0 =	sor.u32 $0xC020, s3;
	v1 =	vld [tilespmem:s3+$0x14030];
	v0 =	vmov v4  }
0xb0: {  	v2 =	vld [tilespmem:s3+$0x14000]  }
0xb1: {  	v3 =	vld [tilespmem:s3+$0x14010]  }
0xb2: {  	v4 =	vld [tilespmem:s3+$0x14020]  }
0xb3: {  	s26 =	sor.u32 $0xC030, s3;
	[tilespmem:s2+$0x0] =	vst.add.f32.msk $0xffff, v0  }
0xb4: {  	[tilespmem:s26+$0x0] =	vst.add.f32.msk $0xffff, v1  }
0xb5: {  	[tilespmem:s31+$0x0] =	vst.add.f32.msk $0xffff, v2  }
0xb6: {  	[tilespmem:s29+$0x0] =	vst.add.f32.msk $0xffff, v3  }
0xb7: {  	[tilespmem:s0+$0x0] =	vst.add.f32.msk $0xffff, v4  }
0xb8: {  	s0 =	simm.s32 $0x0;
	s2 =	rddreg [dreg:$0xd]  }
0xb9: {  	[hbm4b:s2+s0] =	stream.linear.scatter [tilespmem:s15], [sflag:$0x9], $0x4000, $0x38;
	[tilespmem:$0x1C000] =	vst v63  }
0xba: {  	_ =	swait.ge [sflag:s21], $0x4000  }
0xbb: {  	[sflag:s21] =	ssyncset.done $0x0  }
0xbc: {  	s3 =	rddreg [dreg:$0xe];
	[sflag:s21] =	ssyncadd.s32 $0xFFFFC000  }
0xbd: {  	[tilespmem:s10], [sflag:$0x2] =	stream.linear.gather [hbm4b:s3+s0], $0x4000, $0x38;
	[tilespmem:$0x1C000] =	vst v63  }
0xbe: {  	_ =	swait.ge [sflag:s22], $0x4000  }
0xbf: {  	s5 =	simm.s32 $0x14000;
	[sflag:s22] =	ssyncset.done $0x0  }
0xc0: {  	s6 =	simm.s32 $0x0;
	s4 =	rddreg [dreg:$0xf];
	[sflag:s22] =	ssyncadd.s32 $0xFFFFC000  }
0xc1: {  	[tilespmem:s5], [sflag:$0xB] =	stream.linear.gather [hbm4b:s4+s0], $0x4000, $0x38;
	[tilespmem:$0x1C000] =	vst v63  }
0xc2: {  	s26 =	sand.u32 $0x1C00, s0;
	s2 =	sand.u32 $0x2000, s6;
	s4 =	simm.s32 $0x0  }
0xc3: {  	s2 =	sor.u32 s26, s2;
	_ =	swait.ge [sflag:s9], $0x4000;
	s5 =	sand.u32 $0x380, s4  }
0xc4: {  	s0 =	sand.u32 $0x40, s0;
	[sflag:s9] =	ssyncset.done $0x0;
	s2 =	sor.u32 s5, s2  }
0xc5: {  	[sflag:s9] =	ssyncadd.s32 $0xFFFFC000;
	s0 =	sor.u32 s0, s2  }
0xc6: {  	v1 =	vld [tilespmem:s0+$0x18030]  }
0xc7: {  	v2 =	vld [tilespmem:s0+$0x18000]  }
0xc8: {  	s6 =	simm.s32 $0x40;
	v3 =	vld [tilespmem:s0+$0x18010]  }
0xc9: {  	s28 =	simm.s32 $0x40;
	s26 =	simm.s32 $0x200;
	s3 =	sand.u32 $0x2000, s6  }
0xca: {  	s4 =	sand.u32 $0x1C00, s26;
	s5 =	simm.s32 $0x8;
	v0 =	vld [tilespmem:s0+$0x18020];
	s6 =	sor.u32 $0x10030, s0  }
0xcb: {  	s3 =	sor.u32 s4, s3;
	s4 =	sand.u32 $0x380, s5;
	s2 =	sor.u32 $0x10000, s0;
	[tilespmem:s6+$0x0] =	vst.add.f32.msk $0xffff, v1  }
0xcc: {  	s5 =	sor.u32 $0x10010, s0;
	s3 =	sor.u32 s4, s3;
	s6 =	sand.u32 $0x40, s28;
	[tilespmem:s2+$0x0] =	vst.add.f32.msk $0xffff, v2  }
0xcd: {  	[tilespmem:s5+$0x0] =	vst.add.f32.msk $0xffff, v3;
	s3 =	sor.u32 s6, s3  }
0xce: {  	s30 =	simm.s32 $0x4;
	s2 =	sor.u32 $0x10020, s0;
	v1 =	vld [tilespmem:s3+$0x18030]  }
0xcf: {  	s31 =	sor.u32 $0x10000, s3;
	s29 =	sor.u32 $0x10010, s3;
	s0 =	sor.u32 $0x10020, s3;
	v2 =	vld [tilespmem:s3+$0x18000]  }
.LBB2_10:
0xd0: {  	s30 =	sadd.s32 $0x4, s30;
	v3 =	vld [tilespmem:s3+$0x18010];
	s26 =	sadd.s32 $0x200, s26;
	s28 =	sadd.s32 $0x40, s28  }
0xd1: {  	s4 =	sshll.u32 s30, $0x4;
	s5 =	sand.u32 $0x1C00, s26;
	p0 =	slt.u32 s30, $0x3FC;
	v4 =	vld [tilespmem:s3+$0x18020]  }
0xd2: {  	s6 =	sshll.u32 s30, $0x1;
	s3 =	sor.u32 $0x10030, s3;
	s4 =	sand.u32 $0x2000, s4;
	[tilespmem:s2+$0x0] =	vst.add.f32.msk $0xffff, v0  }
.Ltmp4:
0xd3: {  	s2 =	sor.u32 s5, s4;
	s4 =	sand.u32 $0x380, s6;
	[tilespmem:s3+$0x0] =	vst.add.f32.msk $0xffff, v1;
	(pc) =	sbr.rel @p0 .LBB2_10-.Ltmp4, $4  }
0xd4: {  	s3 =	sand.u32 $0x40, s28;
	s4 =	sor.u32 s4, s2;
	[tilespmem:s31+$0x0] =	vst.add.f32.msk $0xffff, v2;
	s2 =	smov.u32 s0  }
0xd5: {  	s3 =	sor.u32 s3, s4;
	[tilespmem:s29+$0x0] =	vst.add.f32.msk $0xffff, v3  }
0xd6: {  	s31 =	sor.u32 $0x10000, s3;
	s29 =	sor.u32 $0x10010, s3;
	s0 =	sor.u32 $0x10020, s3;
	v1 =	vld [tilespmem:s3+$0x18030];
	v0 =	vmov v4  }
0xd7: {  	v2 =	vld [tilespmem:s3+$0x18000]  }
0xd8: {  	v3 =	vld [tilespmem:s3+$0x18010]  }
0xd9: {  	v4 =	vld [tilespmem:s3+$0x18020]  }
0xda: {  	s26 =	sor.u32 $0x10030, s3;
	[tilespmem:s2+$0x0] =	vst.add.f32.msk $0xffff, v0  }
0xdb: {  	[tilespmem:s26+$0x0] =	vst.add.f32.msk $0xffff, v1  }
0xdc: {  	[tilespmem:s31+$0x0] =	vst.add.f32.msk $0xffff, v2  }
0xdd: {  	[tilespmem:s29+$0x0] =	vst.add.f32.msk $0xffff, v3  }
0xde: {  	[tilespmem:s0+$0x0] =	vst.add.f32.msk $0xffff, v4  }
0xdf: {  	s0 =	simm.s32 $0x0;
	s2 =	rddreg [dreg:$0x10]  }
0xe0: {  	[hbm4b:s2+s0] =	stream.linear.scatter [tilespmem:s17], [sflag:$0xA], $0x4000, $0x38;
	[tilespmem:$0x1C000] =	vst v63  }
0xe1: {  	_ =	swait.ge [sflag:s23], $0x4000  }
0xe2: {  	[sflag:s23] =	ssyncset.done $0x0  }
0xe3: {  	s5 =	simm.s32 $0x0;
	s4 =	rddreg [dreg:$0x11];
	[sflag:s23] =	ssyncadd.s32 $0xFFFFC000  }
0xe4: {  	[tilespmem:s11], [sflag:$0x3] =	stream.linear.gather [hbm4b:s4+s0], $0x4000, $0x38;
	[tilespmem:$0x1C000] =	vst v63  }
0xe5: {  	s6 =	sand.u32 $0x1C00, s0;
	s2 =	sand.u32 $0x2000, s5;
	s4 =	simm.s32 $0x0  }
0xe6: {  	s2 =	sor.u32 s6, s2;
	_ =	swait.ge [sflag:s14], $0x4000;
	s26 =	sand.u32 $0x380, s4  }
0xe7: {  	s0 =	sand.u32 $0x40, s0;
	[sflag:s14] =	ssyncset.done $0x0;
	s2 =	sor.u32 s26, s2  }
0xe8: {  	[sflag:s14] =	ssyncadd.s32 $0xFFFFC000;
	s0 =	sor.u32 s0, s2  }
0xe9: {  	v1 =	vld [tilespmem:s0+$0x18030]  }
0xea: {  	v2 =	vld [tilespmem:s0+$0x18000]  }
0xeb: {  	v3 =	vld [tilespmem:s0+$0x18010]  }
0xec: {  	s3 =	simm.s32 $0x40;
	s6 =	simm.s32 $0x8;
	s26 =	simm.s32 $0x200  }
0xed: {  	s4 =	sand.u32 $0x1C00, s26;
	s2 =	sand.u32 $0x2000, s3;
	v0 =	vld [tilespmem:s0+$0x18020];
	s5 =	sor.u32 $0x30, s0  }
0xee: {  	s28 =	simm.s32 $0x40;
	s3 =	sand.u32 $0x380, s6;
	s2 =	sor.u32 s4, s2;
	[tilespmem:s5+$0x0] =	vst.add.f32.msk $0xffff, v1  }
0xef: {  	s6 =	sand.u32 $0x40, s28;
	s4 =	sor.u32 $0x10, s0;
	s2 =	sor.u32 s3, s2;
	[tilespmem:s0+$0x0] =	vst.add.f32.msk $0xffff, v2  }
0xf0: {  	s29 =	sor.u32 s6, s2;
	[tilespmem:s4+$0x0] =	vst.add.f32.msk $0xffff, v3  }
0xf1: {  	s31 =	simm.s32 $0x4;
	v1 =	vld [tilespmem:s29+$0x18030]  }
0xf2: {  	s2 =	sor.u32 $0x20, s0;
	s30 =	sor.u32 $0x10, s29;
	s0 =	sor.u32 $0x20, s29;
	v2 =	vld [tilespmem:s29+$0x18000]  }
.LBB2_12:
0xf3: {  	s31 =	sadd.s32 $0x4, s31;
	v3 =	vld [tilespmem:s29+$0x18010];
	s26 =	sadd.s32 $0x200, s26;
	s6 =	sor.u32 $0x30, s29  }
0xf4: {  	s3 =	sshll.u32 s31, $0x4;
	s4 =	sand.u32 $0x1C00, s26;
	p0 =	slt.u32 s31, $0x3FC;
	v4 =	vld [tilespmem:s29+$0x18020]  }
0xf5: {  	s28 =	sadd.s32 $0x40, s28;
	s5 =	sshll.u32 s31, $0x1;
	s3 =	sand.u32 $0x2000, s3;
	[tilespmem:s2+$0x0] =	vst.add.f32.msk $0xffff, v0  }
.Ltmp5:
0xf6: {  	s2 =	sor.u32 s4, s3;
	s3 =	sand.u32 $0x380, s5;
	[tilespmem:s6+$0x0] =	vst.add.f32.msk $0xffff, v1;
	(pc) =	sbr.rel @p0 .LBB2_12-.Ltmp5, $4  }
0xf7: {  	s4 =	sand.u32 $0x40, s28;
	s3 =	sor.u32 s3, s2;
	[tilespmem:s29+$0x0] =	vst.add.f32.msk $0xffff, v2;
	s2 =	smov.u32 s0  }
0xf8: {  	s29 =	sor.u32 s4, s3;
	[tilespmem:s30+$0x0] =	vst.add.f32.msk $0xffff, v3  }
0xf9: {  	s30 =	sor.u32 $0x10, s29;
	s0 =	sor.u32 $0x20, s29;
	v1 =	vld [tilespmem:s29+$0x18030];
	v0 =	vmov v4  }
0xfa: {  	v2 =	vld [tilespmem:s29+$0x18000]  }
0xfb: {  	v3 =	vld [tilespmem:s29+$0x18010]  }
0xfc: {  	v4 =	vld [tilespmem:s29+$0x18020]  }
0xfd: {  	s3 =	sor.u32 $0x30, s29;
	[tilespmem:s2+$0x0] =	vst.add.f32.msk $0xffff, v0  }
0xfe: {  	[tilespmem:s3+$0x0] =	vst.add.f32.msk $0xffff, v1  }
0xff: {  	[tilespmem:s29+$0x0] =	vst.add.f32.msk $0xffff, v2  }
0x100: {  	[tilespmem:s30+$0x0] =	vst.add.f32.msk $0xffff, v3  }
0x101: {  	[tilespmem:s0+$0x0] =	vst.add.f32.msk $0xffff, v4  }
0x102: {  	s0 =	simm.s32 $0x0;
	s2 =	rddreg [dreg:$0x12]  }
0x103: {  	[hbm4b:s2+s0] =	stream.linear.scatter [tilespmem:s0], [sflag:$0x6], $0x4000, $0x38;
	[tilespmem:$0x1C000] =	vst v63  }
0x104: {  	s6 =	simm.s32 $0x0;
	_ =	swait.ge [sflag:s24], $0x4000  }
0x105: {  	s4 =	simm.s32 $0x0;
	s26 =	sand.u32 $0x1C00, s0;
	[sflag:s24] =	ssyncset.done $0x0  }
0x106: {  	s2 =	sand.u32 $0x2000, s6;
	s5 =	rddreg [dreg:$0x16];
	[sflag:s24] =	ssyncadd.s32 $0xFFFFC000  }
0x107: {  	[tilespmem:s15], [sflag:$0x4] =	stream.linear.gather [hbm4b:s5+s0], $0x4000, $0x38;
	[tilespmem:$0x1C000] =	vst v63  }
0x108: {  	s2 =	sor.u32 s26, s2;
	s5 =	sand.u32 $0x380, s4;
	_ =	swait.ge [sflag:s16], $0x4000  }
0x109: {  	s0 =	sand.u32 $0x40, s0;
	s2 =	sor.u32 s5, s2;
	[sflag:s16] =	ssyncset.done $0x0  }
0x10a: {  	s0 =	sor.u32 s0, s2;
	[sflag:s16] =	ssyncadd.s32 $0xFFFFC000  }
0x10b: {  	v1 =	vld [tilespmem:s0+$0x18030]  }
0x10c: {  	v2 =	vld [tilespmem:s0+$0x18000]  }
0x10d: {  	s6 =	simm.s32 $0x40;
	v3 =	vld [tilespmem:s0+$0x18010]  }
0x10e: {  	s28 =	simm.s32 $0x40;
	s26 =	simm.s32 $0x200;
	s3 =	sand.u32 $0x2000, s6  }
0x10f: {  	s4 =	sand.u32 $0x1C00, s26;
	s5 =	simm.s32 $0x8;
	s6 =	sor.u32 $0x4030, s0;
	v0 =	vld [tilespmem:s0+$0x18020]  }
0x110: {  	s3 =	sor.u32 s4, s3;
	s4 =	sand.u32 $0x380, s5;
	s2 =	sor.u32 $0x4000, s0;
	[tilespmem:s6+$0x0] =	vst.add.f32.msk $0xffff, v1  }
0x111: {  	s5 =	sor.u32 $0x4010, s0;
	s3 =	sor.u32 s4, s3;
	s6 =	sand.u32 $0x40, s28;
	[tilespmem:s2+$0x0] =	vst.add.f32.msk $0xffff, v2  }
0x112: {  	[tilespmem:s5+$0x0] =	vst.add.f32.msk $0xffff, v3;
	s3 =	sor.u32 s6, s3  }
0x113: {  	s30 =	simm.s32 $0x4;
	s2 =	sor.u32 $0x4020, s0;
	v1 =	vld [tilespmem:s3+$0x18030]  }
0x114: {  	s31 =	sor.u32 $0x4000, s3;
	s29 =	sor.u32 $0x4010, s3;
	s0 =	sor.u32 $0x4020, s3;
	v2 =	vld [tilespmem:s3+$0x18000]  }
.LBB2_14:
0x115: {  	s30 =	sadd.s32 $0x4, s30;
	v3 =	vld [tilespmem:s3+$0x18010];
	s26 =	sadd.s32 $0x200, s26;
	s28 =	sadd.s32 $0x40, s28  }
0x116: {  	s4 =	sshll.u32 s30, $0x4;
	s5 =	sand.u32 $0x1C00, s26;
	p0 =	slt.u32 s30, $0x3FC;
	v4 =	vld [tilespmem:s3+$0x18020]  }
0x117: {  	s6 =	sshll.u32 s30, $0x1;
	s3 =	sor.u32 $0x4030, s3;
	s4 =	sand.u32 $0x2000, s4;
	[tilespmem:s2+$0x0] =	vst.add.f32.msk $0xffff, v0  }
.Ltmp6:
0x118: {  	s2 =	sor.u32 s5, s4;
	s4 =	sand.u32 $0x380, s6;
	[tilespmem:s3+$0x0] =	vst.add.f32.msk $0xffff, v1;
	(pc) =	sbr.rel @p0 .LBB2_14-.Ltmp6, $4  }
0x119: {  	s3 =	sand.u32 $0x40, s28;
	s4 =	sor.u32 s4, s2;
	[tilespmem:s31+$0x0] =	vst.add.f32.msk $0xffff, v2;
	s2 =	smov.u32 s0  }
0x11a: {  	s3 =	sor.u32 s3, s4;
	[tilespmem:s29+$0x0] =	vst.add.f32.msk $0xffff, v3  }
0x11b: {  	s31 =	sor.u32 $0x4000, s3;
	s29 =	sor.u32 $0x4010, s3;
	s0 =	sor.u32 $0x4020, s3;
	v1 =	vld [tilespmem:s3+$0x18030];
	v0 =	vmov v4  }
0x11c: {  	v2 =	vld [tilespmem:s3+$0x18000]  }
0x11d: {  	v3 =	vld [tilespmem:s3+$0x18010]  }
0x11e: {  	v4 =	vld [tilespmem:s3+$0x18020]  }
0x11f: {  	s4 =	sor.u32 $0x4030, s3;
	[tilespmem:s2+$0x0] =	vst.add.f32.msk $0xffff, v0  }
0x120: {  	[tilespmem:s4+$0x0] =	vst.add.f32.msk $0xffff, v1  }
0x121: {  	[tilespmem:s31+$0x0] =	vst.add.f32.msk $0xffff, v2  }
0x122: {  	[tilespmem:s29+$0x0] =	vst.add.f32.msk $0xffff, v3  }
0x123: {  	[tilespmem:s0+$0x0] =	vst.add.f32.msk $0xffff, v4  }
0x124: {  	s0 =	simm.s32 $0x0;
	s2 =	rddreg [dreg:$0x13]  }
0x125: {  	[hbm4b:s2+s0] =	stream.linear.scatter [tilespmem:s10], [sflag:$0x7], $0x4000, $0x38;
	[tilespmem:$0x1C000] =	vst v63  }
0x126: {  	s6 =	simm.s32 $0x0;
	_ =	swait.ge [sflag:s13], $0x4000  }
0x127: {  	s4 =	simm.s32 $0x0;
	s26 =	sand.u32 $0x1C00, s0;
	[sflag:s13] =	ssyncset.done $0x0  }
0x128: {  	s2 =	sand.u32 $0x2000, s6;
	s5 =	rddreg [dreg:$0x18];
	[sflag:s13] =	ssyncadd.s32 $0xFFFFC000  }
0x129: {  	[tilespmem:s17], [sflag:$0x5] =	stream.linear.gather [hbm4b:s5+s0], $0x4000, $0x38;
	[tilespmem:$0x1C000] =	vst v63  }
0x12a: {  	s2 =	sor.u32 s26, s2;
	s5 =	sand.u32 $0x380, s4;
	_ =	swait.ge [sflag:s18], $0x4000  }
0x12b: {  	s0 =	sand.u32 $0x40, s0;
	s2 =	sor.u32 s5, s2;
	[sflag:s18] =	ssyncset.done $0x0  }
0x12c: {  	s0 =	sor.u32 s0, s2;
	[sflag:s18] =	ssyncadd.s32 $0xFFFFC000  }
0x12d: {  	v1 =	vld [tilespmem:s0+$0x18030]  }
0x12e: {  	v2 =	vld [tilespmem:s0+$0x18000]  }
0x12f: {  	s6 =	simm.s32 $0x40;
	v3 =	vld [tilespmem:s0+$0x18010]  }
0x130: {  	s28 =	simm.s32 $0x40;
	s26 =	simm.s32 $0x200;
	s3 =	sand.u32 $0x2000, s6  }
0x131: {  	s4 =	sand.u32 $0x1C00, s26;
	s5 =	simm.s32 $0x8;
	s6 =	sor.u32 $0x8030, s0;
	v0 =	vld [tilespmem:s0+$0x18020]  }
0x132: {  	s3 =	sor.u32 s4, s3;
	s4 =	sand.u32 $0x380, s5;
	s2 =	sor.u32 $0x8000, s0;
	[tilespmem:s6+$0x0] =	vst.add.f32.msk $0xffff, v1  }
0x133: {  	s5 =	sor.u32 $0x8010, s0;
	s3 =	sor.u32 s4, s3;
	s6 =	sand.u32 $0x40, s28;
	[tilespmem:s2+$0x0] =	vst.add.f32.msk $0xffff, v2  }
0x134: {  	[tilespmem:s5+$0x0] =	vst.add.f32.msk $0xffff, v3;
	s3 =	sor.u32 s6, s3  }
0x135: {  	s30 =	simm.s32 $0x4;
	s2 =	sor.u32 $0x8020, s0;
	v1 =	vld [tilespmem:s3+$0x18030]  }
0x136: {  	s31 =	sor.u32 $0x8000, s3;
	s29 =	sor.u32 $0x8010, s3;
	s0 =	sor.u32 $0x8020, s3;
	v2 =	vld [tilespmem:s3+$0x18000]  }
.LBB2_16:
0x137: {  	s30 =	sadd.s32 $0x4, s30;
	v3 =	vld [tilespmem:s3+$0x18010];
	s26 =	sadd.s32 $0x200, s26;
	s28 =	sadd.s32 $0x40, s28  }
0x138: {  	s4 =	sshll.u32 s30, $0x4;
	s5 =	sand.u32 $0x1C00, s26;
	p0 =	slt.u32 s30, $0x3FC;
	v4 =	vld [tilespmem:s3+$0x18020]  }
0x139: {  	s6 =	sshll.u32 s30, $0x1;
	s3 =	sor.u32 $0x8030, s3;
	s4 =	sand.u32 $0x2000, s4;
	[tilespmem:s2+$0x0] =	vst.add.f32.msk $0xffff, v0  }
.Ltmp7:
0x13a: {  	s2 =	sor.u32 s5, s4;
	s4 =	sand.u32 $0x380, s6;
	[tilespmem:s3+$0x0] =	vst.add.f32.msk $0xffff, v1;
	(pc) =	sbr.rel @p0 .LBB2_16-.Ltmp7, $4  }
0x13b: {  	s3 =	sand.u32 $0x40, s28;
	s4 =	sor.u32 s4, s2;
	[tilespmem:s31+$0x0] =	vst.add.f32.msk $0xffff, v2;
	s2 =	smov.u32 s0  }
0x13c: {  	s3 =	sor.u32 s3, s4;
	[tilespmem:s29+$0x0] =	vst.add.f32.msk $0xffff, v3  }
0x13d: {  	s31 =	sor.u32 $0x8000, s3;
	s29 =	sor.u32 $0x8010, s3;
	s0 =	sor.u32 $0x8020, s3;
	v1 =	vld [tilespmem:s3+$0x18030];
	v0 =	vmov v4  }
0x13e: {  	v2 =	vld [tilespmem:s3+$0x18000]  }
0x13f: {  	v3 =	vld [tilespmem:s3+$0x18010]  }
0x140: {  	v4 =	vld [tilespmem:s3+$0x18020]  }
0x141: {  	s26 =	sor.u32 $0x8030, s3;
	[tilespmem:s2+$0x0] =	vst.add.f32.msk $0xffff, v0  }
0x142: {  	[tilespmem:s26+$0x0] =	vst.add.f32.msk $0xffff, v1  }
0x143: {  	[tilespmem:s31+$0x0] =	vst.add.f32.msk $0xffff, v2  }
0x144: {  	[tilespmem:s29+$0x0] =	vst.add.f32.msk $0xffff, v3  }
0x145: {  	[tilespmem:s0+$0x0] =	vst.add.f32.msk $0xffff, v4  }
0x146: {  	s0 =	simm.s32 $0x0;
	s2 =	rddreg [dreg:$0x14]  }
0x147: {  	[hbm4b:s2+s0] =	stream.linear.scatter [tilespmem:s11], [sflag:$0x8], $0x4000, $0x38;
	[tilespmem:$0x1C000] =	vst v63  }
0x148: {  	_ =	swait.ge [sflag:s19], $0x4000  }
0x149: {  	[sflag:s19] =	ssyncset.done $0x0  }
0x14a: {  	s3 =	rddreg [dreg:$0x1a];
	[sflag:s19] =	ssyncadd.s32 $0xFFFFC000  }
0x14b: {  	[tilespmem:s0], [sflag:$0x1] =	stream.linear.gather [hbm4b:s3+s0], $0x4000, $0x38;
	[tilespmem:$0x1C000] =	vst v63  }
0x14c: {  	_ =	swait.ge [sflag:s12], $0x4000  }
0x14d: {  	s5 =	simm.s32 $0x18000;
	[sflag:s12] =	ssyncset.done $0x0  }
0x14e: {  	s6 =	simm.s32 $0x0;
	s4 =	rddreg [dreg:$0x15];
	[sflag:s12] =	ssyncadd.s32 $0xFFFFC000  }
0x14f: {  	[tilespmem:s5], [sflag:$0xC] =	stream.linear.gather [hbm4b:s4+s0], $0x4000, $0x38;
	[tilespmem:$0x1C000] =	vst v63  }
0x150: {  	s26 =	sand.u32 $0x1C00, s0;
	s2 =	sand.u32 $0x2000, s6;
	s4 =	simm.s32 $0x0  }
0x151: {  	s2 =	sor.u32 s26, s2;
	_ =	swait.ge [sflag:s20], $0x4000;
	s5 =	sand.u32 $0x380, s4  }
0x152: {  	s0 =	sand.u32 $0x40, s0;
	[sflag:s20] =	ssyncset.done $0x0;
	s2 =	sor.u32 s5, s2  }
0x153: {  	[sflag:s20] =	ssyncadd.s32 $0xFFFFC000;
	s0 =	sor.u32 s0, s2  }
0x154: {  	v1 =	vld [tilespmem:s0+$0x14030]  }
0x155: {  	v2 =	vld [tilespmem:s0+$0x14000]  }
0x156: {  	s6 =	simm.s32 $0x40;
	v3 =	vld [tilespmem:s0+$0x14010]  }
0x157: {  	s28 =	simm.s32 $0x40;
	s26 =	simm.s32 $0x200;
	s3 =	sand.u32 $0x2000, s6  }
0x158: {  	s4 =	sand.u32 $0x1C00, s26;
	s5 =	simm.s32 $0x8;
	v0 =	vld [tilespmem:s0+$0x14020];
	s6 =	sor.u32 $0xC030, s0  }
0x159: {  	s3 =	sor.u32 s4, s3;
	s4 =	sand.u32 $0x380, s5;
	s2 =	sor.u32 $0xC000, s0;
	[tilespmem:s6+$0x0] =	vst.add.f32.msk $0xffff, v1  }
0x15a: {  	s5 =	sor.u32 $0xC010, s0;
	s3 =	sor.u32 s4, s3;
	s6 =	sand.u32 $0x40, s28;
	[tilespmem:s2+$0x0] =	vst.add.f32.msk $0xffff, v2  }
0x15b: {  	[tilespmem:s5+$0x0] =	vst.add.f32.msk $0xffff, v3;
	s3 =	sor.u32 s6, s3  }
0x15c: {  	s30 =	simm.s32 $0x4;
	s2 =	sor.u32 $0xC020, s0;
	v1 =	vld [tilespmem:s3+$0x14030]  }
0x15d: {  	s31 =	sor.u32 $0xC000, s3;
	s29 =	sor.u32 $0xC010, s3;
	s0 =	sor.u32 $0xC020, s3;
	v2 =	vld [tilespmem:s3+$0x14000]  }
.LBB2_18:
0x15e: {  	s30 =	sadd.s32 $0x4, s30;
	v3 =	vld [tilespmem:s3+$0x14010];
	s26 =	sadd.s32 $0x200, s26;
	s28 =	sadd.s32 $0x40, s28  }
0x15f: {  	s4 =	sshll.u32 s30, $0x4;
	s5 =	sand.u32 $0x1C00, s26;
	p0 =	slt.u32 s30, $0x3FC;
	v4 =	vld [tilespmem:s3+$0x14020]  }
0x160: {  	s6 =	sshll.u32 s30, $0x1;
	s3 =	sor.u32 $0xC030, s3;
	s4 =	sand.u32 $0x2000, s4;
	[tilespmem:s2+$0x0] =	vst.add.f32.msk $0xffff, v0  }
.Ltmp8:
0x161: {  	s2 =	sor.u32 s5, s4;
	s4 =	sand.u32 $0x380, s6;
	[tilespmem:s3+$0x0] =	vst.add.f32.msk $0xffff, v1;
	(pc) =	sbr.rel @p0 .LBB2_18-.Ltmp8, $4  }
0x162: {  	s3 =	sand.u32 $0x40, s28;
	s4 =	sor.u32 s4, s2;
	[tilespmem:s31+$0x0] =	vst.add.f32.msk $0xffff, v2;
	s2 =	smov.u32 s0  }
0x163: {  	s3 =	sor.u32 s3, s4;
	[tilespmem:s29+$0x0] =	vst.add.f32.msk $0xffff, v3  }
0x164: {  	s31 =	sor.u32 $0xC000, s3;
	s29 =	sor.u32 $0xC010, s3;
	s0 =	sor.u32 $0xC020, s3;
	v1 =	vld [tilespmem:s3+$0x14030];
	v0 =	vmov v4  }
0x165: {  	v2 =	vld [tilespmem:s3+$0x14000]  }
0x166: {  	v3 =	vld [tilespmem:s3+$0x14010]  }
0x167: {  	v4 =	vld [tilespmem:s3+$0x14020]  }
0x168: {  	s4 =	sor.u32 $0xC030, s3;
	[tilespmem:s2+$0x0] =	vst.add.f32.msk $0xffff, v0  }
0x169: {  	[tilespmem:s4+$0x0] =	vst.add.f32.msk $0xffff, v1  }
0x16a: {  	[tilespmem:s31+$0x0] =	vst.add.f32.msk $0xffff, v2  }
0x16b: {  	[tilespmem:s29+$0x0] =	vst.add.f32.msk $0xffff, v3  }
0x16c: {  	[tilespmem:s0+$0x0] =	vst.add.f32.msk $0xffff, v4  }
0x16d: {  	s0 =	simm.s32 $0x0;
	s2 =	rddreg [dreg:$0x17]  }
0x16e: {  	[hbm4b:s2+s0] =	stream.linear.scatter [tilespmem:s15], [sflag:$0x9], $0x4000, $0x38;
	[tilespmem:$0x1C000] =	vst v63  }
0x16f: {  	s6 =	simm.s32 $0x0;
	_ =	swait.ge [sflag:s21], $0x4000  }
0x170: {  	s4 =	simm.s32 $0x0;
	s26 =	sand.u32 $0x1C00, s0;
	[sflag:s21] =	ssyncset.done $0x0  }
0x171: {  	s2 =	sand.u32 $0x2000, s6;
	s5 =	rddreg [dreg:$0x1c];
	[sflag:s21] =	ssyncadd.s32 $0xFFFFC000  }
0x172: {  	[tilespmem:s10], [sflag:$0x2] =	stream.linear.gather [hbm4b:s5+s0], $0x4000, $0x38;
	[tilespmem:$0x1C000] =	vst v63  }
0x173: {  	s2 =	sor.u32 s26, s2;
	s5 =	sand.u32 $0x380, s4;
	_ =	swait.ge [sflag:s9], $0x4000  }
0x174: {  	s0 =	sand.u32 $0x40, s0;
	s2 =	sor.u32 s5, s2;
	[sflag:s9] =	ssyncset.done $0x0  }
0x175: {  	s0 =	sor.u32 s0, s2;
	[sflag:s9] =	ssyncadd.s32 $0xFFFFC000  }
0x176: {  	v1 =	vld [tilespmem:s0+$0x14030]  }
0x177: {  	v2 =	vld [tilespmem:s0+$0x14000]  }
0x178: {  	s6 =	simm.s32 $0x40;
	v3 =	vld [tilespmem:s0+$0x14010]  }
0x179: {  	s28 =	simm.s32 $0x40;
	s26 =	simm.s32 $0x200;
	s3 =	sand.u32 $0x2000, s6  }
0x17a: {  	s4 =	sand.u32 $0x1C00, s26;
	s5 =	simm.s32 $0x8;
	s6 =	sor.u32 $0x10030, s0;
	v0 =	vld [tilespmem:s0+$0x14020]  }
0x17b: {  	s3 =	sor.u32 s4, s3;
	s4 =	sand.u32 $0x380, s5;
	s2 =	sor.u32 $0x10000, s0;
	[tilespmem:s6+$0x0] =	vst.add.f32.msk $0xffff, v1  }
0x17c: {  	s5 =	sor.u32 $0x10010, s0;
	s3 =	sor.u32 s4, s3;
	s6 =	sand.u32 $0x40, s28;
	[tilespmem:s2+$0x0] =	vst.add.f32.msk $0xffff, v2  }
0x17d: {  	[tilespmem:s5+$0x0] =	vst.add.f32.msk $0xffff, v3;
	s3 =	sor.u32 s6, s3  }
0x17e: {  	s30 =	simm.s32 $0x4;
	s2 =	sor.u32 $0x10020, s0;
	v1 =	vld [tilespmem:s3+$0x14030]  }
0x17f: {  	s31 =	sor.u32 $0x10000, s3;
	s29 =	sor.u32 $0x10010, s3;
	s0 =	sor.u32 $0x10020, s3;
	v2 =	vld [tilespmem:s3+$0x14000]  }
.LBB2_20:
0x180: {  	s30 =	sadd.s32 $0x4, s30;
	v3 =	vld [tilespmem:s3+$0x14010];
	s26 =	sadd.s32 $0x200, s26;
	s28 =	sadd.s32 $0x40, s28  }
0x181: {  	s4 =	sshll.u32 s30, $0x4;
	s5 =	sand.u32 $0x1C00, s26;
	p0 =	slt.u32 s30, $0x3FC;
	v4 =	vld [tilespmem:s3+$0x14020]  }
0x182: {  	s6 =	sshll.u32 s30, $0x1;
	s3 =	sor.u32 $0x10030, s3;
	s4 =	sand.u32 $0x2000, s4;
	[tilespmem:s2+$0x0] =	vst.add.f32.msk $0xffff, v0  }
.Ltmp9:
0x183: {  	s2 =	sor.u32 s5, s4;
	s4 =	sand.u32 $0x380, s6;
	[tilespmem:s3+$0x0] =	vst.add.f32.msk $0xffff, v1;
	(pc) =	sbr.rel @p0 .LBB2_20-.Ltmp9, $4  }
0x184: {  	s3 =	sand.u32 $0x40, s28;
	s4 =	sor.u32 s4, s2;
	[tilespmem:s31+$0x0] =	vst.add.f32.msk $0xffff, v2;
	s2 =	smov.u32 s0  }
0x185: {  	s3 =	sor.u32 s3, s4;
	[tilespmem:s29+$0x0] =	vst.add.f32.msk $0xffff, v3  }
0x186: {  	s31 =	sor.u32 $0x10000, s3;
	s29 =	sor.u32 $0x10010, s3;
	s0 =	sor.u32 $0x10020, s3;
	v1 =	vld [tilespmem:s3+$0x14030];
	v0 =	vmov v4  }
0x187: {  	v2 =	vld [tilespmem:s3+$0x14000]  }
0x188: {  	v3 =	vld [tilespmem:s3+$0x14010]  }
0x189: {  	v4 =	vld [tilespmem:s3+$0x14020]  }
0x18a: {  	s26 =	sor.u32 $0x10030, s3;
	[tilespmem:s2+$0x0] =	vst.add.f32.msk $0xffff, v0  }
0x18b: {  	[tilespmem:s26+$0x0] =	vst.add.f32.msk $0xffff, v1  }
0x18c: {  	[tilespmem:s31+$0x0] =	vst.add.f32.msk $0xffff, v2  }
0x18d: {  	[tilespmem:s29+$0x0] =	vst.add.f32.msk $0xffff, v3  }
0x18e: {  	[tilespmem:s0+$0x0] =	vst.add.f32.msk $0xffff, v4  }
0x18f: {  	s0 =	simm.s32 $0x0;
	s2 =	rddreg [dreg:$0x19]  }
0x190: {  	[hbm4b:s2+s0] =	stream.linear.scatter [tilespmem:s17], [sflag:$0xA], $0x4000, $0x38;
	[tilespmem:$0x1C000] =	vst v63  }
0x191: {  	_ =	swait.ge [sflag:s23], $0x4000  }
0x192: {  	[sflag:s23] =	ssyncset.done $0x0  }
0x193: {  	s5 =	simm.s32 $0x0;
	s4 =	rddreg [dreg:$0x1e];
	[sflag:s23] =	ssyncadd.s32 $0xFFFFC000  }
0x194: {  	[tilespmem:s11], [sflag:$0x3] =	stream.linear.gather [hbm4b:s4+s0], $0x4000, $0x38;
	[tilespmem:$0x1C000] =	vst v63  }
0x195: {  	s6 =	sand.u32 $0x1C00, s0;
	s2 =	sand.u32 $0x2000, s5;
	s4 =	simm.s32 $0x0  }
0x196: {  	s2 =	sor.u32 s6, s2;
	_ =	swait.ge [sflag:s14], $0x4000;
	s26 =	sand.u32 $0x380, s4  }
0x197: {  	s0 =	sand.u32 $0x40, s0;
	[sflag:s14] =	ssyncset.done $0x0;
	s2 =	sor.u32 s26, s2  }
0x198: {  	[sflag:s14] =	ssyncadd.s32 $0xFFFFC000;
	s0 =	sor.u32 s0, s2  }
0x199: {  	v1 =	vld [tilespmem:s0+$0x14030]  }
0x19a: {  	v2 =	vld [tilespmem:s0+$0x14000]  }
0x19b: {  	v3 =	vld [tilespmem:s0+$0x14010]  }
0x19c: {  	s3 =	simm.s32 $0x40;
	s6 =	simm.s32 $0x8;
	s26 =	simm.s32 $0x200  }
0x19d: {  	s4 =	sand.u32 $0x1C00, s26;
	s2 =	sand.u32 $0x2000, s3;
	v0 =	vld [tilespmem:s0+$0x14020];
	s5 =	sor.u32 $0x30, s0  }
0x19e: {  	s28 =	simm.s32 $0x40;
	s3 =	sand.u32 $0x380, s6;
	s2 =	sor.u32 s4, s2;
	[tilespmem:s5+$0x0] =	vst.add.f32.msk $0xffff, v1  }
0x19f: {  	s6 =	sand.u32 $0x40, s28;
	s4 =	sor.u32 $0x10, s0;
	s2 =	sor.u32 s3, s2;
	[tilespmem:s0+$0x0] =	vst.add.f32.msk $0xffff, v2  }
0x1a0: {  	s29 =	sor.u32 s6, s2;
	[tilespmem:s4+$0x0] =	vst.add.f32.msk $0xffff, v3  }
0x1a1: {  	s31 =	simm.s32 $0x4;
	v1 =	vld [tilespmem:s29+$0x14030]  }
0x1a2: {  	s2 =	sor.u32 $0x20, s0;
	s30 =	sor.u32 $0x10, s29;
	s0 =	sor.u32 $0x20, s29;
	v2 =	vld [tilespmem:s29+$0x14000]  }
.LBB2_22:
0x1a3: {  	s31 =	sadd.s32 $0x4, s31;
	v3 =	vld [tilespmem:s29+$0x14010];
	s26 =	sadd.s32 $0x200, s26;
	s6 =	sor.u32 $0x30, s29  }
0x1a4: {  	s3 =	sshll.u32 s31, $0x4;
	s4 =	sand.u32 $0x1C00, s26;
	p0 =	slt.u32 s31, $0x3FC;
	v4 =	vld [tilespmem:s29+$0x14020]  }
0x1a5: {  	s28 =	sadd.s32 $0x40, s28;
	s5 =	sshll.u32 s31, $0x1;
	s3 =	sand.u32 $0x2000, s3;
	[tilespmem:s2+$0x0] =	vst.add.f32.msk $0xffff, v0  }
.Ltmp10:
0x1a6: {  	s2 =	sor.u32 s4, s3;
	s3 =	sand.u32 $0x380, s5;
	[tilespmem:s6+$0x0] =	vst.add.f32.msk $0xffff, v1;
	(pc) =	sbr.rel @p0 .LBB2_22-.Ltmp10, $4  }
0x1a7: {  	s4 =	sand.u32 $0x40, s28;
	s3 =	sor.u32 s3, s2;
	[tilespmem:s29+$0x0] =	vst.add.f32.msk $0xffff, v2;
	s2 =	smov.u32 s0  }
0x1a8: {  	s29 =	sor.u32 s4, s3;
	[tilespmem:s30+$0x0] =	vst.add.f32.msk $0xffff, v3  }
0x1a9: {  	s30 =	sor.u32 $0x10, s29;
	s0 =	sor.u32 $0x20, s29;
	v1 =	vld [tilespmem:s29+$0x14030];
	v0 =	vmov v4  }
0x1aa: {  	v2 =	vld [tilespmem:s29+$0x14000]  }
0x1ab: {  	v3 =	vld [tilespmem:s29+$0x14010]  }
0x1ac: {  	v4 =	vld [tilespmem:s29+$0x14020]  }
0x1ad: {  	s3 =	sor.u32 $0x30, s29;
	[tilespmem:s2+$0x0] =	vst.add.f32.msk $0xffff, v0  }
0x1ae: {  	[tilespmem:s3+$0x0] =	vst.add.f32.msk $0xffff, v1  }
0x1af: {  	[tilespmem:s29+$0x0] =	vst.add.f32.msk $0xffff, v2  }
0x1b0: {  	[tilespmem:s30+$0x0] =	vst.add.f32.msk $0xffff, v3  }
0x1b1: {  	[tilespmem:s0+$0x0] =	vst.add.f32.msk $0xffff, v4  }
0x1b2: {  	s0 =	simm.s32 $0x0;
	s2 =	rddreg [dreg:$0x1b]  }
0x1b3: {  	[hbm4b:s2+s0] =	stream.linear.scatter [tilespmem:s0], [sflag:$0x6], $0x4000, $0x38;
	[tilespmem:$0x1C000] =	vst v63  }
0x1b4: {  	_ =	swait.ge [sflag:s24], $0x4000  }
0x1b5: {  	s5 =	sld [smem:$0x7F9]  }
0x1b6: {  	s6 =	simm.s32 $0x0;
	s4 =	simm.s32 $0x0;
	[sflag:s24] =	ssyncset.done $0x0  }
0x1b7: {  	s26 =	sand.u32 $0x1C00, s0;
	s2 =	sand.u32 $0x2000, s6;
	[sflag:s24] =	ssyncadd.s32 $0xFFFFC000  }
0x1b8: {  	[tilespmem:s15], [sflag:$0x4] =	stream.linear.gather [hbm4b:s5+s0], $0x4000, $0x38;
	[tilespmem:$0x1C000] =	vst v63  }
0x1b9: {  	s2 =	sor.u32 s26, s2;
	s5 =	sand.u32 $0x380, s4;
	_ =	swait.ge [sflag:s16], $0x4000  }
0x1ba: {  	s0 =	sand.u32 $0x40, s0;
	s2 =	sor.u32 s5, s2;
	[sflag:s16] =	ssyncset.done $0x0  }
0x1bb: {  	s0 =	sor.u32 s0, s2;
	[sflag:s16] =	ssyncadd.s32 $0xFFFFC000  }
0x1bc: {  	v1 =	vld [tilespmem:s0+$0x14030]  }
0x1bd: {  	v2 =	vld [tilespmem:s0+$0x14000]  }
0x1be: {  	s6 =	simm.s32 $0x40;
	v3 =	vld [tilespmem:s0+$0x14010]  }
0x1bf: {  	s28 =	simm.s32 $0x40;
	s26 =	simm.s32 $0x200;
	s3 =	sand.u32 $0x2000, s6  }
0x1c0: {  	s4 =	sand.u32 $0x1C00, s26;
	s5 =	simm.s32 $0x8;
	s6 =	sor.u32 $0x4030, s0;
	v0 =	vld [tilespmem:s0+$0x14020]  }
0x1c1: {  	s3 =	sor.u32 s4, s3;
	s4 =	sand.u32 $0x380, s5;
	s2 =	sor.u32 $0x4000, s0;
	[tilespmem:s6+$0x0] =	vst.add.f32.msk $0xffff, v1  }
0x1c2: {  	s5 =	sor.u32 $0x4010, s0;
	s3 =	sor.u32 s4, s3;
	s6 =	sand.u32 $0x40, s28;
	[tilespmem:s2+$0x0] =	vst.add.f32.msk $0xffff, v2  }
0x1c3: {  	[tilespmem:s5+$0x0] =	vst.add.f32.msk $0xffff, v3;
	s3 =	sor.u32 s6, s3  }
0x1c4: {  	s30 =	simm.s32 $0x4;
	s2 =	sor.u32 $0x4020, s0;
	v1 =	vld [tilespmem:s3+$0x14030]  }
0x1c5: {  	s31 =	sor.u32 $0x4000, s3;
	s29 =	sor.u32 $0x4010, s3;
	s0 =	sor.u32 $0x4020, s3;
	v2 =	vld [tilespmem:s3+$0x14000]  }
.LBB2_24:
0x1c6: {  	s30 =	sadd.s32 $0x4, s30;
	v3 =	vld [tilespmem:s3+$0x14010];
	s26 =	sadd.s32 $0x200, s26;
	s28 =	sadd.s32 $0x40, s28  }
0x1c7: {  	s4 =	sshll.u32 s30, $0x4;
	s5 =	sand.u32 $0x1C00, s26;
	p0 =	slt.u32 s30, $0x3FC;
	v4 =	vld [tilespmem:s3+$0x14020]  }
0x1c8: {  	s6 =	sshll.u32 s30, $0x1;
	s3 =	sor.u32 $0x4030, s3;
	s4 =	sand.u32 $0x2000, s4;
	[tilespmem:s2+$0x0] =	vst.add.f32.msk $0xffff, v0  }
.Ltmp11:
0x1c9: {  	s2 =	sor.u32 s5, s4;
	s4 =	sand.u32 $0x380, s6;
	[tilespmem:s3+$0x0] =	vst.add.f32.msk $0xffff, v1;
	(pc) =	sbr.rel @p0 .LBB2_24-.Ltmp11, $4  }
0x1ca: {  	s3 =	sand.u32 $0x40, s28;
	s4 =	sor.u32 s4, s2;
	[tilespmem:s31+$0x0] =	vst.add.f32.msk $0xffff, v2;
	s2 =	smov.u32 s0  }
0x1cb: {  	s3 =	sor.u32 s3, s4;
	[tilespmem:s29+$0x0] =	vst.add.f32.msk $0xffff, v3  }
0x1cc: {  	s31 =	sor.u32 $0x4000, s3;
	s29 =	sor.u32 $0x4010, s3;
	s0 =	sor.u32 $0x4020, s3;
	v1 =	vld [tilespmem:s3+$0x14030];
	v0 =	vmov v4  }
0x1cd: {  	v2 =	vld [tilespmem:s3+$0x14000]  }
0x1ce: {  	v3 =	vld [tilespmem:s3+$0x14010]  }
0x1cf: {  	v4 =	vld [tilespmem:s3+$0x14020]  }
0x1d0: {  	s4 =	sor.u32 $0x4030, s3;
	[tilespmem:s2+$0x0] =	vst.add.f32.msk $0xffff, v0  }
0x1d1: {  	[tilespmem:s4+$0x0] =	vst.add.f32.msk $0xffff, v1  }
0x1d2: {  	[tilespmem:s31+$0x0] =	vst.add.f32.msk $0xffff, v2  }
0x1d3: {  	[tilespmem:s29+$0x0] =	vst.add.f32.msk $0xffff, v3  }
0x1d4: {  	[tilespmem:s0+$0x0] =	vst.add.f32.msk $0xffff, v4  }
0x1d5: {  	s0 =	simm.s32 $0x0;
	s2 =	rddreg [dreg:$0x1d]  }
0x1d6: {  	[hbm4b:s2+s0] =	stream.linear.scatter [tilespmem:s10], [sflag:$0x7], $0x4000, $0x38;
	[tilespmem:$0x1C000] =	vst v63  }
0x1d7: {  	_ =	swait.ge [sflag:s13], $0x4000  }
0x1d8: {  	s5 =	sld [smem:$0x7FA]  }
0x1d9: {  	[sflag:s13] =	ssyncset.done $0x0  }
0x1da: {  	[sflag:s13] =	ssyncadd.s32 $0xFFFFC000  }
0x1db: {  	[tilespmem:s17], [sflag:$0x5] =	stream.linear.gather [hbm4b:s5+s0], $0x4000, $0x38;
	[tilespmem:$0x1C000] =	vst v63  }
0x1dc: {  	_ =	swait.ge [sflag:s22], $0x4000  }
0x1dd: {  	s6 =	simm.s32 $0x0;
	s4 =	simm.s32 $0x0;
	[sflag:s22] =	ssyncset.done $0x0  }
0x1de: {  	s26 =	sand.u32 $0x1C00, s0;
	s2 =	sand.u32 $0x2000, s6;
	[sflag:s22] =	ssyncadd.s32 $0xFFFFC000  }
0x1df: {  	s2 =	sor.u32 s26, s2;
	s5 =	sand.u32 $0x380, s4;
	_ =	swait.ge [sflag:s18], $0x4000  }
0x1e0: {  	s0 =	sand.u32 $0x40, s0;
	s2 =	sor.u32 s5, s2;
	[sflag:s18] =	ssyncset.done $0x0  }
0x1e1: {  	s0 =	sor.u32 s0, s2;
	[sflag:s18] =	ssyncadd.s32 $0xFFFFC000  }
0x1e2: {  	v1 =	vld [tilespmem:s0+$0x18030]  }
0x1e3: {  	v2 =	vld [tilespmem:s0+$0x18000]  }
0x1e4: {  	s6 =	simm.s32 $0x40;
	v3 =	vld [tilespmem:s0+$0x18010]  }
0x1e5: {  	s28 =	simm.s32 $0x40;
	s26 =	simm.s32 $0x200;
	s3 =	sand.u32 $0x2000, s6  }
0x1e6: {  	s4 =	sand.u32 $0x1C00, s26;
	s5 =	simm.s32 $0x8;
	s6 =	sor.u32 $0x8030, s0;
	v0 =	vld [tilespmem:s0+$0x18020]  }
0x1e7: {  	s3 =	sor.u32 s4, s3;
	s4 =	sand.u32 $0x380, s5;
	s2 =	sor.u32 $0x8000, s0;
	[tilespmem:s6+$0x0] =	vst.add.f32.msk $0xffff, v1  }
0x1e8: {  	s5 =	sor.u32 $0x8010, s0;
	s3 =	sor.u32 s4, s3;
	s6 =	sand.u32 $0x40, s28;
	[tilespmem:s2+$0x0] =	vst.add.f32.msk $0xffff, v2  }
0x1e9: {  	[tilespmem:s5+$0x0] =	vst.add.f32.msk $0xffff, v3;
	s3 =	sor.u32 s6, s3  }
0x1ea: {  	s30 =	simm.s32 $0x4;
	s2 =	sor.u32 $0x8020, s0;
	v1 =	vld [tilespmem:s3+$0x18030]  }
0x1eb: {  	s31 =	sor.u32 $0x8000, s3;
	s29 =	sor.u32 $0x8010, s3;
	s0 =	sor.u32 $0x8020, s3;
	v2 =	vld [tilespmem:s3+$0x18000]  }
.LBB2_26:
0x1ec: {  	s30 =	sadd.s32 $0x4, s30;
	v3 =	vld [tilespmem:s3+$0x18010];
	s26 =	sadd.s32 $0x200, s26;
	s28 =	sadd.s32 $0x40, s28  }
0x1ed: {  	s4 =	sshll.u32 s30, $0x4;
	s5 =	sand.u32 $0x1C00, s26;
	p0 =	slt.u32 s30, $0x3FC;
	v4 =	vld [tilespmem:s3+$0x18020]  }
0x1ee: {  	s6 =	sshll.u32 s30, $0x1;
	s3 =	sor.u32 $0x8030, s3;
	s4 =	sand.u32 $0x2000, s4;
	[tilespmem:s2+$0x0] =	vst.add.f32.msk $0xffff, v0  }
.Ltmp12:
0x1ef: {  	s2 =	sor.u32 s5, s4;
	s4 =	sand.u32 $0x380, s6;
	[tilespmem:s3+$0x0] =	vst.add.f32.msk $0xffff, v1;
	(pc) =	sbr.rel @p0 .LBB2_26-.Ltmp12, $4  }
0x1f0: {  	s3 =	sand.u32 $0x40, s28;
	s4 =	sor.u32 s4, s2;
	[tilespmem:s31+$0x0] =	vst.add.f32.msk $0xffff, v2;
	s2 =	smov.u32 s0  }
0x1f1: {  	s3 =	sor.u32 s3, s4;
	[tilespmem:s29+$0x0] =	vst.add.f32.msk $0xffff, v3  }
0x1f2: {  	s31 =	sor.u32 $0x8000, s3;
	s29 =	sor.u32 $0x8010, s3;
	s0 =	sor.u32 $0x8020, s3;
	v1 =	vld [tilespmem:s3+$0x18030];
	v0 =	vmov v4  }
0x1f3: {  	v2 =	vld [tilespmem:s3+$0x18000]  }
0x1f4: {  	v3 =	vld [tilespmem:s3+$0x18010]  }
0x1f5: {  	v4 =	vld [tilespmem:s3+$0x18020]  }
0x1f6: {  	s4 =	sor.u32 $0x8030, s3;
	[tilespmem:s2+$0x0] =	vst.add.f32.msk $0xffff, v0  }
0x1f7: {  	[tilespmem:s4+$0x0] =	vst.add.f32.msk $0xffff, v1  }
0x1f8: {  	[tilespmem:s31+$0x0] =	vst.add.f32.msk $0xffff, v2  }
0x1f9: {  	[tilespmem:s29+$0x0] =	vst.add.f32.msk $0xffff, v3  }
0x1fa: {  	[tilespmem:s0+$0x0] =	vst.add.f32.msk $0xffff, v4  }
0x1fb: {  	s0 =	simm.s32 $0x0;
	s2 =	rddreg [dreg:$0x1f]  }
0x1fc: {  	[hbm4b:s2+s0] =	stream.linear.scatter [tilespmem:s11], [sflag:$0x8], $0x4000, $0x38;
	[tilespmem:$0x1C000] =	vst v63  }
0x1fd: {  	_ =	swait.ge [sflag:s19], $0x4000  }
0x1fe: {  	s5 =	sld [smem:$0x7FB]  }
0x1ff: {  	s6 =	simm.s32 $0x0;
	s4 =	simm.s32 $0x0;
	[sflag:s19] =	ssyncset.done $0x0  }
0x200: {  	s26 =	sand.u32 $0x1C00, s0;
	s2 =	sand.u32 $0x2000, s6;
	[sflag:s19] =	ssyncadd.s32 $0xFFFFC000  }
0x201: {  	[tilespmem:s0], [sflag:$0x1] =	stream.linear.gather [hbm4b:s5+s0], $0x4000, $0x38;
	[tilespmem:$0x1C000] =	vst v63  }
0x202: {  	s2 =	sor.u32 s26, s2;
	s5 =	sand.u32 $0x380, s4;
	_ =	swait.ge [sflag:s20], $0x4000  }
0x203: {  	s0 =	sand.u32 $0x40, s0;
	s2 =	sor.u32 s5, s2;
	[sflag:s20] =	ssyncset.done $0x0  }
0x204: {  	s0 =	sor.u32 s0, s2;
	[sflag:s20] =	ssyncadd.s32 $0xFFFFC000  }
0x205: {  	v1 =	vld [tilespmem:s0+$0x18030]  }
0x206: {  	v2 =	vld [tilespmem:s0+$0x18000]  }
0x207: {  	s6 =	simm.s32 $0x40;
	v3 =	vld [tilespmem:s0+$0x18010]  }
0x208: {  	s28 =	simm.s32 $0x40;
	s26 =	simm.s32 $0x200;
	s3 =	sand.u32 $0x2000, s6  }
0x209: {  	s4 =	sand.u32 $0x1C00, s26;
	s5 =	simm.s32 $0x8;
	s6 =	sor.u32 $0xC030, s0;
	v0 =	vld [tilespmem:s0+$0x18020]  }
0x20a: {  	s3 =	sor.u32 s4, s3;
	s4 =	sand.u32 $0x380, s5;
	s2 =	sor.u32 $0xC000, s0;
	[tilespmem:s6+$0x0] =	vst.add.f32.msk $0xffff, v1  }
0x20b: {  	s5 =	sor.u32 $0xC010, s0;
	s3 =	sor.u32 s4, s3;
	s6 =	sand.u32 $0x40, s28;
	[tilespmem:s2+$0x0] =	vst.add.f32.msk $0xffff, v2  }
0x20c: {  	[tilespmem:s5+$0x0] =	vst.add.f32.msk $0xffff, v3;
	s3 =	sor.u32 s6, s3  }
0x20d: {  	s30 =	simm.s32 $0x4;
	s2 =	sor.u32 $0xC020, s0;
	v1 =	vld [tilespmem:s3+$0x18030]  }
0x20e: {  	s31 =	sor.u32 $0xC000, s3;
	s29 =	sor.u32 $0xC010, s3;
	s0 =	sor.u32 $0xC020, s3;
	v2 =	vld [tilespmem:s3+$0x18000]  }
.LBB2_28:
0x20f: {  	s30 =	sadd.s32 $0x4, s30;
	v3 =	vld [tilespmem:s3+$0x18010];
	s26 =	sadd.s32 $0x200, s26;
	s28 =	sadd.s32 $0x40, s28  }
0x210: {  	s4 =	sshll.u32 s30, $0x4;
	s5 =	sand.u32 $0x1C00, s26;
	p0 =	slt.u32 s30, $0x3FC;
	v4 =	vld [tilespmem:s3+$0x18020]  }
0x211: {  	s6 =	sshll.u32 s30, $0x1;
	s3 =	sor.u32 $0xC030, s3;
	s4 =	sand.u32 $0x2000, s4;
	[tilespmem:s2+$0x0] =	vst.add.f32.msk $0xffff, v0  }
.Ltmp13:
0x212: {  	s2 =	sor.u32 s5, s4;
	s4 =	sand.u32 $0x380, s6;
	[tilespmem:s3+$0x0] =	vst.add.f32.msk $0xffff, v1;
	(pc) =	sbr.rel @p0 .LBB2_28-.Ltmp13, $4  }
0x213: {  	s3 =	sand.u32 $0x40, s28;
	s4 =	sor.u32 s4, s2;
	[tilespmem:s31+$0x0] =	vst.add.f32.msk $0xffff, v2;
	s2 =	smov.u32 s0  }
0x214: {  	s3 =	sor.u32 s3, s4;
	[tilespmem:s29+$0x0] =	vst.add.f32.msk $0xffff, v3  }
0x215: {  	s31 =	sor.u32 $0xC000, s3;
	s29 =	sor.u32 $0xC010, s3;
	s0 =	sor.u32 $0xC020, s3;
	v1 =	vld [tilespmem:s3+$0x18030];
	v0 =	vmov v4  }
0x216: {  	v2 =	vld [tilespmem:s3+$0x18000]  }
0x217: {  	v3 =	vld [tilespmem:s3+$0x18010]  }
0x218: {  	v4 =	vld [tilespmem:s3+$0x18020]  }
0x219: {  	s5 =	sor.u32 $0xC030, s3;
	[tilespmem:s2+$0x0] =	vst.add.f32.msk $0xffff, v0  }
0x21a: {  	[tilespmem:s5+$0x0] =	vst.add.f32.msk $0xffff, v1  }
0x21b: {  	[tilespmem:s31+$0x0] =	vst.add.f32.msk $0xffff, v2  }
0x21c: {  	[tilespmem:s29+$0x0] =	vst.add.f32.msk $0xffff, v3  }
0x21d: {  	[tilespmem:s0+$0x0] =	vst.add.f32.msk $0xffff, v4  }
0x21e: {  	s2 =	sld [smem:$0x7FC];
	_ =	sdelay $0x1  }
0x21f: {  	s6 =	simm.s32 $0x0;
	s0 =	simm.s32 $0x0  }
0x220: {  	[hbm4b:s2+s0] =	stream.linear.scatter [tilespmem:s15], [sflag:$0x9], $0x4000, $0x38;
	[tilespmem:$0x1C000] =	vst v63  }
0x221: {  	s4 =	simm.s32 $0x0;
	s26 =	sand.u32 $0x1C00, s0;
	s2 =	sand.u32 $0x2000, s6  }
0x222: {  	s5 =	sand.u32 $0x380, s4;
	_ =	swait.ge [sflag:s9], $0x4000;
	s2 =	sor.u32 s26, s2  }
0x223: {  	s0 =	sand.u32 $0x40, s0;
	[sflag:s9] =	ssyncset.done $0x0;
	s2 =	sor.u32 s5, s2  }
0x224: {  	[sflag:s9] =	ssyncadd.s32 $0xFFFFC000;
	s0 =	sor.u32 s0, s2  }
0x225: {  	v1 =	vld [tilespmem:s0+$0x18030]  }
0x226: {  	v2 =	vld [tilespmem:s0+$0x18000]  }
0x227: {  	s6 =	simm.s32 $0x40;
	v3 =	vld [tilespmem:s0+$0x18010]  }
0x228: {  	s28 =	simm.s32 $0x40;
	s26 =	simm.s32 $0x200;
	s3 =	sand.u32 $0x2000, s6  }
0x229: {  	s4 =	sand.u32 $0x1C00, s26;
	s5 =	simm.s32 $0x8;
	v0 =	vld [tilespmem:s0+$0x18020];
	s6 =	sor.u32 $0x10030, s0  }
0x22a: {  	s3 =	sor.u32 s4, s3;
	s4 =	sand.u32 $0x380, s5;
	s2 =	sor.u32 $0x10000, s0;
	[tilespmem:s6+$0x0] =	vst.add.f32.msk $0xffff, v1  }
0x22b: {  	s5 =	sor.u32 $0x10010, s0;
	s3 =	sor.u32 s4, s3;
	s6 =	sand.u32 $0x40, s28;
	[tilespmem:s2+$0x0] =	vst.add.f32.msk $0xffff, v2  }
0x22c: {  	[tilespmem:s5+$0x0] =	vst.add.f32.msk $0xffff, v3;
	s3 =	sor.u32 s6, s3  }
0x22d: {  	s30 =	simm.s32 $0x4;
	s2 =	sor.u32 $0x10020, s0;
	v1 =	vld [tilespmem:s3+$0x18030]  }
0x22e: {  	s31 =	sor.u32 $0x10000, s3;
	s29 =	sor.u32 $0x10010, s3;
	s0 =	sor.u32 $0x10020, s3;
	v2 =	vld [tilespmem:s3+$0x18000]  }
.LBB2_30:
0x22f: {  	s30 =	sadd.s32 $0x4, s30;
	v3 =	vld [tilespmem:s3+$0x18010];
	s26 =	sadd.s32 $0x200, s26;
	s28 =	sadd.s32 $0x40, s28  }
0x230: {  	s4 =	sshll.u32 s30, $0x4;
	s5 =	sand.u32 $0x1C00, s26;
	p0 =	slt.u32 s30, $0x3FC;
	v4 =	vld [tilespmem:s3+$0x18020]  }
0x231: {  	s6 =	sshll.u32 s30, $0x1;
	s3 =	sor.u32 $0x10030, s3;
	s4 =	sand.u32 $0x2000, s4;
	[tilespmem:s2+$0x0] =	vst.add.f32.msk $0xffff, v0  }
.Ltmp14:
0x232: {  	s2 =	sor.u32 s5, s4;
	s4 =	sand.u32 $0x380, s6;
	[tilespmem:s3+$0x0] =	vst.add.f32.msk $0xffff, v1;
	(pc) =	sbr.rel @p0 .LBB2_30-.Ltmp14, $4  }
0x233: {  	s3 =	sand.u32 $0x40, s28;
	s4 =	sor.u32 s4, s2;
	[tilespmem:s31+$0x0] =	vst.add.f32.msk $0xffff, v2;
	s2 =	smov.u32 s0  }
0x234: {  	s3 =	sor.u32 s3, s4;
	[tilespmem:s29+$0x0] =	vst.add.f32.msk $0xffff, v3  }
0x235: {  	s31 =	sor.u32 $0x10000, s3;
	s29 =	sor.u32 $0x10010, s3;
	s0 =	sor.u32 $0x10020, s3;
	v1 =	vld [tilespmem:s3+$0x18030];
	v0 =	vmov v4  }
0x236: {  	v2 =	vld [tilespmem:s3+$0x18000]  }
0x237: {  	v3 =	vld [tilespmem:s3+$0x18010]  }
0x238: {  	v4 =	vld [tilespmem:s3+$0x18020]  }
0x239: {  	s4 =	sor.u32 $0x10030, s3;
	[tilespmem:s2+$0x0] =	vst.add.f32.msk $0xffff, v0  }
0x23a: {  	[tilespmem:s4+$0x0] =	vst.add.f32.msk $0xffff, v1  }
0x23b: {  	[tilespmem:s31+$0x0] =	vst.add.f32.msk $0xffff, v2  }
0x23c: {  	[tilespmem:s29+$0x0] =	vst.add.f32.msk $0xffff, v3  }
0x23d: {  	[tilespmem:s0+$0x0] =	vst.add.f32.msk $0xffff, v4  }
0x23e: {  	s2 =	sld [smem:$0x7FD];
	_ =	sdelay $0x1  }
0x23f: {  	s5 =	simm.s32 $0x0;
	s0 =	simm.s32 $0x0  }
0x240: {  	[hbm4b:s2+s0] =	stream.linear.scatter [tilespmem:s17], [sflag:$0xA], $0x4000, $0x38;
	[tilespmem:$0x1C000] =	vst v63  }
0x241: {  	s4 =	simm.s32 $0x0;
	s6 =	sand.u32 $0x1C00, s0;
	s2 =	sand.u32 $0x2000, s5  }
0x242: {  	s26 =	sand.u32 $0x380, s4;
	_ =	swait.ge [sflag:s14], $0x4000;
	s2 =	sor.u32 s6, s2  }
0x243: {  	s0 =	sand.u32 $0x40, s0;
	[sflag:s14] =	ssyncset.done $0x0;
	s2 =	sor.u32 s26, s2  }
0x244: {  	[sflag:s14] =	ssyncadd.s32 $0xFFFFC000;
	s0 =	sor.u32 s0, s2  }
0x245: {  	v1 =	vld [tilespmem:s0+$0x18030]  }
0x246: {  	v2 =	vld [tilespmem:s0+$0x18000]  }
0x247: {  	v3 =	vld [tilespmem:s0+$0x18010]  }
0x248: {  	s3 =	simm.s32 $0x40;
	s6 =	simm.s32 $0x8;
	s26 =	simm.s32 $0x200  }
0x249: {  	s4 =	sand.u32 $0x1C00, s26;
	s2 =	sand.u32 $0x2000, s3;
	v0 =	vld [tilespmem:s0+$0x18020];
	s5 =	sor.u32 $0x30, s0  }
0x24a: {  	s28 =	simm.s32 $0x40;
	s3 =	sand.u32 $0x380, s6;
	s2 =	sor.u32 s4, s2;
	[tilespmem:s5+$0x0] =	vst.add.f32.msk $0xffff, v1  }
0x24b: {  	s6 =	sand.u32 $0x40, s28;
	s4 =	sor.u32 $0x10, s0;
	s2 =	sor.u32 s3, s2;
	[tilespmem:s0+$0x0] =	vst.add.f32.msk $0xffff, v2  }
0x24c: {  	s29 =	sor.u32 s6, s2;
	[tilespmem:s4+$0x0] =	vst.add.f32.msk $0xffff, v3  }
0x24d: {  	s31 =	simm.s32 $0x4;
	v1 =	vld [tilespmem:s29+$0x18030]  }
0x24e: {  	s2 =	sor.u32 $0x20, s0;
	s30 =	sor.u32 $0x10, s29;
	s0 =	sor.u32 $0x20, s29;
	v2 =	vld [tilespmem:s29+$0x18000]  }
.LBB2_32:
0x24f: {  	s31 =	sadd.s32 $0x4, s31;
	v3 =	vld [tilespmem:s29+$0x18010];
	s26 =	sadd.s32 $0x200, s26;
	s6 =	sor.u32 $0x30, s29  }
0x250: {  	s3 =	sshll.u32 s31, $0x4;
	s4 =	sand.u32 $0x1C00, s26;
	p0 =	slt.u32 s31, $0x3FC;
	v4 =	vld [tilespmem:s29+$0x18020]  }
0x251: {  	s28 =	sadd.s32 $0x40, s28;
	s5 =	sshll.u32 s31, $0x1;
	s3 =	sand.u32 $0x2000, s3;
	[tilespmem:s2+$0x0] =	vst.add.f32.msk $0xffff, v0  }
.Ltmp15:
0x252: {  	s2 =	sor.u32 s4, s3;
	s3 =	sand.u32 $0x380, s5;
	[tilespmem:s6+$0x0] =	vst.add.f32.msk $0xffff, v1;
	(pc) =	sbr.rel @p0 .LBB2_32-.Ltmp15, $4  }
0x253: {  	s4 =	sand.u32 $0x40, s28;
	s3 =	sor.u32 s3, s2;
	[tilespmem:s29+$0x0] =	vst.add.f32.msk $0xffff, v2;
	s2 =	smov.u32 s0  }
0x254: {  	s29 =	sor.u32 s4, s3;
	[tilespmem:s30+$0x0] =	vst.add.f32.msk $0xffff, v3  }
0x255: {  	s30 =	sor.u32 $0x10, s29;
	s0 =	sor.u32 $0x20, s29;
	v1 =	vld [tilespmem:s29+$0x18030];
	v0 =	vmov v4  }
0x256: {  	v2 =	vld [tilespmem:s29+$0x18000]  }
0x257: {  	v3 =	vld [tilespmem:s29+$0x18010]  }
0x258: {  	v4 =	vld [tilespmem:s29+$0x18020]  }
0x259: {  	s3 =	sor.u32 $0x30, s29;
	[tilespmem:s2+$0x0] =	vst.add.f32.msk $0xffff, v0  }
0x25a: {  	[tilespmem:s3+$0x0] =	vst.add.f32.msk $0xffff, v1  }
0x25b: {  	[tilespmem:s29+$0x0] =	vst.add.f32.msk $0xffff, v2  }
0x25c: {  	[tilespmem:s30+$0x0] =	vst.add.f32.msk $0xffff, v3  }
0x25d: {  	[tilespmem:s0+$0x0] =	vst.add.f32.msk $0xffff, v4  }
0x25e: {  	[hbm4b:s7+s1] =	stream.linear.scatter [tilespmem:s1], [sflag:$0x6], $0x4000, $0x38;
	[tilespmem:$0x1C000] =	vst v63  }
0x25f: {  	_ =	swait.ge [sflag:s21], $0x4000  }
0x260: {  	[sflag:s21] =	ssyncset.done $0x0  }
0x261: {  	[sflag:s21] =	ssyncadd.s32 $0xFFFFC000  }
0x262: {  	_ =	swait.ge [sflag:s23], $0x4000  }
0x263: {  	[sflag:s23] =	ssyncset.done $0x0  }
0x264: {  	[sflag:s23] =	ssyncadd.s32 $0xFFFFC000  }
0x265: {  	_ =	swait.ge [sflag:s24], $0x4000  }
0x266: {  	[sflag:s24] =	ssyncset.done $0x0  }
0x267: {  	s25 =	sadd.s32 $0x1, s25;
	[sflag:s24] =	ssyncadd.s32 $0xFFFFC000  }
0x268: {  	p0 =	sne.s32 s25, s8;
	_ =	swait.ge [sflag:s13], $0x4000  }
.Ltmp16:
0x269: {  	[sflag:s13] =	ssyncset.done $0x0;
	(pc) =	sbr.rel @p0 .LBB2_1-.Ltmp16, $4  }
0x26a: {  	[sflag:s13] =	ssyncadd.s32 $0xFFFFC000  }
0x26b: {  	_ =	swait.ge [sflag:s19], $0x4000  }
0x26c: {  	[sflag:s19] =	ssyncset.done $0x0  }
0x26d: {  	[sflag:s19] =	ssyncadd.s32 $0xFFFFC000  }
0x26e: {  	_ =	sfence.sel $0x180000  }
0x26f: {  	[bflag:$0x0] =	sbarrier.arrive $0xFFFF  }
0x270: {  	_ =	strace $0x90000047  }
0x271: {  	s0 =	stileid.u32;
	[bflag:$0x2] =	sbarrier.arrive $0xFFFF  }
0x272: {  	p0 =	sne.s32 s0, $0x0;
	s0 =	rddreg [dreg:$0x3]  }
0x273: {  	s0 =	sadd.s32 @!p0 $0x100000, s0  }
0x274: {  	[sflag:s0] =	ssyncadd.tile.s32 @!p0 $0x1;
	_ =	shalt  }
.Lfunc_end2:
_tile_overlayer_lowered:
.L_overlay_start_2:
0x275: {  	(tag) =	ssettag $0x2  }
0x276: {  	s0 =	rddreg [dreg:$0x0];
	s2 =	stileid.u32  }
0x277: {  	s1 =	rddreg [dreg:$0x1];
	p0 =	sne.s32 s2, $0x0  }
0x278: {  	s3 =	rddreg [dreg:$0x2];
	[bflag:$0x3] =	sbarrier.arrive $0xFFFF;
	s2 =	simm.s32 @!p0 $0x1C0D  }
0x279: {  	[timem:s3], [sflag:s2] =	dma.local @!p0 [hbm:s0], s1  }
0x27a: {  	s0 =	simm.s32 @!p0 $0xD  }
0x27b: {  	_ =	swait.ge @!p0 [sflag:s0], s1  }
0x27c: {  	s1 =	ssub.s32 @!p0 $0x0, s1;
	[sflag:s0] =	ssyncset.done @!p0 $0x0  }
0x27d: {  	[sflag:s0] =	ssyncadd.s32 @!p0 s1  }
0x27e: {  	[bflag:$0x3] =	sbarrier.arrive $0xFFFF  }
0x27f: {  	_ =	shalt  }

</sc_bundles>
